<compile_context>
chip_gen: v7x
topology: tpu7x:2x2x1
jax: 0.10.2.dev20260603
libtpu: 0.0.44.dev20260713+nightly
codegen_flags: <defaults>
</compile_context>

<pallas_src>
import jax
import jax.numpy as jnp
from jax import lax
from jax.experimental import pallas as pl
from jax.experimental.pallas import tpu as pltpu
from jax.experimental.pallas import tpu_sc as plsc

N = 10000
E = 320000
D = 128
NC = 2
NS = 16
NW = NC * NS
K = 128
NCHUNK = 80
NSTG = 2
CPST = NCHUNK // NSTG
EPAD = NW * NCHUNK * K
NT = N + 16
RPS = 632
NPAD = NS * RPS

_mesh = plsc.VectorSubcoreMesh(core_axis_name="c", subcore_axis_name="s")


def _deg_body(dst_hbm, deg_hbm, dst_v, ones_v, zbuf_v, acc_shared,
              sem0, sem1):
    cid = lax.axis_index("c")
    sid = lax.axis_index("s")
    wid = cid * NS + sid

    def _fill_ones(r, _):
        for cc in range(D // 16):
            ones_v[r, pl.ds(cc * 16, 16)] = jnp.ones((16,), jnp.float32)
        return 0

    lax.fori_loop(0, K, _fill_ones, 0)

    def _fill(r, _):
        for cc in range(D // 16):
            zbuf_v[r, pl.ds(cc * 16, 16)] = jnp.zeros((16,), jnp.float32)
        return 0

    lax.fori_loop(0, 40, _fill, 0)
    for i in range(15):
        pltpu.async_copy(zbuf_v, acc_shared.at[pl.ds(sid * RPS + i * 40, 40)],
                         sem1)
    pltpu.async_copy(zbuf_v.at[pl.ds(0, 32)],
                     acc_shared.at[pl.ds(sid * RPS + 600, 32)], sem1)
    pltpu.sync_copy(dst_hbm.at[wid], dst_v)
    for i in range(15):
        pltpu.make_async_copy(
            zbuf_v, acc_shared.at[pl.ds(sid * RPS + i * 40, 40)], sem1).wait()
    pltpu.make_async_copy(
        zbuf_v.at[pl.ds(0, 32)],
        acc_shared.at[pl.ds(sid * RPS + 600, 32)], sem1).wait()
    plsc.subcore_barrier()

    def _pair(i, _):
        j0 = 2 * i
        j1 = 2 * i + 1
        pltpu.async_copy(ones_v, acc_shared.at[dst_v.at[j0]], sem0, add=True)
        pltpu.async_copy(ones_v, acc_shared.at[dst_v.at[j1]], sem1, add=True)
        pltpu.make_async_copy(ones_v, acc_shared.at[dst_v.at[j0]], sem0).wait()
        pltpu.make_async_copy(ones_v, acc_shared.at[dst_v.at[j1]], sem1).wait()
        return 0

    lax.fori_loop(0, NCHUNK // 2, _pair, 0)
    plsc.subcore_barrier()
    pltpu.sync_copy(acc_shared.at[pl.ds(sid * RPS, RPS)],
                    deg_hbm.at[cid, pl.ds(sid * RPS, RPS)])


def _scatter_body(h_hbm, src_hbm, dst_hbm, acc_hbm,
                  src_v, dst_v, rows0_v, rows1_v, zbuf_v, acc_shared,
                  sem0, sem1):
    cid = lax.axis_index("c")
    sid = lax.axis_index("s")
    wid = cid * NS + sid

    def _fill(r, _):
        for cc in range(D // 16):
            zbuf_v[r, pl.ds(cc * 16, 16)] = jnp.zeros((16,), jnp.float32)
        return 0

    lax.fori_loop(0, 40, _fill, 0)
    for i in range(15):
        pltpu.async_copy(zbuf_v, acc_shared.at[pl.ds(sid * RPS + i * 40, 40)],
                         sem1)
    pltpu.async_copy(zbuf_v.at[pl.ds(0, 32)],
                     acc_shared.at[pl.ds(sid * RPS + 600, 32)], sem1)
    pltpu.sync_copy(src_hbm.at[wid, pl.ds(0, CPST)], src_v)
    pltpu.sync_copy(dst_hbm.at[wid, pl.ds(0, CPST)], dst_v)
    for i in range(15):
        pltpu.make_async_copy(
            zbuf_v, acc_shared.at[pl.ds(sid * RPS + i * 40, 40)], sem1).wait()
    pltpu.make_async_copy(
        zbuf_v.at[pl.ds(0, 32)],
        acc_shared.at[pl.ds(sid * RPS + 600, 32)], sem1).wait()
    plsc.subcore_barrier()

    def _stage(s, _):
        @pl.when(s > 0)
        def _():
            pltpu.sync_copy(src_hbm.at[wid, pl.ds(s * CPST, CPST)], src_v)
            pltpu.sync_copy(dst_hbm.at[wid, pl.ds(s * CPST, CPST)], dst_v)
        pltpu.async_copy(h_hbm.at[src_v.at[0]], rows0_v, sem0)

        def _pair(i, _):
            j0 = 2 * i
            j1 = 2 * i + 1
            pltpu.make_async_copy(h_hbm.at[src_v.at[j0]], rows0_v, sem0).wait()
            pltpu.async_copy(h_hbm.at[src_v.at[j1]], rows1_v, sem1)
            pltpu.sync_copy(rows0_v, acc_shared.at[dst_v.at[j0]], add=True)
            pltpu.make_async_copy(h_hbm.at[src_v.at[j1]], rows1_v, sem1).wait()

            @pl.when(i < CPST // 2 - 1)
            def _():
                pltpu.async_copy(h_hbm.at[src_v.at[j0 + 2]], rows0_v, sem0)

            pltpu.sync_copy(rows1_v, acc_shared.at[dst_v.at[j1]], add=True)
            return 0

        lax.fori_loop(0, CPST // 2, _pair, 0)
        return 0

    lax.fori_loop(0, NSTG, _stage, 0)
    plsc.subcore_barrier()
    pltpu.sync_copy(acc_shared.at[pl.ds(sid * RPS, RPS)],
                    acc_hbm.at[cid, pl.ds(sid * RPS, RPS)])


def _make_deg_kernel():
    return pl.kernel(
        _deg_body,
        out_type=jax.ShapeDtypeStruct((NC, NPAD, D), jnp.float32),
        mesh=_mesh,
        scratch_types=[
            pltpu.VMEM((NCHUNK, K), jnp.int32),
            pltpu.VMEM((K, D), jnp.float32),
            pltpu.VMEM((40, D), jnp.float32),
            pltpu.VMEM_SHARED((NPAD, D), jnp.float32),
            pltpu.SemaphoreType.DMA,
            pltpu.SemaphoreType.DMA,
        ],
    )


def _make_scatter_kernel():
    return pl.kernel(
        _scatter_body,
        out_type=jax.ShapeDtypeStruct((NC, NPAD, D), jnp.float32),
        mesh=_mesh,
        scratch_types=[
            pltpu.VMEM((CPST, K), jnp.int32),
            pltpu.VMEM((CPST, K), jnp.int32),
            pltpu.VMEM((K, D), jnp.float32),
            pltpu.VMEM((K, D), jnp.float32),
            pltpu.VMEM((40, D), jnp.float32),
            pltpu.VMEM_SHARED((NPAD, D), jnp.float32),
            pltpu.SemaphoreType.DMA,
            pltpu.SemaphoreType.DMA,
        ],
    )


def _tc_mm_body(x_ref, w_ref, h_ref):
    h_ref[...] = jnp.dot(x_ref[...], w_ref[...],
                         preferred_element_type=jnp.float32)


def _tc_a_body(h1_ref, deg_ref, h_ref, dinv_ref):
    deg = deg_ref[0, :N, 0:1] + deg_ref[1, :N, 0:1] + 1.0
    dinv = lax.rsqrt(deg)
    dinv_ref[...] = dinv
    h_ref[:N, :] = h1_ref[...] * dinv
    h_ref[N:, :] = jnp.zeros((NT - N, D), jnp.float32)


def _tc_b_body(acc_ref, hp_ref, dinv_ref, b_ref, w_ref, o_ref):
    dinv = dinv_ref[...]
    t = acc_ref[0, :N, :] + acc_ref[1, :N, :] + hp_ref[:N, :]
    y = jnp.maximum(t * dinv + b_ref[...], 0.0)
    o_ref[:N, :] = jnp.dot(y, w_ref[...], preferred_element_type=jnp.float32) * dinv
    o_ref[N:, :] = jnp.zeros((NT - N, D), jnp.float32)


def _tc_c_body(acc_ref, hp_ref, dinv_ref, b_ref, o_ref):
    t = acc_ref[0, :N, :] + acc_ref[1, :N, :] + hp_ref[:N, :]
    h = t * dinv_ref[...] + b_ref[...]
    nrm = jnp.sqrt(jnp.sum(h * h, axis=1, keepdims=True))
    o_ref[...] = h / jnp.maximum(nrm, 1e-12)


def _tc_call(body, out_shape, *args):
    return pl.pallas_call(body, out_shape=out_shape)(*args)


@jax.jit
def kernel(x, edge_index, W1, b1, W2, b2):
    ei = edge_index.astype(jnp.int32)
    pad_ar = jnp.arange(EPAD - E, dtype=jnp.int32)
    pad_src = N + pad_ar % (NT - N)
    pad_dst = N + pad_ar % (NPAD - N)
    src = jnp.concatenate([ei[0], pad_src]).reshape(NW, NCHUNK, K)
    dst = jnp.concatenate([ei[1], pad_dst]).reshape(NW, NCHUNK, K)
    b1r = b1.reshape(1, D)
    b2r = b2.reshape(1, D)

    deg = _make_deg_kernel()(dst)
    h1 = _tc_call(
        _tc_mm_body,
        jax.ShapeDtypeStruct((N, D), jnp.float32),
        x, W1)
    h1p, dinv = _tc_call(
        _tc_a_body,
        (jax.ShapeDtypeStruct((NT, D), jnp.float32),
         jax.ShapeDtypeStruct((N, 1), jnp.float32)),
        h1, deg)
    acc1 = _make_scatter_kernel()(h1p, src, dst)
    h2p = _tc_call(
        _tc_b_body,
        jax.ShapeDtypeStruct((NT, D), jnp.float32),
        acc1, h1p, dinv, b1r, W2)
    acc2 = _make_scatter_kernel()(h2p, src, dst)
    out = _tc_call(
        _tc_c_body,
        jax.ShapeDtypeStruct((N, D), jnp.float32),
        acc2, h2p, dinv, b2r)
    return out

# --- scband reference (transcript-rebuilt; emitter-appended) ---
"""Pipeline reference for scband-gcnencoder-80255758893845 (READ-ONLY COPY).

The authoritative reference and input builder live on the scoring server;
editing this copy changes nothing except your own understanding.
"""

import jax, jax.numpy as jnp
import numpy as np

N_NODES = 10000
N_EDGES = 320000
D_IN = 128
D_HID = 128
D_OUT = 128


def setup_inputs(seed: int = 0) -> dict:
    key = jax.random.key(seed)
    k1, k2, k3, k4, k5, k6 = jax.random.split(key, 6)
    x = jax.random.normal(k1, (N_NODES, D_IN), dtype=jnp.float32)
    edge_index = jax.random.randint(k2, (2, N_EDGES), 0, N_NODES, dtype=jnp.int64)
    # Glorot-style init for GCNConv weights, zeros for bias (PyG default)
    s1 = float(np.sqrt(6.0 / (D_IN + D_HID)))
    W1 = jax.random.uniform(k3, (D_IN, D_HID), dtype=jnp.float32, minval=-s1, maxval=s1)
    b1 = jnp.zeros((D_HID,), dtype=jnp.float32)
    s2 = float(np.sqrt(6.0 / (D_HID + D_OUT)))
    W2 = jax.random.uniform(k4, (D_HID, D_OUT), dtype=jnp.float32, minval=-s2, maxval=s2)
    b2 = jnp.zeros((D_OUT,), dtype=jnp.float32)
    return {"x": x, "edge_index": edge_index, "W1": W1, "b1": b1, "W2": W2, "b2": b2}


def _gcn_conv(x, edge_index, W, b):
    n = x.shape[0]
    loop = jnp.arange(n, dtype=edge_index.dtype)
    src = jnp.concatenate([edge_index[0], loop])
    dst = jnp.concatenate([edge_index[1], loop])
    # symmetric normalization: deg over destination nodes (with self-loops, edge_weight=1)
    deg = jnp.zeros((n,), dtype=x.dtype).at[dst].add(1.0)
    deg_inv_sqrt = jnp.where(deg > 0, 1.0 / jnp.sqrt(deg), 0.0)
    norm = deg_inv_sqrt[src] * deg_inv_sqrt[dst]
    h = x @ W
    msg = h[src] * norm[:, None]
    out = jnp.zeros((n, W.shape[1]), dtype=x.dtype).at[dst].add(msg)
    return out + b


def reference(x, edge_index, W1, b1, W2, b2):
    h = _gcn_conv(x, edge_index, W1, b1)
    h = jax.nn.relu(h)
    # dropout is identity in eval mode
    h = _gcn_conv(h, edge_index, W2, b2)
    nrm = jnp.sqrt(jnp.sum(h * h, axis=-1, keepdims=True))
    h = h / jnp.clip(nrm, 1e-12)
    return h

if __name__ == "__main__":
    import jax
    _d = setup_inputs()
    print(jax.jit(kernel)(*tuple(_d.values())))

</pallas_src>

<mosaic_0001>
#map = affine_map<(d0, d1) -> (0, 0, 0)>
module attributes {stable_mosaic.version = 14 : i64} {
  func.func @_deg_body(%arg0: i32, %arg1: i32, %arg2: memref<32x80x128xi32, #tpu.memory_space<hbm>>, %arg3: memref<2x10112x128xf32, #tpu.memory_space<hbm>>, %arg4: memref<80x128xi32, #tpu.memory_space<vmem>>, %arg5: memref<128x128xf32, #tpu.memory_space<vmem>>, %arg6: memref<40x128xf32, #tpu.memory_space<vmem>>, %arg7: memref<10112x128xf32, #tpu.memory_space<vmem_shared>>, %arg8: memref<!tpu.dma_semaphore, #tpu.memory_space<semaphore_mem>>, %arg9: memref<!tpu.dma_semaphore, #tpu.memory_space<semaphore_mem>>) attributes {dimension_semantics = [#tpu.dimension_semantics<core_parallel>, #tpu.dimension_semantics<subcore_parallel>], iteration_bounds = array<i64: 2, 16>, scalar_prefetch = 0 : i64, scratch_operands = 6 : i64, tpu.core_type = #tpu.core_type<sc_vector_subcore>, window_params = [{transform_indices = #map}, {transform_indices = #map}]} {
    %mul3A = arith.constant 16 : i32
    %mul3A_0 = arith.muli %arg0, %mul3A : i32
    %add3A = arith.addi %mul3A_0, %arg1 : i32
    %scan3A = arith.constant 0 : i32
    %scan3A_1 = arith.constant 0 : i32
    %scan3A_2 = arith.constant 128 : i32
    %scan3A_3 = arith.addi %scan3A_1, %scan3A_2 : i32
    %scan3A_4 = arith.constant 1 : i32
    %scan3A_5 = scf.for %scan3A_292 = %scan3A_1 to %scan3A_3 step %scan3A_4 iter_args(%scan3A_293 = %scan3A) -> (i32)  : i32 {
      %broadcast_in_dim3A = arith.constant 1.000000e+00 : f32
      %broadcast_in_dim3A_294 = vector.broadcast %broadcast_in_dim3A : f32 to vector<16xf32>
      %swap3A = arith.index_cast %scan3A_292 : i32 to index
      %swap3A_295 = arith.constant 0 : index
      %swap3A_296 = tpu.vector_load %arg5[%swap3A, %swap3A_295] {strides = array<i32>} : memref<128x128xf32, #tpu.memory_space<vmem>>, vector<1x16xf32>,
      %swap3A_297 = vector.shape_cast %swap3A_296 : vector<1x16xf32> to vector<16xf32>
      %swap3A_298 = vector.shape_cast %broadcast_in_dim3A_294 : vector<16xf32> to vector<1x16xf32>
      tpu.vector_store %arg5[%swap3A, %swap3A_295], %swap3A_298 {strides = array<i32>} : memref<128x128xf32, #tpu.memory_space<vmem>>, vector<1x16xf32>,
      %broadcast_in_dim3A_299 = arith.constant 1.000000e+00 : f32
      %broadcast_in_dim3A_300 = vector.broadcast %broadcast_in_dim3A_299 : f32 to vector<16xf32>
      %swap3A_301 = arith.index_cast %scan3A_292 : i32 to index
      %swap3A_302 = arith.constant 16 : index
      %swap3A_303 = tpu.vector_load %arg5[%swap3A_301, %swap3A_302] {strides = array<i32>} : memref<128x128xf32, #tpu.memory_space<vmem>>, vector<1x16xf32>,
      %swap3A_304 = vector.shape_cast %swap3A_303 : vector<1x16xf32> to vector<16xf32>
      %swap3A_305 = vector.shape_cast %broadcast_in_dim3A_300 : vector<16xf32> to vector<1x16xf32>
      tpu.vector_store %arg5[%swap3A_301, %swap3A_302], %swap3A_305 {strides = array<i32>} : memref<128x128xf32, #tpu.memory_space<vmem>>, vector<1x16xf32>,
      %broadcast_in_dim3A_306 = arith.constant 1.000000e+00 : f32
      %broadcast_in_dim3A_307 = vector.broadcast %broadcast_in_dim3A_306 : f32 to vector<16xf32>
      %swap3A_308 = arith.index_cast %scan3A_292 : i32 to index
      %swap3A_309 = arith.constant 32 : index
      %swap3A_310 = tpu.vector_load %arg5[%swap3A_308, %swap3A_309] {strides = array<i32>} : memref<128x128xf32, #tpu.memory_space<vmem>>, vector<1x16xf32>,
      %swap3A_311 = vector.shape_cast %swap3A_310 : vector<1x16xf32> to vector<16xf32>
      %swap3A_312 = vector.shape_cast %broadcast_in_dim3A_307 : vector<16xf32> to vector<1x16xf32>
      tpu.vector_store %arg5[%swap3A_308, %swap3A_309], %swap3A_312 {strides = array<i32>} : memref<128x128xf32, #tpu.memory_space<vmem>>, vector<1x16xf32>,
      %broadcast_in_dim3A_313 = arith.constant 1.000000e+00 : f32
      %broadcast_in_dim3A_314 = vector.broadcast %broadcast_in_dim3A_313 : f32 to vector<16xf32>
      %swap3A_315 = arith.index_cast %scan3A_292 : i32 to index
      %swap3A_316 = arith.constant 48 : index
      %swap3A_317 = tpu.vector_load %arg5[%swap3A_315, %swap3A_316] {strides = array<i32>} : memref<128x128xf32, #tpu.memory_space<vmem>>, vector<1x16xf32>,
      %swap3A_318 = vector.shape_cast %swap3A_317 : vector<1x16xf32> to vector<16xf32>
      %swap3A_319 = vector.shape_cast %broadcast_in_dim3A_314 : vector<16xf32> to vector<1x16xf32>
      tpu.vector_store %arg5[%swap3A_315, %swap3A_316], %swap3A_319 {strides = array<i32>} : memref<128x128xf32, #tpu.memory_space<vmem>>, vector<1x16xf32>,
      %broadcast_in_dim3A_320 = arith.constant 1.000000e+00 : f32
      %broadcast_in_dim3A_321 = vector.broadcast %broadcast_in_dim3A_320 : f32 to vector<16xf32>
      %swap3A_322 = arith.index_cast %scan3A_292 : i32 to index
      %swap3A_323 = arith.constant 64 : index
      %swap3A_324 = tpu.vector_load %arg5[%swap3A_322, %swap3A_323] {strides = array<i32>} : memref<128x128xf32, #tpu.memory_space<vmem>>, vector<1x16xf32>,
      %swap3A_325 = vector.shape_cast %swap3A_324 : vector<1x16xf32> to vector<16xf32>
      %swap3A_326 = vector.shape_cast %broadcast_in_dim3A_321 : vector<16xf32> to vector<1x16xf32>
      tpu.vector_store %arg5[%swap3A_322, %swap3A_323], %swap3A_326 {strides = array<i32>} : memref<128x128xf32, #tpu.memory_space<vmem>>, vector<1x16xf32>,
      %broadcast_in_dim3A_327 = arith.constant 1.000000e+00 : f32
      %broadcast_in_dim3A_328 = vector.broadcast %broadcast_in_dim3A_327 : f32 to vector<16xf32>
      %swap3A_329 = arith.index_cast %scan3A_292 : i32 to index
      %swap3A_330 = arith.constant 80 : index
      %swap3A_331 = tpu.vector_load %arg5[%swap3A_329, %swap3A_330] {strides = array<i32>} : memref<128x128xf32, #tpu.memory_space<vmem>>, vector<1x16xf32>,
      %swap3A_332 = vector.shape_cast %swap3A_331 : vector<1x16xf32> to vector<16xf32>
      %swap3A_333 = vector.shape_cast %broadcast_in_dim3A_328 : vector<16xf32> to vector<1x16xf32>
      tpu.vector_store %arg5[%swap3A_329, %swap3A_330], %swap3A_333 {strides = array<i32>} : memref<128x128xf32, #tpu.memory_space<vmem>>, vector<1x16xf32>,
      %broadcast_in_dim3A_334 = arith.constant 1.000000e+00 : f32
      %broadcast_in_dim3A_335 = vector.broadcast %broadcast_in_dim3A_334 : f32 to vector<16xf32>
      %swap3A_336 = arith.index_cast %scan3A_292 : i32 to index
      %swap3A_337 = arith.constant 96 : index
      %swap3A_338 = tpu.vector_load %arg5[%swap3A_336, %swap3A_337] {strides = array<i32>} : memref<128x128xf32, #tpu.memory_space<vmem>>, vector<1x16xf32>,
      %swap3A_339 = vector.shape_cast %swap3A_338 : vector<1x16xf32> to vector<16xf32>
      %swap3A_340 = vector.shape_cast %broadcast_in_dim3A_335 : vector<16xf32> to vector<1x16xf32>
      tpu.vector_store %arg5[%swap3A_336, %swap3A_337], %swap3A_340 {strides = array<i32>} : memref<128x128xf32, #tpu.memory_space<vmem>>, vector<1x16xf32>,
      %broadcast_in_dim3A_341 = arith.constant 1.000000e+00 : f32
      %broadcast_in_dim3A_342 = vector.broadcast %broadcast_in_dim3A_341 : f32 to vector<16xf32>
      %swap3A_343 = arith.index_cast %scan3A_292 : i32 to index
      %swap3A_344 = arith.constant 112 : index
      %swap3A_345 = tpu.vector_load %arg5[%swap3A_343, %swap3A_344] {strides = array<i32>} : memref<128x128xf32, #tpu.memory_space<vmem>>, vector<1x16xf32>,
      %swap3A_346 = vector.shape_cast %swap3A_345 : vector<1x16xf32> to vector<16xf32>
      %swap3A_347 = vector.shape_cast %broadcast_in_dim3A_342 : vector<16xf32> to vector<1x16xf32>
      tpu.vector_store %arg5[%swap3A_343, %swap3A_344], %swap3A_347 {strides = array<i32>} : memref<128x128xf32, #tpu.memory_space<vmem>>, vector<1x16xf32>,
      %scan3A_348 = arith.constant 0 : i32
      scf.yield %scan3A_348 : i32
    }
    %scan3A_6 = arith.constant 128 : i32
    %scan3A_7 = arith.constant 0 : i32
    %scan3A_8 = arith.constant 0 : i32
    %scan3A_9 = arith.constant 40 : i32
    %scan3A_10 = arith.addi %scan3A_8, %scan3A_9 : i32
    %scan3A_11 = arith.constant 1 : i32
    %scan3A_12 = scf.for %scan3A_292 = %scan3A_8 to %scan3A_10 step %scan3A_11 iter_args(%scan3A_293 = %scan3A_7) -> (i32)  : i32 {
      %broadcast_in_dim3A = arith.constant 0.000000e+00 : f32
      %broadcast_in_dim3A_294 = vector.broadcast %broadcast_in_dim3A : f32 to vector<16xf32>
      %swap3A = arith.index_cast %scan3A_292 : i32 to index
      %swap3A_295 = arith.constant 0 : index
      %swap3A_296 = tpu.vector_load %arg6[%swap3A, %swap3A_295] {strides = array<i32>} : memref<40x128xf32, #tpu.memory_space<vmem>>, vector<1x16xf32>,
      %swap3A_297 = vector.shape_cast %swap3A_296 : vector<1x16xf32> to vector<16xf32>
      %swap3A_298 = vector.shape_cast %broadcast_in_dim3A_294 : vector<16xf32> to vector<1x16xf32>
      tpu.vector_store %arg6[%swap3A, %swap3A_295], %swap3A_298 {strides = array<i32>} : memref<40x128xf32, #tpu.memory_space<vmem>>, vector<1x16xf32>,
      %broadcast_in_dim3A_299 = arith.constant 0.000000e+00 : f32
      %broadcast_in_dim3A_300 = vector.broadcast %broadcast_in_dim3A_299 : f32 to vector<16xf32>
      %swap3A_301 = arith.index_cast %scan3A_292 : i32 to index
      %swap3A_302 = arith.constant 16 : index
      %swap3A_303 = tpu.vector_load %arg6[%swap3A_301, %swap3A_302] {strides = array<i32>} : memref<40x128xf32, #tpu.memory_space<vmem>>, vector<1x16xf32>,
      %swap3A_304 = vector.shape_cast %swap3A_303 : vector<1x16xf32> to vector<16xf32>
      %swap3A_305 = vector.shape_cast %broadcast_in_dim3A_300 : vector<16xf32> to vector<1x16xf32>
      tpu.vector_store %arg6[%swap3A_301, %swap3A_302], %swap3A_305 {strides = array<i32>} : memref<40x128xf32, #tpu.memory_space<vmem>>, vector<1x16xf32>,
      %broadcast_in_dim3A_306 = arith.constant 0.000000e+00 : f32
      %broadcast_in_dim3A_307 = vector.broadcast %broadcast_in_dim3A_306 : f32 to vector<16xf32>
      %swap3A_308 = arith.index_cast %scan3A_292 : i32 to index
      %swap3A_309 = arith.constant 32 : index
      %swap3A_310 = tpu.vector_load %arg6[%swap3A_308, %swap3A_309] {strides = array<i32>} : memref<40x128xf32, #tpu.memory_space<vmem>>, vector<1x16xf32>,
      %swap3A_311 = vector.shape_cast %swap3A_310 : vector<1x16xf32> to vector<16xf32>
      %swap3A_312 = vector.shape_cast %broadcast_in_dim3A_307 : vector<16xf32> to vector<1x16xf32>
      tpu.vector_store %arg6[%swap3A_308, %swap3A_309], %swap3A_312 {strides = array<i32>} : memref<40x128xf32, #tpu.memory_space<vmem>>, vector<1x16xf32>,
      %broadcast_in_dim3A_313 = arith.constant 0.000000e+00 : f32
      %broadcast_in_dim3A_314 = vector.broadcast %broadcast_in_dim3A_313 : f32 to vector<16xf32>
      %swap3A_315 = arith.index_cast %scan3A_292 : i32 to index
      %swap3A_316 = arith.constant 48 : index
      %swap3A_317 = tpu.vector_load %arg6[%swap3A_315, %swap3A_316] {strides = array<i32>} : memref<40x128xf32, #tpu.memory_space<vmem>>, vector<1x16xf32>,
      %swap3A_318 = vector.shape_cast %swap3A_317 : vector<1x16xf32> to vector<16xf32>
      %swap3A_319 = vector.shape_cast %broadcast_in_dim3A_314 : vector<16xf32> to vector<1x16xf32>
      tpu.vector_store %arg6[%swap3A_315, %swap3A_316], %swap3A_319 {strides = array<i32>} : memref<40x128xf32, #tpu.memory_space<vmem>>, vector<1x16xf32>,
      %broadcast_in_dim3A_320 = arith.constant 0.000000e+00 : f32
      %broadcast_in_dim3A_321 = vector.broadcast %broadcast_in_dim3A_320 : f32 to vector<16xf32>
      %swap3A_322 = arith.index_cast %scan3A_292 : i32 to index
      %swap3A_323 = arith.constant 64 : index
      %swap3A_324 = tpu.vector_load %arg6[%swap3A_322, %swap3A_323] {strides = array<i32>} : memref<40x128xf32, #tpu.memory_space<vmem>>, vector<1x16xf32>,
      %swap3A_325 = vector.shape_cast %swap3A_324 : vector<1x16xf32> to vector<16xf32>
      %swap3A_326 = vector.shape_cast %broadcast_in_dim3A_321 : vector<16xf32> to vector<1x16xf32>
      tpu.vector_store %arg6[%swap3A_322, %swap3A_323], %swap3A_326 {strides = array<i32>} : memref<40x128xf32, #tpu.memory_space<vmem>>, vector<1x16xf32>,
      %broadcast_in_dim3A_327 = arith.constant 0.000000e+00 : f32
      %broadcast_in_dim3A_328 = vector.broadcast %broadcast_in_dim3A_327 : f32 to vector<16xf32>
      %swap3A_329 = arith.index_cast %scan3A_292 : i32 to index
      %swap3A_330 = arith.constant 80 : index
      %swap3A_331 = tpu.vector_load %arg6[%swap3A_329, %swap3A_330] {strides = array<i32>} : memref<40x128xf32, #tpu.memory_space<vmem>>, vector<1x16xf32>,
      %swap3A_332 = vector.shape_cast %swap3A_331 : vector<1x16xf32> to vector<16xf32>
      %swap3A_333 = vector.shape_cast %broadcast_in_dim3A_328 : vector<16xf32> to vector<1x16xf32>
      tpu.vector_store %arg6[%swap3A_329, %swap3A_330], %swap3A_333 {strides = array<i32>} : memref<40x128xf32, #tpu.memory_space<vmem>>, vector<1x16xf32>,
      %broadcast_in_dim3A_334 = arith.constant 0.000000e+00 : f32
      %broadcast_in_dim3A_335 = vector.broadcast %broadcast_in_dim3A_334 : f32 to vector<16xf32>
      %swap3A_336 = arith.index_cast %scan3A_292 : i32 to index
      %swap3A_337 = arith.constant 96 : index
      %swap3A_338 = tpu.vector_load %arg6[%swap3A_336, %swap3A_337] {strides = array<i32>} : memref<40x128xf32, #tpu.memory_space<vmem>>, vector<1x16xf32>,
      %swap3A_339 = vector.shape_cast %swap3A_338 : vector<1x16xf32> to vector<16xf32>
      %swap3A_340 = vector.shape_cast %broadcast_in_dim3A_335 : vector<16xf32> to vector<1x16xf32>
      tpu.vector_store %arg6[%swap3A_336, %swap3A_337], %swap3A_340 {strides = array<i32>} : memref<40x128xf32, #tpu.memory_space<vmem>>, vector<1x16xf32>,
      %broadcast_in_dim3A_341 = arith.constant 0.000000e+00 : f32
      %broadcast_in_dim3A_342 = vector.broadcast %broadcast_in_dim3A_341 : f32 to vector<16xf32>
      %swap3A_343 = arith.index_cast %scan3A_292 : i32 to index
      %swap3A_344 = arith.constant 112 : index
      %swap3A_345 = tpu.vector_load %arg6[%swap3A_343, %swap3A_344] {strides = array<i32>} : memref<40x128xf32, #tpu.memory_space<vmem>>, vector<1x16xf32>,
      %swap3A_346 = vector.shape_cast %swap3A_345 : vector<1x16xf32> to vector<16xf32>
      %swap3A_347 = vector.shape_cast %broadcast_in_dim3A_342 : vector<16xf32> to vector<1x16xf32>
      tpu.vector_store %arg6[%swap3A_343, %swap3A_344], %swap3A_347 {strides = array<i32>} : memref<40x128xf32, #tpu.memory_space<vmem>>, vector<1x16xf32>,
      %scan3A_348 = arith.constant 0 : i32
      scf.yield %scan3A_348 : i32
    }
    %scan3A_13 = arith.constant 40 : i32
    %mul3A_14 = arith.constant 632 : i32
    %mul3A_15 = arith.muli %arg1, %mul3A_14 : i32
    %add3A_16 = arith.constant 0 : i32
    %add3A_17 = arith.addi %mul3A_15, %add3A_16 : i32
    %dma_start3A = arith.constant 0 : i32
    %dma_start3A_18 = tpu.memref_slice %arg7[%add3A_17, %dma_start3A] : memref<10112x128xf32, #tpu.memory_space<vmem_shared>> -> memref<40x128xf32, #tpu.memory_space<vmem_shared>>
    %dma_start3A_19 = arith.constant 0 : i32
    %dma_start3A_20 = tpu.memref_slice %arg7[%add3A_17, %dma_start3A_19] : memref<10112x128xf32, #tpu.memory_space<vmem_shared>> -> memref<40x128xf32, #tpu.memory_space<vmem_shared>>
    tpu.enqueue_dma source(%arg6 : memref<40x128xf32, #tpu.memory_space<vmem>>) target(%dma_start3A_20 : memref<40x128xf32, #tpu.memory_space<vmem_shared>>) target_semaphore(%arg9 : memref<!tpu.dma_semaphore, #tpu.memory_space<semaphore_mem>>)
    %mul3A_21 = arith.constant 632 : i32
    %mul3A_22 = arith.muli %arg1, %mul3A_21 : i32
    %add3A_23 = arith.constant 40 : i32
    %add3A_24 = arith.addi %mul3A_22, %add3A_23 : i32
    %dma_start3A_25 = arith.constant 0 : i32
    %dma_start3A_26 = tpu.memref_slice %arg7[%add3A_24, %dma_start3A_25] : memref<10112x128xf32, #tpu.memory_space<vmem_shared>> -> memref<40x128xf32, #tpu.memory_space<vmem_shared>>
    %dma_start3A_27 = arith.constant 0 : i32
    %dma_start3A_28 = tpu.memref_slice %arg7[%add3A_24, %dma_start3A_27] : memref<10112x128xf32, #tpu.memory_space<vmem_shared>> -> memref<40x128xf32, #tpu.memory_space<vmem_shared>>
    tpu.enqueue_dma source(%arg6 : memref<40x128xf32, #tpu.memory_space<vmem>>) target(%dma_start3A_28 : memref<40x128xf32, #tpu.memory_space<vmem_shared>>) target_semaphore(%arg9 : memref<!tpu.dma_semaphore, #tpu.memory_space<semaphore_mem>>)
    %mul3A_29 = arith.constant 632 : i32
    %mul3A_30 = arith.muli %arg1, %mul3A_29 : i32
    %add3A_31 = arith.constant 80 : i32
    %add3A_32 = arith.addi %mul3A_30, %add3A_31 : i32
    %dma_start3A_33 = arith.constant 0 : i32
    %dma_start3A_34 = tpu.memref_slice %arg7[%add3A_32, %dma_start3A_33] : memref<10112x128xf32, #tpu.memory_space<vmem_shared>> -> memref<40x128xf32, #tpu.memory_space<vmem_shared>>
    %dma_start3A_35 = arith.constant 0 : i32
    %dma_start3A_36 = tpu.memref_slice %arg7[%add3A_32, %dma_start3A_35] : memref<10112x128xf32, #tpu.memory_space<vmem_shared>> -> memref<40x128xf32, #tpu.memory_space<vmem_shared>>
    tpu.enqueue_dma source(%arg6 : memref<40x128xf32, #tpu.memory_space<vmem>>) target(%dma_start3A_36 : memref<40x128xf32, #tpu.memory_space<vmem_shared>>) target_semaphore(%arg9 : memref<!tpu.dma_semaphore, #tpu.memory_space<semaphore_mem>>)
    %mul3A_37 = arith.constant 632 : i32
    %mul3A_38 = arith.muli %arg1, %mul3A_37 : i32
    %add3A_39 = arith.constant 120 : i32
    %add3A_40 = arith.addi %mul3A_38, %add3A_39 : i32
    %dma_start3A_41 = arith.constant 0 : i32
    %dma_start3A_42 = tpu.memref_slice %arg7[%add3A_40, %dma_start3A_41] : memref<10112x128xf32, #tpu.memory_space<vmem_shared>> -> memref<40x128xf32, #tpu.memory_space<vmem_shared>>
    %dma_start3A_43 = arith.constant 0 : i32
    %dma_start3A_44 = tpu.memref_slice %arg7[%add3A_40, %dma_start3A_43] : memref<10112x128xf32, #tpu.memory_space<vmem_shared>> -> memref<40x128xf32, #tpu.memory_space<vmem_shared>>
    tpu.enqueue_dma source(%arg6 : memref<40x128xf32, #tpu.memory_space<vmem>>) target(%dma_start3A_44 : memref<40x128xf32, #tpu.memory_space<vmem_shared>>) target_semaphore(%arg9 : memref<!tpu.dma_semaphore, #tpu.memory_space<semaphore_mem>>)
    %mul3A_45 = arith.constant 632 : i32
    %mul3A_46 = arith.muli %arg1, %mul3A_45 : i32
    %add3A_47 = arith.constant 160 : i32
    %add3A_48 = arith.addi %mul3A_46, %add3A_47 : i32
    %dma_start3A_49 = arith.constant 0 : i32
    %dma_start3A_50 = tpu.memref_slice %arg7[%add3A_48, %dma_start3A_49] : memref<10112x128xf32, #tpu.memory_space<vmem_shared>> -> memref<40x128xf32, #tpu.memory_space<vmem_shared>>
    %dma_start3A_51 = arith.constant 0 : i32
    %dma_start3A_52 = tpu.memref_slice %arg7[%add3A_48, %dma_start3A_51] : memref<10112x128xf32, #tpu.memory_space<vmem_shared>> -> memref<40x128xf32, #tpu.memory_space<vmem_shared>>
    tpu.enqueue_dma source(%arg6 : memref<40x128xf32, #tpu.memory_space<vmem>>) target(%dma_start3A_52 : memref<40x128xf32, #tpu.memory_space<vmem_shared>>) target_semaphore(%arg9 : memref<!tpu.dma_semaphore, #tpu.memory_space<semaphore_mem>>)
    %mul3A_53 = arith.constant 632 : i32
    %mul3A_54 = arith.muli %arg1, %mul3A_53 : i32
    %add3A_55 = arith.constant 200 : i32
    %add3A_56 = arith.addi %mul3A_54, %add3A_55 : i32
    %dma_start3A_57 = arith.constant 0 : i32
    %dma_start3A_58 = tpu.memref_slice %arg7[%add3A_56, %dma_start3A_57] : memref<10112x128xf32, #tpu.memory_space<vmem_shared>> -> memref<40x128xf32, #tpu.memory_space<vmem_shared>>
    %dma_start3A_59 = arith.constant 0 : i32
    %dma_start3A_60 = tpu.memref_slice %arg7[%add3A_56, %dma_start3A_59] : memref<10112x128xf32, #tpu.memory_space<vmem_shared>> -> memref<40x128xf32, #tpu.memory_space<vmem_shared>>
    tpu.enqueue_dma source(%arg6 : memref<40x128xf32, #tpu.memory_space<vmem>>) target(%dma_start3A_60 : memref<40x128xf32, #tpu.memory_space<vmem_shared>>) target_semaphore(%arg9 : memref<!tpu.dma_semaphore, #tpu.memory_space<semaphore_mem>>)
    %mul3A_61 = arith.constant 632 : i32
    %mul3A_62 = arith.muli %arg1, %mul3A_61 : i32
    %add3A_63 = arith.constant 240 : i32
    %add3A_64 = arith.addi %mul3A_62, %add3A_63 : i32
    %dma_start3A_65 = arith.constant 0 : i32
    %dma_start3A_66 = tpu.memref_slice %arg7[%add3A_64, %dma_start3A_65] : memref<10112x128xf32, #tpu.memory_space<vmem_shared>> -> memref<40x128xf32, #tpu.memory_space<vmem_shared>>
    %dma_start3A_67 = arith.constant 0 : i32
    %dma_start3A_68 = tpu.memref_slice %arg7[%add3A_64, %dma_start3A_67] : memref<10112x128xf32, #tpu.memory_space<vmem_shared>> -> memref<40x128xf32, #tpu.memory_space<vmem_shared>>
    tpu.enqueue_dma source(%arg6 : memref<40x128xf32, #tpu.memory_space<vmem>>) target(%dma_start3A_68 : memref<40x128xf32, #tpu.memory_space<vmem_shared>>) target_semaphore(%arg9 : memref<!tpu.dma_semaphore, #tpu.memory_space<semaphore_mem>>)
    %mul3A_69 = arith.constant 632 : i32
    %mul3A_70 = arith.muli %arg1, %mul3A_69 : i32
    %add3A_71 = arith.constant 280 : i32
    %add3A_72 = arith.addi %mul3A_70, %add3A_71 : i32
    %dma_start3A_73 = arith.constant 0 : i32
    %dma_start3A_74 = tpu.memref_slice %arg7[%add3A_72, %dma_start3A_73] : memref<10112x128xf32, #tpu.memory_space<vmem_shared>> -> memref<40x128xf32, #tpu.memory_space<vmem_shared>>
    %dma_start3A_75 = arith.constant 0 : i32
    %dma_start3A_76 = tpu.memref_slice %arg7[%add3A_72, %dma_start3A_75] : memref<10112x128xf32, #tpu.memory_space<vmem_shared>> -> memref<40x128xf32, #tpu.memory_space<vmem_shared>>
    tpu.enqueue_dma source(%arg6 : memref<40x128xf32, #tpu.memory_space<vmem>>) target(%dma_start3A_76 : memref<40x128xf32, #tpu.memory_space<vmem_shared>>) target_semaphore(%arg9 : memref<!tpu.dma_semaphore, #tpu.memory_space<semaphore_mem>>)
    %mul3A_77 = arith.constant 632 : i32
    %mul3A_78 = arith.muli %arg1, %mul3A_77 : i32
    %add3A_79 = arith.constant 320 : i32
    %add3A_80 = arith.addi %mul3A_78, %add3A_79 : i32
    %dma_start3A_81 = arith.constant 0 : i32
    %dma_start3A_82 = tpu.memref_slice %arg7[%add3A_80, %dma_start3A_81] : memref<10112x128xf32, #tpu.memory_space<vmem_shared>> -> memref<40x128xf32, #tpu.memory_space<vmem_shared>>
    %dma_start3A_83 = arith.constant 0 : i32
    %dma_start3A_84 = tpu.memref_slice %arg7[%add3A_80, %dma_start3A_83] : memref<10112x128xf32, #tpu.memory_space<vmem_shared>> -> memref<40x128xf32, #tpu.memory_space<vmem_shared>>
    tpu.enqueue_dma source(%arg6 : memref<40x128xf32, #tpu.memory_space<vmem>>) target(%dma_start3A_84 : memref<40x128xf32, #tpu.memory_space<vmem_shared>>) target_semaphore(%arg9 : memref<!tpu.dma_semaphore, #tpu.memory_space<semaphore_mem>>)
    %mul3A_85 = arith.constant 632 : i32
    %mul3A_86 = arith.muli %arg1, %mul3A_85 : i32
    %add3A_87 = arith.constant 360 : i32
    %add3A_88 = arith.addi %mul3A_86, %add3A_87 : i32
    %dma_start3A_89 = arith.constant 0 : i32
    %dma_start3A_90 = tpu.memref_slice %arg7[%add3A_88, %dma_start3A_89] : memref<10112x128xf32, #tpu.memory_space<vmem_shared>> -> memref<40x128xf32, #tpu.memory_space<vmem_shared>>
    %dma_start3A_91 = arith.constant 0 : i32
    %dma_start3A_92 = tpu.memref_slice %arg7[%add3A_88, %dma_start3A_91] : memref<10112x128xf32, #tpu.memory_space<vmem_shared>> -> memref<40x128xf32, #tpu.memory_space<vmem_shared>>
    tpu.enqueue_dma source(%arg6 : memref<40x128xf32, #tpu.memory_space<vmem>>) target(%dma_start3A_92 : memref<40x128xf32, #tpu.memory_space<vmem_shared>>) target_semaphore(%arg9 : memref<!tpu.dma_semaphore, #tpu.memory_space<semaphore_mem>>)
    %mul3A_93 = arith.constant 632 : i32
    %mul3A_94 = arith.muli %arg1, %mul3A_93 : i32
    %add3A_95 = arith.constant 400 : i32
    %add3A_96 = arith.addi %mul3A_94, %add3A_95 : i32
    %dma_start3A_97 = arith.constant 0 : i32
    %dma_start3A_98 = tpu.memref_slice %arg7[%add3A_96, %dma_start3A_97] : memref<10112x128xf32, #tpu.memory_space<vmem_shared>> -> memref<40x128xf32, #tpu.memory_space<vmem_shared>>
    %dma_start3A_99 = arith.constant 0 : i32
    %dma_start3A_100 = tpu.memref_slice %arg7[%add3A_96, %dma_start3A_99] : memref<10112x128xf32, #tpu.memory_space<vmem_shared>> -> memref<40x128xf32, #tpu.memory_space<vmem_shared>>
    tpu.enqueue_dma source(%arg6 : memref<40x128xf32, #tpu.memory_space<vmem>>) target(%dma_start3A_100 : memref<40x128xf32, #tpu.memory_space<vmem_shared>>) target_semaphore(%arg9 : memref<!tpu.dma_semaphore, #tpu.memory_space<semaphore_mem>>)
    %mul3A_101 = arith.constant 632 : i32
    %mul3A_102 = arith.muli %arg1, %mul3A_101 : i32
    %add3A_103 = arith.constant 440 : i32
    %add3A_104 = arith.addi %mul3A_102, %add3A_103 : i32
    %dma_start3A_105 = arith.constant 0 : i32
    %dma_start3A_106 = tpu.memref_slice %arg7[%add3A_104, %dma_start3A_105] : memref<10112x128xf32, #tpu.memory_space<vmem_shared>> -> memref<40x128xf32, #tpu.memory_space<vmem_shared>>
    %dma_start3A_107 = arith.constant 0 : i32
    %dma_start3A_108 = tpu.memref_slice %arg7[%add3A_104, %dma_start3A_107] : memref<10112x128xf32, #tpu.memory_space<vmem_shared>> -> memref<40x128xf32, #tpu.memory_space<vmem_shared>>
    tpu.enqueue_dma source(%arg6 : memref<40x128xf32, #tpu.memory_space<vmem>>) target(%dma_start3A_108 : memref<40x128xf32, #tpu.memory_space<vmem_shared>>) target_semaphore(%arg9 : memref<!tpu.dma_semaphore, #tpu.memory_space<semaphore_mem>>)
    %mul3A_109 = arith.constant 632 : i32
    %mul3A_110 = arith.muli %arg1, %mul3A_109 : i32
    %add3A_111 = arith.constant 480 : i32
    %add3A_112 = arith.addi %mul3A_110, %add3A_111 : i32
    %dma_start3A_113 = arith.constant 0 : i32
    %dma_start3A_114 = tpu.memref_slice %arg7[%add3A_112, %dma_start3A_113] : memref<10112x128xf32, #tpu.memory_space<vmem_shared>> -> memref<40x128xf32, #tpu.memory_space<vmem_shared>>
    %dma_start3A_115 = arith.constant 0 : i32
    %dma_start3A_116 = tpu.memref_slice %arg7[%add3A_112, %dma_start3A_115] : memref<10112x128xf32, #tpu.memory_space<vmem_shared>> -> memref<40x128xf32, #tpu.memory_space<vmem_shared>>
    tpu.enqueue_dma source(%arg6 : memref<40x128xf32, #tpu.memory_space<vmem>>) target(%dma_start3A_116 : memref<40x128xf32, #tpu.memory_space<vmem_shared>>) target_semaphore(%arg9 : memref<!tpu.dma_semaphore, #tpu.memory_space<semaphore_mem>>)
    %mul3A_117 = arith.constant 632 : i32
    %mul3A_118 = arith.muli %arg1, %mul3A_117 : i32
    %add3A_119 = arith.constant 520 : i32
    %add3A_120 = arith.addi %mul3A_118, %add3A_119 : i32
    %dma_start3A_121 = arith.constant 0 : i32
    %dma_start3A_122 = tpu.memref_slice %arg7[%add3A_120, %dma_start3A_121] : memref<10112x128xf32, #tpu.memory_space<vmem_shared>> -> memref<40x128xf32, #tpu.memory_space<vmem_shared>>
    %dma_start3A_123 = arith.constant 0 : i32
    %dma_start3A_124 = tpu.memref_slice %arg7[%add3A_120, %dma_start3A_123] : memref<10112x128xf32, #tpu.memory_space<vmem_shared>> -> memref<40x128xf32, #tpu.memory_space<vmem_shared>>
    tpu.enqueue_dma source(%arg6 : memref<40x128xf32, #tpu.memory_space<vmem>>) target(%dma_start3A_124 : memref<40x128xf32, #tpu.memory_space<vmem_shared>>) target_semaphore(%arg9 : memref<!tpu.dma_semaphore, #tpu.memory_space<semaphore_mem>>)
    %mul3A_125 = arith.constant 632 : i32
    %mul3A_126 = arith.muli %arg1, %mul3A_125 : i32
    %add3A_127 = arith.constant 560 : i32
    %add3A_128 = arith.addi %mul3A_126, %add3A_127 : i32
    %dma_start3A_129 = arith.constant 0 : i32
    %dma_start3A_130 = tpu.memref_slice %arg7[%add3A_128, %dma_start3A_129] : memref<10112x128xf32, #tpu.memory_space<vmem_shared>> -> memref<40x128xf32, #tpu.memory_space<vmem_shared>>
    %dma_start3A_131 = arith.constant 0 : i32
    %dma_start3A_132 = tpu.memref_slice %arg7[%add3A_128, %dma_start3A_131] : memref<10112x128xf32, #tpu.memory_space<vmem_shared>> -> memref<40x128xf32, #tpu.memory_space<vmem_shared>>
    tpu.enqueue_dma source(%arg6 : memref<40x128xf32, #tpu.memory_space<vmem>>) target(%dma_start3A_132 : memref<40x128xf32, #tpu.memory_space<vmem_shared>>) target_semaphore(%arg9 : memref<!tpu.dma_semaphore, #tpu.memory_space<semaphore_mem>>)
    %mul3A_133 = arith.constant 632 : i32
    %mul3A_134 = arith.muli %arg1, %mul3A_133 : i32
    %add3A_135 = arith.constant 600 : i32
    %add3A_136 = arith.addi %mul3A_134, %add3A_135 : i32
    %dma_start3A_137 = arith.constant 0 : i32
    %dma_start3A_138 = arith.constant 0 : i32
    %dma_start3A_139 = tpu.memref_slice %arg6[%dma_start3A_137, %dma_start3A_138] : memref<40x128xf32, #tpu.memory_space<vmem>> -> memref<32x128xf32, #tpu.memory_space<vmem>>
    %dma_start3A_140 = arith.constant 0 : i32
    %dma_start3A_141 = tpu.memref_slice %arg7[%add3A_136, %dma_start3A_140] : memref<10112x128xf32, #tpu.memory_space<vmem_shared>> -> memref<32x128xf32, #tpu.memory_space<vmem_shared>>
    %dma_start3A_142 = arith.constant 0 : i32
    %dma_start3A_143 = tpu.memref_slice %arg7[%add3A_136, %dma_start3A_142] : memref<10112x128xf32, #tpu.memory_space<vmem_shared>> -> memref<32x128xf32, #tpu.memory_space<vmem_shared>>
    %dma_start3A_144 = arith.constant 0 : i32
    %dma_start3A_145 = arith.constant 0 : i32
    %dma_start3A_146 = tpu.memref_slice %arg6[%dma_start3A_144, %dma_start3A_145] : memref<40x128xf32, #tpu.memory_space<vmem>> -> memref<32x128xf32, #tpu.memory_space<vmem>>
    tpu.enqueue_dma source(%dma_start3A_146 : memref<32x128xf32, #tpu.memory_space<vmem>>) target(%dma_start3A_143 : memref<32x128xf32, #tpu.memory_space<vmem_shared>>) target_semaphore(%arg9 : memref<!tpu.dma_semaphore, #tpu.memory_space<semaphore_mem>>)
    "tpu.region"() ({
      %run_scoped3A = tpu.sem_alloc : memref<!tpu.dma_semaphore, #tpu.memory_space<semaphore_mem>>
      %dma_start3A_292 = arith.constant 0 : i32
      %dma_start3A_293 = arith.constant 0 : i32
      %dma_start3A_294 = tpu.memref_slice %arg2[%add3A, %dma_start3A_292, %dma_start3A_293] : memref<32x80x128xi32, #tpu.memory_space<hbm>> -> memref<1x80x128xi32, #tpu.memory_space<hbm>>
      %dma_start3A_295 = tpu.memref_squeeze %dma_start3A_294 : memref<1x80x128xi32, #tpu.memory_space<hbm>> -> memref<80x128xi32, #tpu.memory_space<hbm>>
      %dma_start3A_296 = arith.constant 0 : i32
      %dma_start3A_297 = arith.constant 0 : i32
      %dma_start3A_298 = tpu.memref_slice %arg2[%add3A, %dma_start3A_296, %dma_start3A_297] : memref<32x80x128xi32, #tpu.memory_space<hbm>> -> memref<1x80x128xi32, #tpu.memory_space<hbm>>
      %dma_start3A_299 = tpu.memref_squeeze %dma_start3A_298 : memref<1x80x128xi32, #tpu.memory_space<hbm>> -> memref<80x128xi32, #tpu.memory_space<hbm>>
      tpu.enqueue_dma source(%dma_start3A_299 : memref<80x128xi32, #tpu.memory_space<hbm>>) target(%arg4 : memref<80x128xi32, #tpu.memory_space<vmem>>) target_semaphore(%run_scoped3A : memref<!tpu.dma_semaphore, #tpu.memory_space<semaphore_mem>>)
      %dma_wait3A_300 = arith.constant 0 : i32
      %dma_wait3A_301 = arith.constant 0 : i32
      %dma_wait3A_302 = tpu.memref_slice %arg2[%add3A, %dma_wait3A_300, %dma_wait3A_301] : memref<32x80x128xi32, #tpu.memory_space<hbm>> -> memref<1x80x128xi32, #tpu.memory_space<hbm>>
      %dma_wait3A_303 = tpu.memref_squeeze %dma_wait3A_302 : memref<1x80x128xi32, #tpu.memory_space<hbm>> -> memref<80x128xi32, #tpu.memory_space<hbm>>
      %dma_wait3A_304 = arith.constant 0 : i32
      %dma_wait3A_305 = arith.constant 0 : i32
      %dma_wait3A_306 = tpu.memref_slice %arg2[%add3A, %dma_wait3A_304, %dma_wait3A_305] : memref<32x80x128xi32, #tpu.memory_space<hbm>> -> memref<1x80x128xi32, #tpu.memory_space<hbm>>
      %dma_wait3A_307 = tpu.memref_squeeze %dma_wait3A_306 : memref<1x80x128xi32, #tpu.memory_space<hbm>> -> memref<80x128xi32, #tpu.memory_space<hbm>>
      tpu.wait_dma2 semaphore(%run_scoped3A : memref<!tpu.dma_semaphore, #tpu.memory_space<semaphore_mem>>) src(%dma_wait3A_307 : memref<80x128xi32, #tpu.memory_space<hbm>>) dst(%arg4 : memref<80x128xi32, #tpu.memory_space<vmem>>)
      tpu.yield
    }) : () -> ()
    %mul3A_147 = arith.constant 632 : i32
    %mul3A_148 = arith.muli %arg1, %mul3A_147 : i32
    %add3A_149 = arith.constant 0 : i32
    %add3A_150 = arith.addi %mul3A_148, %add3A_149 : i32
    %dma_wait3A = arith.constant 0 : i32
    %dma_wait3A_151 = tpu.memref_slice %arg7[%add3A_150, %dma_wait3A] : memref<10112x128xf32, #tpu.memory_space<vmem_shared>> -> memref<40x128xf32, #tpu.memory_space<vmem_shared>>
    %dma_wait3A_152 = arith.constant 0 : i32
    %dma_wait3A_153 = tpu.memref_slice %arg7[%add3A_150, %dma_wait3A_152] : memref<10112x128xf32, #tpu.memory_space<vmem_shared>> -> memref<40x128xf32, #tpu.memory_space<vmem_shared>>
    tpu.wait_dma2 semaphore(%arg9 : memref<!tpu.dma_semaphore, #tpu.memory_space<semaphore_mem>>) src(%arg6 : memref<40x128xf32, #tpu.memory_space<vmem>>) dst(%dma_wait3A_153 : memref<40x128xf32, #tpu.memory_space<vmem_shared>>)
    %mul3A_154 = arith.constant 632 : i32
    %mul3A_155 = arith.muli %arg1, %mul3A_154 : i32
    %add3A_156 = arith.constant 40 : i32
    %add3A_157 = arith.addi %mul3A_155, %add3A_156 : i32
    %dma_wait3A_158 = arith.constant 0 : i32
    %dma_wait3A_159 = tpu.memref_slice %arg7[%add3A_157, %dma_wait3A_158] : memref<10112x128xf32, #tpu.memory_space<vmem_shared>> -> memref<40x128xf32, #tpu.memory_space<vmem_shared>>
    %dma_wait3A_160 = arith.constant 0 : i32
    %dma_wait3A_161 = tpu.memref_slice %arg7[%add3A_157, %dma_wait3A_160] : memref<10112x128xf32, #tpu.memory_space<vmem_shared>> -> memref<40x128xf32, #tpu.memory_space<vmem_shared>>
    tpu.wait_dma2 semaphore(%arg9 : memref<!tpu.dma_semaphore, #tpu.memory_space<semaphore_mem>>) src(%arg6 : memref<40x128xf32, #tpu.memory_space<vmem>>) dst(%dma_wait3A_161 : memref<40x128xf32, #tpu.memory_space<vmem_shared>>)
    %mul3A_162 = arith.constant 632 : i32
    %mul3A_163 = arith.muli %arg1, %mul3A_162 : i32
    %add3A_164 = arith.constant 80 : i32
    %add3A_165 = arith.addi %mul3A_163, %add3A_164 : i32
    %dma_wait3A_166 = arith.constant 0 : i32
    %dma_wait3A_167 = tpu.memref_slice %arg7[%add3A_165, %dma_wait3A_166] : memref<10112x128xf32, #tpu.memory_space<vmem_shared>> -> memref<40x128xf32, #tpu.memory_space<vmem_shared>>
    %dma_wait3A_168 = arith.constant 0 : i32
    %dma_wait3A_169 = tpu.memref_slice %arg7[%add3A_165, %dma_wait3A_168] : memref<10112x128xf32, #tpu.memory_space<vmem_shared>> -> memref<40x128xf32, #tpu.memory_space<vmem_shared>>
    tpu.wait_dma2 semaphore(%arg9 : memref<!tpu.dma_semaphore, #tpu.memory_space<semaphore_mem>>) src(%arg6 : memref<40x128xf32, #tpu.memory_space<vmem>>) dst(%dma_wait3A_169 : memref<40x128xf32, #tpu.memory_space<vmem_shared>>)
    %mul3A_170 = arith.constant 632 : i32
    %mul3A_171 = arith.muli %arg1, %mul3A_170 : i32
    %add3A_172 = arith.constant 120 : i32
    %add3A_173 = arith.addi %mul3A_171, %add3A_172 : i32
    %dma_wait3A_174 = arith.constant 0 : i32
    %dma_wait3A_175 = tpu.memref_slice %arg7[%add3A_173, %dma_wait3A_174] : memref<10112x128xf32, #tpu.memory_space<vmem_shared>> -> memref<40x128xf32, #tpu.memory_space<vmem_shared>>
    %dma_wait3A_176 = arith.constant 0 : i32
    %dma_wait3A_177 = tpu.memref_slice %arg7[%add3A_173, %dma_wait3A_176] : memref<10112x128xf32, #tpu.memory_space<vmem_shared>> -> memref<40x128xf32, #tpu.memory_space<vmem_shared>>
    tpu.wait_dma2 semaphore(%arg9 : memref<!tpu.dma_semaphore, #tpu.memory_space<semaphore_mem>>) src(%arg6 : memref<40x128xf32, #tpu.memory_space<vmem>>) dst(%dma_wait3A_177 : memref<40x128xf32, #tpu.memory_space<vmem_shared>>)
    %mul3A_178 = arith.constant 632 : i32
    %mul3A_179 = arith.muli %arg1, %mul3A_178 : i32
    %add3A_180 = arith.constant 160 : i32
    %add3A_181 = arith.addi %mul3A_179, %add3A_180 : i32
    %dma_wait3A_182 = arith.constant 0 : i32
    %dma_wait3A_183 = tpu.memref_slice %arg7[%add3A_181, %dma_wait3A_182] : memref<10112x128xf32, #tpu.memory_space<vmem_shared>> -> memref<40x128xf32, #tpu.memory_space<vmem_shared>>
    %dma_wait3A_184 = arith.constant 0 : i32
    %dma_wait3A_185 = tpu.memref_slice %arg7[%add3A_181, %dma_wait3A_184] : memref<10112x128xf32, #tpu.memory_space<vmem_shared>> -> memref<40x128xf32, #tpu.memory_space<vmem_shared>>
    tpu.wait_dma2 semaphore(%arg9 : memref<!tpu.dma_semaphore, #tpu.memory_space<semaphore_mem>>) src(%arg6 : memref<40x128xf32, #tpu.memory_space<vmem>>) dst(%dma_wait3A_185 : memref<40x128xf32, #tpu.memory_space<vmem_shared>>)
    %mul3A_186 = arith.constant 632 : i32
    %mul3A_187 = arith.muli %arg1, %mul3A_186 : i32
    %add3A_188 = arith.constant 200 : i32
    %add3A_189 = arith.addi %mul3A_187, %add3A_188 : i32
    %dma_wait3A_190 = arith.constant 0 : i32
    %dma_wait3A_191 = tpu.memref_slice %arg7[%add3A_189, %dma_wait3A_190] : memref<10112x128xf32, #tpu.memory_space<vmem_shared>> -> memref<40x128xf32, #tpu.memory_space<vmem_shared>>
    %dma_wait3A_192 = arith.constant 0 : i32
    %dma_wait3A_193 = tpu.memref_slice %arg7[%add3A_189, %dma_wait3A_192] : memref<10112x128xf32, #tpu.memory_space<vmem_shared>> -> memref<40x128xf32, #tpu.memory_space<vmem_shared>>
    tpu.wait_dma2 semaphore(%arg9 : memref<!tpu.dma_semaphore, #tpu.memory_space<semaphore_mem>>) src(%arg6 : memref<40x128xf32, #tpu.memory_space<vmem>>) dst(%dma_wait3A_193 : memref<40x128xf32, #tpu.memory_space<vmem_shared>>)
    %mul3A_194 = arith.constant 632 : i32
    %mul3A_195 = arith.muli %arg1, %mul3A_194 : i32
    %add3A_196 = arith.constant 240 : i32
    %add3A_197 = arith.addi %mul3A_195, %add3A_196 : i32
    %dma_wait3A_198 = arith.constant 0 : i32
    %dma_wait3A_199 = tpu.memref_slice %arg7[%add3A_197, %dma_wait3A_198] : memref<10112x128xf32, #tpu.memory_space<vmem_shared>> -> memref<40x128xf32, #tpu.memory_space<vmem_shared>>
    %dma_wait3A_200 = arith.constant 0 : i32
    %dma_wait3A_201 = tpu.memref_slice %arg7[%add3A_197, %dma_wait3A_200] : memref<10112x128xf32, #tpu.memory_space<vmem_shared>> -> memref<40x128xf32, #tpu.memory_space<vmem_shared>>
    tpu.wait_dma2 semaphore(%arg9 : memref<!tpu.dma_semaphore, #tpu.memory_space<semaphore_mem>>) src(%arg6 : memref<40x128xf32, #tpu.memory_space<vmem>>) dst(%dma_wait3A_201 : memref<40x128xf32, #tpu.memory_space<vmem_shared>>)
    %mul3A_202 = arith.constant 632 : i32
    %mul3A_203 = arith.muli %arg1, %mul3A_202 : i32
    %add3A_204 = arith.constant 280 : i32
    %add3A_205 = arith.addi %mul3A_203, %add3A_204 : i32
    %dma_wait3A_206 = arith.constant 0 : i32
    %dma_wait3A_207 = tpu.memref_slice %arg7[%add3A_205, %dma_wait3A_206] : memref<10112x128xf32, #tpu.memory_space<vmem_shared>> -> memref<40x128xf32, #tpu.memory_space<vmem_shared>>
    %dma_wait3A_208 = arith.constant 0 : i32
    %dma_wait3A_209 = tpu.memref_slice %arg7[%add3A_205, %dma_wait3A_208] : memref<10112x128xf32, #tpu.memory_space<vmem_shared>> -> memref<40x128xf32, #tpu.memory_space<vmem_shared>>
    tpu.wait_dma2 semaphore(%arg9 : memref<!tpu.dma_semaphore, #tpu.memory_space<semaphore_mem>>) src(%arg6 : memref<40x128xf32, #tpu.memory_space<vmem>>) dst(%dma_wait3A_209 : memref<40x128xf32, #tpu.memory_space<vmem_shared>>)
    %mul3A_210 = arith.constant 632 : i32
    %mul3A_211 = arith.muli %arg1, %mul3A_210 : i32
    %add3A_212 = arith.constant 320 : i32
    %add3A_213 = arith.addi %mul3A_211, %add3A_212 : i32
    %dma_wait3A_214 = arith.constant 0 : i32
    %dma_wait3A_215 = tpu.memref_slice %arg7[%add3A_213, %dma_wait3A_214] : memref<10112x128xf32, #tpu.memory_space<vmem_shared>> -> memref<40x128xf32, #tpu.memory_space<vmem_shared>>
    %dma_wait3A_216 = arith.constant 0 : i32
    %dma_wait3A_217 = tpu.memref_slice %arg7[%add3A_213, %dma_wait3A_216] : memref<10112x128xf32, #tpu.memory_space<vmem_shared>> -> memref<40x128xf32, #tpu.memory_space<vmem_shared>>
    tpu.wait_dma2 semaphore(%arg9 : memref<!tpu.dma_semaphore, #tpu.memory_space<semaphore_mem>>) src(%arg6 : memref<40x128xf32, #tpu.memory_space<vmem>>) dst(%dma_wait3A_217 : memref<40x128xf32, #tpu.memory_space<vmem_shared>>)
    %mul3A_218 = arith.constant 632 : i32
    %mul3A_219 = arith.muli %arg1, %mul3A_218 : i32
    %add3A_220 = arith.constant 360 : i32
    %add3A_221 = arith.addi %mul3A_219, %add3A_220 : i32
    %dma_wait3A_222 = arith.constant 0 : i32
    %dma_wait3A_223 = tpu.memref_slice %arg7[%add3A_221, %dma_wait3A_222] : memref<10112x128xf32, #tpu.memory_space<vmem_shared>> -> memref<40x128xf32, #tpu.memory_space<vmem_shared>>
    %dma_wait3A_224 = arith.constant 0 : i32
    %dma_wait3A_225 = tpu.memref_slice %arg7[%add3A_221, %dma_wait3A_224] : memref<10112x128xf32, #tpu.memory_space<vmem_shared>> -> memref<40x128xf32, #tpu.memory_space<vmem_shared>>
    tpu.wait_dma2 semaphore(%arg9 : memref<!tpu.dma_semaphore, #tpu.memory_space<semaphore_mem>>) src(%arg6 : memref<40x128xf32, #tpu.memory_space<vmem>>) dst(%dma_wait3A_225 : memref<40x128xf32, #tpu.memory_space<vmem_shared>>)
    %mul3A_226 = arith.constant 632 : i32
    %mul3A_227 = arith.muli %arg1, %mul3A_226 : i32
    %add3A_228 = arith.constant 400 : i32
    %add3A_229 = arith.addi %mul3A_227, %add3A_228 : i32
    %dma_wait3A_230 = arith.constant 0 : i32
    %dma_wait3A_231 = tpu.memref_slice %arg7[%add3A_229, %dma_wait3A_230] : memref<10112x128xf32, #tpu.memory_space<vmem_shared>> -> memref<40x128xf32, #tpu.memory_space<vmem_shared>>
    %dma_wait3A_232 = arith.constant 0 : i32
    %dma_wait3A_233 = tpu.memref_slice %arg7[%add3A_229, %dma_wait3A_232] : memref<10112x128xf32, #tpu.memory_space<vmem_shared>> -> memref<40x128xf32, #tpu.memory_space<vmem_shared>>
    tpu.wait_dma2 semaphore(%arg9 : memref<!tpu.dma_semaphore, #tpu.memory_space<semaphore_mem>>) src(%arg6 : memref<40x128xf32, #tpu.memory_space<vmem>>) dst(%dma_wait3A_233 : memref<40x128xf32, #tpu.memory_space<vmem_shared>>)
    %mul3A_234 = arith.constant 632 : i32
    %mul3A_235 = arith.muli %arg1, %mul3A_234 : i32
    %add3A_236 = arith.constant 440 : i32
    %add3A_237 = arith.addi %mul3A_235, %add3A_236 : i32
    %dma_wait3A_238 = arith.constant 0 : i32
    %dma_wait3A_239 = tpu.memref_slice %arg7[%add3A_237, %dma_wait3A_238] : memref<10112x128xf32, #tpu.memory_space<vmem_shared>> -> memref<40x128xf32, #tpu.memory_space<vmem_shared>>
    %dma_wait3A_240 = arith.constant 0 : i32
    %dma_wait3A_241 = tpu.memref_slice %arg7[%add3A_237, %dma_wait3A_240] : memref<10112x128xf32, #tpu.memory_space<vmem_shared>> -> memref<40x128xf32, #tpu.memory_space<vmem_shared>>
    tpu.wait_dma2 semaphore(%arg9 : memref<!tpu.dma_semaphore, #tpu.memory_space<semaphore_mem>>) src(%arg6 : memref<40x128xf32, #tpu.memory_space<vmem>>) dst(%dma_wait3A_241 : memref<40x128xf32, #tpu.memory_space<vmem_shared>>)
    %mul3A_242 = arith.constant 632 : i32
    %mul3A_243 = arith.muli %arg1, %mul3A_242 : i32
    %add3A_244 = arith.constant 480 : i32
    %add3A_245 = arith.addi %mul3A_243, %add3A_244 : i32
    %dma_wait3A_246 = arith.constant 0 : i32
    %dma_wait3A_247 = tpu.memref_slice %arg7[%add3A_245, %dma_wait3A_246] : memref<10112x128xf32, #tpu.memory_space<vmem_shared>> -> memref<40x128xf32, #tpu.memory_space<vmem_shared>>
    %dma_wait3A_248 = arith.constant 0 : i32
    %dma_wait3A_249 = tpu.memref_slice %arg7[%add3A_245, %dma_wait3A_248] : memref<10112x128xf32, #tpu.memory_space<vmem_shared>> -> memref<40x128xf32, #tpu.memory_space<vmem_shared>>
    tpu.wait_dma2 semaphore(%arg9 : memref<!tpu.dma_semaphore, #tpu.memory_space<semaphore_mem>>) src(%arg6 : memref<40x128xf32, #tpu.memory_space<vmem>>) dst(%dma_wait3A_249 : memref<40x128xf32, #tpu.memory_space<vmem_shared>>)
    %mul3A_250 = arith.constant 632 : i32
    %mul3A_251 = arith.muli %arg1, %mul3A_250 : i32
    %add3A_252 = arith.constant 520 : i32
    %add3A_253 = arith.addi %mul3A_251, %add3A_252 : i32
    %dma_wait3A_254 = arith.constant 0 : i32
    %dma_wait3A_255 = tpu.memref_slice %arg7[%add3A_253, %dma_wait3A_254] : memref<10112x128xf32, #tpu.memory_space<vmem_shared>> -> memref<40x128xf32, #tpu.memory_space<vmem_shared>>
    %dma_wait3A_256 = arith.constant 0 : i32
    %dma_wait3A_257 = tpu.memref_slice %arg7[%add3A_253, %dma_wait3A_256] : memref<10112x128xf32, #tpu.memory_space<vmem_shared>> -> memref<40x128xf32, #tpu.memory_space<vmem_shared>>
    tpu.wait_dma2 semaphore(%arg9 : memref<!tpu.dma_semaphore, #tpu.memory_space<semaphore_mem>>) src(%arg6 : memref<40x128xf32, #tpu.memory_space<vmem>>) dst(%dma_wait3A_257 : memref<40x128xf32, #tpu.memory_space<vmem_shared>>)
    %mul3A_258 = arith.constant 632 : i32
    %mul3A_259 = arith.muli %arg1, %mul3A_258 : i32
    %add3A_260 = arith.constant 560 : i32
    %add3A_261 = arith.addi %mul3A_259, %add3A_260 : i32
    %dma_wait3A_262 = arith.constant 0 : i32
    %dma_wait3A_263 = tpu.memref_slice %arg7[%add3A_261, %dma_wait3A_262] : memref<10112x128xf32, #tpu.memory_space<vmem_shared>> -> memref<40x128xf32, #tpu.memory_space<vmem_shared>>
    %dma_wait3A_264 = arith.constant 0 : i32
    %dma_wait3A_265 = tpu.memref_slice %arg7[%add3A_261, %dma_wait3A_264] : memref<10112x128xf32, #tpu.memory_space<vmem_shared>> -> memref<40x128xf32, #tpu.memory_space<vmem_shared>>
    tpu.wait_dma2 semaphore(%arg9 : memref<!tpu.dma_semaphore, #tpu.memory_space<semaphore_mem>>) src(%arg6 : memref<40x128xf32, #tpu.memory_space<vmem>>) dst(%dma_wait3A_265 : memref<40x128xf32, #tpu.memory_space<vmem_shared>>)
    %mul3A_266 = arith.constant 632 : i32
    %mul3A_267 = arith.muli %arg1, %mul3A_266 : i32
    %add3A_268 = arith.constant 600 : i32
    %add3A_269 = arith.addi %mul3A_267, %add3A_268 : i32
    %dma_wait3A_270 = arith.constant 0 : i32
    %dma_wait3A_271 = arith.constant 0 : i32
    %dma_wait3A_272 = tpu.memref_slice %arg6[%dma_wait3A_270, %dma_wait3A_271] : memref<40x128xf32, #tpu.memory_space<vmem>> -> memref<32x128xf32, #tpu.memory_space<vmem>>
    %dma_wait3A_273 = arith.constant 0 : i32
    %dma_wait3A_274 = tpu.memref_slice %arg7[%add3A_269, %dma_wait3A_273] : memref<10112x128xf32, #tpu.memory_space<vmem_shared>> -> memref<32x128xf32, #tpu.memory_space<vmem_shared>>
    %dma_wait3A_275 = arith.constant 0 : i32
    %dma_wait3A_276 = tpu.memref_slice %arg7[%add3A_269, %dma_wait3A_275] : memref<10112x128xf32, #tpu.memory_space<vmem_shared>> -> memref<32x128xf32, #tpu.memory_space<vmem_shared>>
    %dma_wait3A_277 = arith.constant 0 : i32
    %dma_wait3A_278 = arith.constant 0 : i32
    %dma_wait3A_279 = tpu.memref_slice %arg6[%dma_wait3A_277, %dma_wait3A_278] : memref<40x128xf32, #tpu.memory_space<vmem>> -> memref<32x128xf32, #tpu.memory_space<vmem>>
    tpu.wait_dma2 semaphore(%arg9 : memref<!tpu.dma_semaphore, #tpu.memory_space<semaphore_mem>>) src(%dma_wait3A_279 : memref<32x128xf32, #tpu.memory_space<vmem>>) dst(%dma_wait3A_276 : memref<32x128xf32, #tpu.memory_space<vmem_shared>>)
    %barrier3A = arith.constant 0 : index
    tpu.barrier barrier_id(%barrier3A)
    %scan3A_280 = arith.constant 0 : i32
    %scan3A_281 = arith.constant 0 : i32
    %scan3A_282 = arith.constant 40 : i32
    %scan3A_283 = arith.addi %scan3A_281, %scan3A_282 : i32
    %scan3A_284 = arith.constant 1 : i32
    %scan3A_285 = scf.for %scan3A_292 = %scan3A_281 to %scan3A_283 step %scan3A_284 iter_args(%scan3A_293 = %scan3A_280) -> (i32)  : i32 {
      %mul3A_294 = arith.constant 2 : i32
      %mul3A_295 = arith.muli %mul3A_294, %scan3A_292 : i32
      %mul3A_296 = arith.constant 2 : i32
      %mul3A_297 = arith.muli %mul3A_296, %scan3A_292 : i32
      %add3A_298 = arith.constant 1 : i32
      %add3A_299 = arith.addi %mul3A_297, %add3A_298 : i32
      %dma_start3A_300 = arith.constant 0 : i32
      %dma_start3A_301 = tpu.memref_slice %arg4[%mul3A_295, %dma_start3A_300] : memref<80x128xi32, #tpu.memory_space<vmem>> -> memref<1x128xi32, #tpu.memory_space<vmem>>
      %dma_start3A_302 = tpu.memref_squeeze %dma_start3A_301 : memref<1x128xi32, #tpu.memory_space<vmem>> -> memref<128xi32, #tpu.memory_space<vmem>>
      %dma_start3A_303 = arith.constant 0 : i32
      %dma_start3A_304 = arith.constant 0 : i32
      %dma_start3A_305 = tpu.memref_slice %arg7[%dma_start3A_303, %dma_start3A_304] : memref<10112x128xf32, #tpu.memory_space<vmem_shared>> -> memref<10112x128xf32, #tpu.memory_space<vmem_shared>>
      tpu.enqueue_indirect_dma source(%arg5 : memref<128x128xf32, #tpu.memory_space<vmem>>) target(%dma_start3A_305 : memref<10112x128xf32, #tpu.memory_space<vmem_shared>>) offsets(%dma_start3A_302 : memref<128xi32, #tpu.memory_space<vmem>>) semaphore(%arg8 : memref<!tpu.dma_semaphore, #tpu.memory_space<semaphore_mem>>) {add = true}
      %dma_start3A_306 = arith.constant 0 : i32
      %dma_start3A_307 = tpu.memref_slice %arg4[%add3A_299, %dma_start3A_306] : memref<80x128xi32, #tpu.memory_space<vmem>> -> memref<1x128xi32, #tpu.memory_space<vmem>>
      %dma_start3A_308 = tpu.memref_squeeze %dma_start3A_307 : memref<1x128xi32, #tpu.memory_space<vmem>> -> memref<128xi32, #tpu.memory_space<vmem>>
      %dma_start3A_309 = arith.constant 0 : i32
      %dma_start3A_310 = arith.constant 0 : i32
      %dma_start3A_311 = tpu.memref_slice %arg7[%dma_start3A_309, %dma_start3A_310] : memref<10112x128xf32, #tpu.memory_space<vmem_shared>> -> memref<10112x128xf32, #tpu.memory_space<vmem_shared>>
      tpu.enqueue_indirect_dma source(%arg5 : memref<128x128xf32, #tpu.memory_space<vmem>>) target(%dma_start3A_311 : memref<10112x128xf32, #tpu.memory_space<vmem_shared>>) offsets(%dma_start3A_308 : memref<128xi32, #tpu.memory_space<vmem>>) semaphore(%arg9 : memref<!tpu.dma_semaphore, #tpu.memory_space<semaphore_mem>>) {add = true}
      %dma_wait3A_312 = arith.constant 0 : i32
      %dma_wait3A_313 = tpu.memref_slice %arg4[%mul3A_295, %dma_wait3A_312] : memref<80x128xi32, #tpu.memory_space<vmem>> -> memref<1x128xi32, #tpu.memory_space<vmem>>
      %dma_wait3A_314 = tpu.memref_squeeze %dma_wait3A_313 : memref<1x128xi32, #tpu.memory_space<vmem>> -> memref<128xi32, #tpu.memory_space<vmem>>
      %dma_wait3A_315 = arith.constant 0 : i32
      %dma_wait3A_316 = arith.constant 0 : i32
      %dma_wait3A_317 = tpu.memref_slice %arg7[%dma_wait3A_315, %dma_wait3A_316] : memref<10112x128xf32, #tpu.memory_space<vmem_shared>> -> memref<10112x128xf32, #tpu.memory_space<vmem_shared>>
      tpu.wait_indirect_dma semaphore(%arg8 : memref<!tpu.dma_semaphore, #tpu.memory_space<semaphore_mem>>) src(%arg5 : memref<128x128xf32, #tpu.memory_space<vmem>>) dst(%dma_wait3A_317 : memref<10112x128xf32, #tpu.memory_space<vmem_shared>>)
      %dma_wait3A_318 = arith.constant 0 : i32
      %dma_wait3A_319 = tpu.memref_slice %arg4[%add3A_299, %dma_wait3A_318] : memref<80x128xi32, #tpu.memory_space<vmem>> -> memref<1x128xi32, #tpu.memory_space<vmem>>
      %dma_wait3A_320 = tpu.memref_squeeze %dma_wait3A_319 : memref<1x128xi32, #tpu.memory_space<vmem>> -> memref<128xi32, #tpu.memory_space<vmem>>
      %dma_wait3A_321 = arith.constant 0 : i32
      %dma_wait3A_322 = arith.constant 0 : i32
      %dma_wait3A_323 = tpu.memref_slice %arg7[%dma_wait3A_321, %dma_wait3A_322] : memref<10112x128xf32, #tpu.memory_space<vmem_shared>> -> memref<10112x128xf32, #tpu.memory_space<vmem_shared>>
      tpu.wait_indirect_dma semaphore(%arg9 : memref<!tpu.dma_semaphore, #tpu.memory_space<semaphore_mem>>) src(%arg5 : memref<128x128xf32, #tpu.memory_space<vmem>>) dst(%dma_wait3A_323 : memref<10112x128xf32, #tpu.memory_space<vmem_shared>>)
      %scan3A_324 = arith.constant 0 : i32
      scf.yield %scan3A_324 : i32
    }
    %scan3A_286 = arith.constant 40 : i32
    %barrier3A_287 = arith.constant 0 : index
    tpu.barrier barrier_id(%barrier3A_287)
    %mul3A_288 = arith.constant 632 : i32
    %mul3A_289 = arith.muli %arg1, %mul3A_288 : i32
    %mul3A_290 = arith.constant 632 : i32
    %mul3A_291 = arith.muli %arg1, %mul3A_290 : i32
    "tpu.region"() ({
      %run_scoped3A = tpu.sem_alloc : memref<!tpu.dma_semaphore, #tpu.memory_space<semaphore_mem>>
      %dma_start3A_292 = arith.constant 0 : i32
      %dma_start3A_293 = tpu.memref_slice %arg3[%arg0, %mul3A_291, %dma_start3A_292] : memref<2x10112x128xf32, #tpu.memory_space<hbm>> -> memref<1x632x128xf32, #tpu.memory_space<hbm>>
      %dma_start3A_294 = tpu.memref_squeeze %dma_start3A_293 : memref<1x632x128xf32, #tpu.memory_space<hbm>> -> memref<632x128xf32, #tpu.memory_space<hbm>>
      %dma_start3A_295 = arith.constant 0 : i32
      %dma_start3A_296 = tpu.memref_slice %arg7[%mul3A_289, %dma_start3A_295] : memref<10112x128xf32, #tpu.memory_space<vmem_shared>> -> memref<632x128xf32, #tpu.memory_space<vmem_shared>>
      tpu.enqueue_dma source(%dma_start3A_296 : memref<632x128xf32, #tpu.memory_space<vmem_shared>>) target(%dma_start3A_294 : memref<632x128xf32, #tpu.memory_space<hbm>>) target_semaphore(%run_scoped3A : memref<!tpu.dma_semaphore, #tpu.memory_space<semaphore_mem>>)
      %dma_wait3A_297 = arith.constant 0 : i32
      %dma_wait3A_298 = tpu.memref_slice %arg3[%arg0, %mul3A_291, %dma_wait3A_297] : memref<2x10112x128xf32, #tpu.memory_space<hbm>> -> memref<1x632x128xf32, #tpu.memory_space<hbm>>
      %dma_wait3A_299 = tpu.memref_squeeze %dma_wait3A_298 : memref<1x632x128xf32, #tpu.memory_space<hbm>> -> memref<632x128xf32, #tpu.memory_space<hbm>>
      %dma_wait3A_300 = arith.constant 0 : i32
      %dma_wait3A_301 = tpu.memref_slice %arg7[%mul3A_289, %dma_wait3A_300] : memref<10112x128xf32, #tpu.memory_space<vmem_shared>> -> memref<632x128xf32, #tpu.memory_space<vmem_shared>>
      tpu.wait_dma2 semaphore(%run_scoped3A : memref<!tpu.dma_semaphore, #tpu.memory_space<semaphore_mem>>) src(%dma_wait3A_301 : memref<632x128xf32, #tpu.memory_space<vmem_shared>>) dst(%dma_wait3A_299 : memref<632x128xf32, #tpu.memory_space<hbm>>)
      tpu.yield
    }) : () -> ()
    return
  }
}

#map = affine_map<(d0, d1) -> (0, 0)>
#map1 = affine_map<(d0, d1) -> (0, 0, 0)>
module attributes {stable_mosaic.version = 14 : i64} {
  func.func @_scatter_body(%arg0: i32, %arg1: i32, %arg2: memref<10016x128xf32, #tpu.memory_space<hbm>>, %arg3: memref<32x80x128xi32, #tpu.memory_space<hbm>>, %arg4: memref<32x80x128xi32, #tpu.memory_space<hbm>>, %arg5: memref<2x10112x128xf32, #tpu.memory_space<hbm>>, %arg6: memref<40x128xi32, #tpu.memory_space<vmem>>, %arg7: memref<40x128xi32, #tpu.memory_space<vmem>>, %arg8: memref<128x128xf32, #tpu.memory_space<vmem>>, %arg9: memref<128x128xf32, #tpu.memory_space<vmem>>, %arg10: memref<40x128xf32, #tpu.memory_space<vmem>>, %arg11: memref<10112x128xf32, #tpu.memory_space<vmem_shared>>, %arg12: memref<!tpu.dma_semaphore, #tpu.memory_space<semaphore_mem>>, %arg13: memref<!tpu.dma_semaphore, #tpu.memory_space<semaphore_mem>>) attributes {dimension_semantics = [#tpu.dimension_semantics<core_parallel>, #tpu.dimension_semantics<subcore_parallel>], iteration_bounds = array<i64: 2, 16>, scalar_prefetch = 0 : i64, scratch_operands = 8 : i64, tpu.core_type = #tpu.core_type<sc_vector_subcore>, window_params = [{transform_indices = #map}, {transform_indices = #map1}, {transform_indices = #map1}, {transform_indices = #map1}]} {
    %mul3A = arith.constant 16 : i32
    %mul3A_0 = arith.muli %arg0, %mul3A : i32
    %add3A = arith.addi %mul3A_0, %arg1 : i32
    %scan3A = arith.constant 0 : i32
    %scan3A_1 = arith.constant 0 : i32
    %scan3A_2 = arith.constant 40 : i32
    %scan3A_3 = arith.addi %scan3A_1, %scan3A_2 : i32
    %scan3A_4 = arith.constant 1 : i32
    %scan3A_5 = scf.for %scan3A_285 = %scan3A_1 to %scan3A_3 step %scan3A_4 iter_args(%scan3A_286 = %scan3A) -> (i32)  : i32 {
      %broadcast_in_dim3A = arith.constant 0.000000e+00 : f32
      %broadcast_in_dim3A_287 = vector.broadcast %broadcast_in_dim3A : f32 to vector<16xf32>
      %swap3A = arith.index_cast %scan3A_285 : i32 to index
      %swap3A_288 = arith.constant 0 : index
      %swap3A_289 = tpu.vector_load %arg10[%swap3A, %swap3A_288] {strides = array<i32>} : memref<40x128xf32, #tpu.memory_space<vmem>>, vector<1x16xf32>,
      %swap3A_290 = vector.shape_cast %swap3A_289 : vector<1x16xf32> to vector<16xf32>
      %swap3A_291 = vector.shape_cast %broadcast_in_dim3A_287 : vector<16xf32> to vector<1x16xf32>
      tpu.vector_store %arg10[%swap3A, %swap3A_288], %swap3A_291 {strides = array<i32>} : memref<40x128xf32, #tpu.memory_space<vmem>>, vector<1x16xf32>,
      %broadcast_in_dim3A_292 = arith.constant 0.000000e+00 : f32
      %broadcast_in_dim3A_293 = vector.broadcast %broadcast_in_dim3A_292 : f32 to vector<16xf32>
      %swap3A_294 = arith.index_cast %scan3A_285 : i32 to index
      %swap3A_295 = arith.constant 16 : index
      %swap3A_296 = tpu.vector_load %arg10[%swap3A_294, %swap3A_295] {strides = array<i32>} : memref<40x128xf32, #tpu.memory_space<vmem>>, vector<1x16xf32>,
      %swap3A_297 = vector.shape_cast %swap3A_296 : vector<1x16xf32> to vector<16xf32>
      %swap3A_298 = vector.shape_cast %broadcast_in_dim3A_293 : vector<16xf32> to vector<1x16xf32>
      tpu.vector_store %arg10[%swap3A_294, %swap3A_295], %swap3A_298 {strides = array<i32>} : memref<40x128xf32, #tpu.memory_space<vmem>>, vector<1x16xf32>,
      %broadcast_in_dim3A_299 = arith.constant 0.000000e+00 : f32
      %broadcast_in_dim3A_300 = vector.broadcast %broadcast_in_dim3A_299 : f32 to vector<16xf32>
      %swap3A_301 = arith.index_cast %scan3A_285 : i32 to index
      %swap3A_302 = arith.constant 32 : index
      %swap3A_303 = tpu.vector_load %arg10[%swap3A_301, %swap3A_302] {strides = array<i32>} : memref<40x128xf32, #tpu.memory_space<vmem>>, vector<1x16xf32>,
      %swap3A_304 = vector.shape_cast %swap3A_303 : vector<1x16xf32> to vector<16xf32>
      %swap3A_305 = vector.shape_cast %broadcast_in_dim3A_300 : vector<16xf32> to vector<1x16xf32>
      tpu.vector_store %arg10[%swap3A_301, %swap3A_302], %swap3A_305 {strides = array<i32>} : memref<40x128xf32, #tpu.memory_space<vmem>>, vector<1x16xf32>,
      %broadcast_in_dim3A_306 = arith.constant 0.000000e+00 : f32
      %broadcast_in_dim3A_307 = vector.broadcast %broadcast_in_dim3A_306 : f32 to vector<16xf32>
      %swap3A_308 = arith.index_cast %scan3A_285 : i32 to index
      %swap3A_309 = arith.constant 48 : index
      %swap3A_310 = tpu.vector_load %arg10[%swap3A_308, %swap3A_309] {strides = array<i32>} : memref<40x128xf32, #tpu.memory_space<vmem>>, vector<1x16xf32>,
      %swap3A_311 = vector.shape_cast %swap3A_310 : vector<1x16xf32> to vector<16xf32>
      %swap3A_312 = vector.shape_cast %broadcast_in_dim3A_307 : vector<16xf32> to vector<1x16xf32>
      tpu.vector_store %arg10[%swap3A_308, %swap3A_309], %swap3A_312 {strides = array<i32>} : memref<40x128xf32, #tpu.memory_space<vmem>>, vector<1x16xf32>,
      %broadcast_in_dim3A_313 = arith.constant 0.000000e+00 : f32
      %broadcast_in_dim3A_314 = vector.broadcast %broadcast_in_dim3A_313 : f32 to vector<16xf32>
      %swap3A_315 = arith.index_cast %scan3A_285 : i32 to index
      %swap3A_316 = arith.constant 64 : index
      %swap3A_317 = tpu.vector_load %arg10[%swap3A_315, %swap3A_316] {strides = array<i32>} : memref<40x128xf32, #tpu.memory_space<vmem>>, vector<1x16xf32>,
      %swap3A_318 = vector.shape_cast %swap3A_317 : vector<1x16xf32> to vector<16xf32>
      %swap3A_319 = vector.shape_cast %broadcast_in_dim3A_314 : vector<16xf32> to vector<1x16xf32>
      tpu.vector_store %arg10[%swap3A_315, %swap3A_316], %swap3A_319 {strides = array<i32>} : memref<40x128xf32, #tpu.memory_space<vmem>>, vector<1x16xf32>,
      %broadcast_in_dim3A_320 = arith.constant 0.000000e+00 : f32
      %broadcast_in_dim3A_321 = vector.broadcast %broadcast_in_dim3A_320 : f32 to vector<16xf32>
      %swap3A_322 = arith.index_cast %scan3A_285 : i32 to index
      %swap3A_323 = arith.constant 80 : index
      %swap3A_324 = tpu.vector_load %arg10[%swap3A_322, %swap3A_323] {strides = array<i32>} : memref<40x128xf32, #tpu.memory_space<vmem>>, vector<1x16xf32>,
      %swap3A_325 = vector.shape_cast %swap3A_324 : vector<1x16xf32> to vector<16xf32>
      %swap3A_326 = vector.shape_cast %broadcast_in_dim3A_321 : vector<16xf32> to vector<1x16xf32>
      tpu.vector_store %arg10[%swap3A_322, %swap3A_323], %swap3A_326 {strides = array<i32>} : memref<40x128xf32, #tpu.memory_space<vmem>>, vector<1x16xf32>,
      %broadcast_in_dim3A_327 = arith.constant 0.000000e+00 : f32
      %broadcast_in_dim3A_328 = vector.broadcast %broadcast_in_dim3A_327 : f32 to vector<16xf32>
      %swap3A_329 = arith.index_cast %scan3A_285 : i32 to index
      %swap3A_330 = arith.constant 96 : index
      %swap3A_331 = tpu.vector_load %arg10[%swap3A_329, %swap3A_330] {strides = array<i32>} : memref<40x128xf32, #tpu.memory_space<vmem>>, vector<1x16xf32>,
      %swap3A_332 = vector.shape_cast %swap3A_331 : vector<1x16xf32> to vector<16xf32>
      %swap3A_333 = vector.shape_cast %broadcast_in_dim3A_328 : vector<16xf32> to vector<1x16xf32>
      tpu.vector_store %arg10[%swap3A_329, %swap3A_330], %swap3A_333 {strides = array<i32>} : memref<40x128xf32, #tpu.memory_space<vmem>>, vector<1x16xf32>,
      %broadcast_in_dim3A_334 = arith.constant 0.000000e+00 : f32
      %broadcast_in_dim3A_335 = vector.broadcast %broadcast_in_dim3A_334 : f32 to vector<16xf32>
      %swap3A_336 = arith.index_cast %scan3A_285 : i32 to index
      %swap3A_337 = arith.constant 112 : index
      %swap3A_338 = tpu.vector_load %arg10[%swap3A_336, %swap3A_337] {strides = array<i32>} : memref<40x128xf32, #tpu.memory_space<vmem>>, vector<1x16xf32>,
      %swap3A_339 = vector.shape_cast %swap3A_338 : vector<1x16xf32> to vector<16xf32>
      %swap3A_340 = vector.shape_cast %broadcast_in_dim3A_335 : vector<16xf32> to vector<1x16xf32>
      tpu.vector_store %arg10[%swap3A_336, %swap3A_337], %swap3A_340 {strides = array<i32>} : memref<40x128xf32, #tpu.memory_space<vmem>>, vector<1x16xf32>,
      %scan3A_341 = arith.constant 0 : i32
      scf.yield %scan3A_341 : i32
    }
    %scan3A_6 = arith.constant 40 : i32
    %mul3A_7 = arith.constant 632 : i32
    %mul3A_8 = arith.muli %arg1, %mul3A_7 : i32
    %add3A_9 = arith.constant 0 : i32
    %add3A_10 = arith.addi %mul3A_8, %add3A_9 : i32
    %dma_start3A = arith.constant 0 : i32
    %dma_start3A_11 = tpu.memref_slice %arg11[%add3A_10, %dma_start3A] : memref<10112x128xf32, #tpu.memory_space<vmem_shared>> -> memref<40x128xf32, #tpu.memory_space<vmem_shared>>
    %dma_start3A_12 = arith.constant 0 : i32
    %dma_start3A_13 = tpu.memref_slice %arg11[%add3A_10, %dma_start3A_12] : memref<10112x128xf32, #tpu.memory_space<vmem_shared>> -> memref<40x128xf32, #tpu.memory_space<vmem_shared>>
    tpu.enqueue_dma source(%arg10 : memref<40x128xf32, #tpu.memory_space<vmem>>) target(%dma_start3A_13 : memref<40x128xf32, #tpu.memory_space<vmem_shared>>) target_semaphore(%arg13 : memref<!tpu.dma_semaphore, #tpu.memory_space<semaphore_mem>>)
    %mul3A_14 = arith.constant 632 : i32
    %mul3A_15 = arith.muli %arg1, %mul3A_14 : i32
    %add3A_16 = arith.constant 40 : i32
    %add3A_17 = arith.addi %mul3A_15, %add3A_16 : i32
    %dma_start3A_18 = arith.constant 0 : i32
    %dma_start3A_19 = tpu.memref_slice %arg11[%add3A_17, %dma_start3A_18] : memref<10112x128xf32, #tpu.memory_space<vmem_shared>> -> memref<40x128xf32, #tpu.memory_space<vmem_shared>>
    %dma_start3A_20 = arith.constant 0 : i32
    %dma_start3A_21 = tpu.memref_slice %arg11[%add3A_17, %dma_start3A_20] : memref<10112x128xf32, #tpu.memory_space<vmem_shared>> -> memref<40x128xf32, #tpu.memory_space<vmem_shared>>
    tpu.enqueue_dma source(%arg10 : memref<40x128xf32, #tpu.memory_space<vmem>>) target(%dma_start3A_21 : memref<40x128xf32, #tpu.memory_space<vmem_shared>>) target_semaphore(%arg13 : memref<!tpu.dma_semaphore, #tpu.memory_space<semaphore_mem>>)
    %mul3A_22 = arith.constant 632 : i32
    %mul3A_23 = arith.muli %arg1, %mul3A_22 : i32
    %add3A_24 = arith.constant 80 : i32
    %add3A_25 = arith.addi %mul3A_23, %add3A_24 : i32
    %dma_start3A_26 = arith.constant 0 : i32
    %dma_start3A_27 = tpu.memref_slice %arg11[%add3A_25, %dma_start3A_26] : memref<10112x128xf32, #tpu.memory_space<vmem_shared>> -> memref<40x128xf32, #tpu.memory_space<vmem_shared>>
    %dma_start3A_28 = arith.constant 0 : i32
    %dma_start3A_29 = tpu.memref_slice %arg11[%add3A_25, %dma_start3A_28] : memref<10112x128xf32, #tpu.memory_space<vmem_shared>> -> memref<40x128xf32, #tpu.memory_space<vmem_shared>>
    tpu.enqueue_dma source(%arg10 : memref<40x128xf32, #tpu.memory_space<vmem>>) target(%dma_start3A_29 : memref<40x128xf32, #tpu.memory_space<vmem_shared>>) target_semaphore(%arg13 : memref<!tpu.dma_semaphore, #tpu.memory_space<semaphore_mem>>)
    %mul3A_30 = arith.constant 632 : i32
    %mul3A_31 = arith.muli %arg1, %mul3A_30 : i32
    %add3A_32 = arith.constant 120 : i32
    %add3A_33 = arith.addi %mul3A_31, %add3A_32 : i32
    %dma_start3A_34 = arith.constant 0 : i32
    %dma_start3A_35 = tpu.memref_slice %arg11[%add3A_33, %dma_start3A_34] : memref<10112x128xf32, #tpu.memory_space<vmem_shared>> -> memref<40x128xf32, #tpu.memory_space<vmem_shared>>
    %dma_start3A_36 = arith.constant 0 : i32
    %dma_start3A_37 = tpu.memref_slice %arg11[%add3A_33, %dma_start3A_36] : memref<10112x128xf32, #tpu.memory_space<vmem_shared>> -> memref<40x128xf32, #tpu.memory_space<vmem_shared>>
    tpu.enqueue_dma source(%arg10 : memref<40x128xf32, #tpu.memory_space<vmem>>) target(%dma_start3A_37 : memref<40x128xf32, #tpu.memory_space<vmem_shared>>) target_semaphore(%arg13 : memref<!tpu.dma_semaphore, #tpu.memory_space<semaphore_mem>>)
    %mul3A_38 = arith.constant 632 : i32
    %mul3A_39 = arith.muli %arg1, %mul3A_38 : i32
    %add3A_40 = arith.constant 160 : i32
    %add3A_41 = arith.addi %mul3A_39, %add3A_40 : i32
    %dma_start3A_42 = arith.constant 0 : i32
    %dma_start3A_43 = tpu.memref_slice %arg11[%add3A_41, %dma_start3A_42] : memref<10112x128xf32, #tpu.memory_space<vmem_shared>> -> memref<40x128xf32, #tpu.memory_space<vmem_shared>>
    %dma_start3A_44 = arith.constant 0 : i32
    %dma_start3A_45 = tpu.memref_slice %arg11[%add3A_41, %dma_start3A_44] : memref<10112x128xf32, #tpu.memory_space<vmem_shared>> -> memref<40x128xf32, #tpu.memory_space<vmem_shared>>
    tpu.enqueue_dma source(%arg10 : memref<40x128xf32, #tpu.memory_space<vmem>>) target(%dma_start3A_45 : memref<40x128xf32, #tpu.memory_space<vmem_shared>>) target_semaphore(%arg13 : memref<!tpu.dma_semaphore, #tpu.memory_space<semaphore_mem>>)
    %mul3A_46 = arith.constant 632 : i32
    %mul3A_47 = arith.muli %arg1, %mul3A_46 : i32
    %add3A_48 = arith.constant 200 : i32
    %add3A_49 = arith.addi %mul3A_47, %add3A_48 : i32
    %dma_start3A_50 = arith.constant 0 : i32
    %dma_start3A_51 = tpu.memref_slice %arg11[%add3A_49, %dma_start3A_50] : memref<10112x128xf32, #tpu.memory_space<vmem_shared>> -> memref<40x128xf32, #tpu.memory_space<vmem_shared>>
    %dma_start3A_52 = arith.constant 0 : i32
    %dma_start3A_53 = tpu.memref_slice %arg11[%add3A_49, %dma_start3A_52] : memref<10112x128xf32, #tpu.memory_space<vmem_shared>> -> memref<40x128xf32, #tpu.memory_space<vmem_shared>>
    tpu.enqueue_dma source(%arg10 : memref<40x128xf32, #tpu.memory_space<vmem>>) target(%dma_start3A_53 : memref<40x128xf32, #tpu.memory_space<vmem_shared>>) target_semaphore(%arg13 : memref<!tpu.dma_semaphore, #tpu.memory_space<semaphore_mem>>)
    %mul3A_54 = arith.constant 632 : i32
    %mul3A_55 = arith.muli %arg1, %mul3A_54 : i32
    %add3A_56 = arith.constant 240 : i32
    %add3A_57 = arith.addi %mul3A_55, %add3A_56 : i32
    %dma_start3A_58 = arith.constant 0 : i32
    %dma_start3A_59 = tpu.memref_slice %arg11[%add3A_57, %dma_start3A_58] : memref<10112x128xf32, #tpu.memory_space<vmem_shared>> -> memref<40x128xf32, #tpu.memory_space<vmem_shared>>
    %dma_start3A_60 = arith.constant 0 : i32
    %dma_start3A_61 = tpu.memref_slice %arg11[%add3A_57, %dma_start3A_60] : memref<10112x128xf32, #tpu.memory_space<vmem_shared>> -> memref<40x128xf32, #tpu.memory_space<vmem_shared>>
    tpu.enqueue_dma source(%arg10 : memref<40x128xf32, #tpu.memory_space<vmem>>) target(%dma_start3A_61 : memref<40x128xf32, #tpu.memory_space<vmem_shared>>) target_semaphore(%arg13 : memref<!tpu.dma_semaphore, #tpu.memory_space<semaphore_mem>>)
    %mul3A_62 = arith.constant 632 : i32
    %mul3A_63 = arith.muli %arg1, %mul3A_62 : i32
    %add3A_64 = arith.constant 280 : i32
    %add3A_65 = arith.addi %mul3A_63, %add3A_64 : i32
    %dma_start3A_66 = arith.constant 0 : i32
    %dma_start3A_67 = tpu.memref_slice %arg11[%add3A_65, %dma_start3A_66] : memref<10112x128xf32, #tpu.memory_space<vmem_shared>> -> memref<40x128xf32, #tpu.memory_space<vmem_shared>>
    %dma_start3A_68 = arith.constant 0 : i32
    %dma_start3A_69 = tpu.memref_slice %arg11[%add3A_65, %dma_start3A_68] : memref<10112x128xf32, #tpu.memory_space<vmem_shared>> -> memref<40x128xf32, #tpu.memory_space<vmem_shared>>
    tpu.enqueue_dma source(%arg10 : memref<40x128xf32, #tpu.memory_space<vmem>>) target(%dma_start3A_69 : memref<40x128xf32, #tpu.memory_space<vmem_shared>>) target_semaphore(%arg13 : memref<!tpu.dma_semaphore, #tpu.memory_space<semaphore_mem>>)
    %mul3A_70 = arith.constant 632 : i32
    %mul3A_71 = arith.muli %arg1, %mul3A_70 : i32
    %add3A_72 = arith.constant 320 : i32
    %add3A_73 = arith.addi %mul3A_71, %add3A_72 : i32
    %dma_start3A_74 = arith.constant 0 : i32
    %dma_start3A_75 = tpu.memref_slice %arg11[%add3A_73, %dma_start3A_74] : memref<10112x128xf32, #tpu.memory_space<vmem_shared>> -> memref<40x128xf32, #tpu.memory_space<vmem_shared>>
    %dma_start3A_76 = arith.constant 0 : i32
    %dma_start3A_77 = tpu.memref_slice %arg11[%add3A_73, %dma_start3A_76] : memref<10112x128xf32, #tpu.memory_space<vmem_shared>> -> memref<40x128xf32, #tpu.memory_space<vmem_shared>>
    tpu.enqueue_dma source(%arg10 : memref<40x128xf32, #tpu.memory_space<vmem>>) target(%dma_start3A_77 : memref<40x128xf32, #tpu.memory_space<vmem_shared>>) target_semaphore(%arg13 : memref<!tpu.dma_semaphore, #tpu.memory_space<semaphore_mem>>)
    %mul3A_78 = arith.constant 632 : i32
    %mul3A_79 = arith.muli %arg1, %mul3A_78 : i32
    %add3A_80 = arith.constant 360 : i32
    %add3A_81 = arith.addi %mul3A_79, %add3A_80 : i32
    %dma_start3A_82 = arith.constant 0 : i32
    %dma_start3A_83 = tpu.memref_slice %arg11[%add3A_81, %dma_start3A_82] : memref<10112x128xf32, #tpu.memory_space<vmem_shared>> -> memref<40x128xf32, #tpu.memory_space<vmem_shared>>
    %dma_start3A_84 = arith.constant 0 : i32
    %dma_start3A_85 = tpu.memref_slice %arg11[%add3A_81, %dma_start3A_84] : memref<10112x128xf32, #tpu.memory_space<vmem_shared>> -> memref<40x128xf32, #tpu.memory_space<vmem_shared>>
    tpu.enqueue_dma source(%arg10 : memref<40x128xf32, #tpu.memory_space<vmem>>) target(%dma_start3A_85 : memref<40x128xf32, #tpu.memory_space<vmem_shared>>) target_semaphore(%arg13 : memref<!tpu.dma_semaphore, #tpu.memory_space<semaphore_mem>>)
    %mul3A_86 = arith.constant 632 : i32
    %mul3A_87 = arith.muli %arg1, %mul3A_86 : i32
    %add3A_88 = arith.constant 400 : i32
    %add3A_89 = arith.addi %mul3A_87, %add3A_88 : i32
    %dma_start3A_90 = arith.constant 0 : i32
    %dma_start3A_91 = tpu.memref_slice %arg11[%add3A_89, %dma_start3A_90] : memref<10112x128xf32, #tpu.memory_space<vmem_shared>> -> memref<40x128xf32, #tpu.memory_space<vmem_shared>>
    %dma_start3A_92 = arith.constant 0 : i32
    %dma_start3A_93 = tpu.memref_slice %arg11[%add3A_89, %dma_start3A_92] : memref<10112x128xf32, #tpu.memory_space<vmem_shared>> -> memref<40x128xf32, #tpu.memory_space<vmem_shared>>
    tpu.enqueue_dma source(%arg10 : memref<40x128xf32, #tpu.memory_space<vmem>>) target(%dma_start3A_93 : memref<40x128xf32, #tpu.memory_space<vmem_shared>>) target_semaphore(%arg13 : memref<!tpu.dma_semaphore, #tpu.memory_space<semaphore_mem>>)
    %mul3A_94 = arith.constant 632 : i32
    %mul3A_95 = arith.muli %arg1, %mul3A_94 : i32
    %add3A_96 = arith.constant 440 : i32
    %add3A_97 = arith.addi %mul3A_95, %add3A_96 : i32
    %dma_start3A_98 = arith.constant 0 : i32
    %dma_start3A_99 = tpu.memref_slice %arg11[%add3A_97, %dma_start3A_98] : memref<10112x128xf32, #tpu.memory_space<vmem_shared>> -> memref<40x128xf32, #tpu.memory_space<vmem_shared>>
    %dma_start3A_100 = arith.constant 0 : i32
    %dma_start3A_101 = tpu.memref_slice %arg11[%add3A_97, %dma_start3A_100] : memref<10112x128xf32, #tpu.memory_space<vmem_shared>> -> memref<40x128xf32, #tpu.memory_space<vmem_shared>>
    tpu.enqueue_dma source(%arg10 : memref<40x128xf32, #tpu.memory_space<vmem>>) target(%dma_start3A_101 : memref<40x128xf32, #tpu.memory_space<vmem_shared>>) target_semaphore(%arg13 : memref<!tpu.dma_semaphore, #tpu.memory_space<semaphore_mem>>)
    %mul3A_102 = arith.constant 632 : i32
    %mul3A_103 = arith.muli %arg1, %mul3A_102 : i32
    %add3A_104 = arith.constant 480 : i32
    %add3A_105 = arith.addi %mul3A_103, %add3A_104 : i32
    %dma_start3A_106 = arith.constant 0 : i32
    %dma_start3A_107 = tpu.memref_slice %arg11[%add3A_105, %dma_start3A_106] : memref<10112x128xf32, #tpu.memory_space<vmem_shared>> -> memref<40x128xf32, #tpu.memory_space<vmem_shared>>
    %dma_start3A_108 = arith.constant 0 : i32
    %dma_start3A_109 = tpu.memref_slice %arg11[%add3A_105, %dma_start3A_108] : memref<10112x128xf32, #tpu.memory_space<vmem_shared>> -> memref<40x128xf32, #tpu.memory_space<vmem_shared>>
    tpu.enqueue_dma source(%arg10 : memref<40x128xf32, #tpu.memory_space<vmem>>) target(%dma_start3A_109 : memref<40x128xf32, #tpu.memory_space<vmem_shared>>) target_semaphore(%arg13 : memref<!tpu.dma_semaphore, #tpu.memory_space<semaphore_mem>>)
    %mul3A_110 = arith.constant 632 : i32
    %mul3A_111 = arith.muli %arg1, %mul3A_110 : i32
    %add3A_112 = arith.constant 520 : i32
    %add3A_113 = arith.addi %mul3A_111, %add3A_112 : i32
    %dma_start3A_114 = arith.constant 0 : i32
    %dma_start3A_115 = tpu.memref_slice %arg11[%add3A_113, %dma_start3A_114] : memref<10112x128xf32, #tpu.memory_space<vmem_shared>> -> memref<40x128xf32, #tpu.memory_space<vmem_shared>>
    %dma_start3A_116 = arith.constant 0 : i32
    %dma_start3A_117 = tpu.memref_slice %arg11[%add3A_113, %dma_start3A_116] : memref<10112x128xf32, #tpu.memory_space<vmem_shared>> -> memref<40x128xf32, #tpu.memory_space<vmem_shared>>
    tpu.enqueue_dma source(%arg10 : memref<40x128xf32, #tpu.memory_space<vmem>>) target(%dma_start3A_117 : memref<40x128xf32, #tpu.memory_space<vmem_shared>>) target_semaphore(%arg13 : memref<!tpu.dma_semaphore, #tpu.memory_space<semaphore_mem>>)
    %mul3A_118 = arith.constant 632 : i32
    %mul3A_119 = arith.muli %arg1, %mul3A_118 : i32
    %add3A_120 = arith.constant 560 : i32
    %add3A_121 = arith.addi %mul3A_119, %add3A_120 : i32
    %dma_start3A_122 = arith.constant 0 : i32
    %dma_start3A_123 = tpu.memref_slice %arg11[%add3A_121, %dma_start3A_122] : memref<10112x128xf32, #tpu.memory_space<vmem_shared>> -> memref<40x128xf32, #tpu.memory_space<vmem_shared>>
    %dma_start3A_124 = arith.constant 0 : i32
    %dma_start3A_125 = tpu.memref_slice %arg11[%add3A_121, %dma_start3A_124] : memref<10112x128xf32, #tpu.memory_space<vmem_shared>> -> memref<40x128xf32, #tpu.memory_space<vmem_shared>>
    tpu.enqueue_dma source(%arg10 : memref<40x128xf32, #tpu.memory_space<vmem>>) target(%dma_start3A_125 : memref<40x128xf32, #tpu.memory_space<vmem_shared>>) target_semaphore(%arg13 : memref<!tpu.dma_semaphore, #tpu.memory_space<semaphore_mem>>)
    %mul3A_126 = arith.constant 632 : i32
    %mul3A_127 = arith.muli %arg1, %mul3A_126 : i32
    %add3A_128 = arith.constant 600 : i32
    %add3A_129 = arith.addi %mul3A_127, %add3A_128 : i32
    %dma_start3A_130 = arith.constant 0 : i32
    %dma_start3A_131 = arith.constant 0 : i32
    %dma_start3A_132 = tpu.memref_slice %arg10[%dma_start3A_130, %dma_start3A_131] : memref<40x128xf32, #tpu.memory_space<vmem>> -> memref<32x128xf32, #tpu.memory_space<vmem>>
    %dma_start3A_133 = arith.constant 0 : i32
    %dma_start3A_134 = tpu.memref_slice %arg11[%add3A_129, %dma_start3A_133] : memref<10112x128xf32, #tpu.memory_space<vmem_shared>> -> memref<32x128xf32, #tpu.memory_space<vmem_shared>>
    %dma_start3A_135 = arith.constant 0 : i32
    %dma_start3A_136 = tpu.memref_slice %arg11[%add3A_129, %dma_start3A_135] : memref<10112x128xf32, #tpu.memory_space<vmem_shared>> -> memref<32x128xf32, #tpu.memory_space<vmem_shared>>
    %dma_start3A_137 = arith.constant 0 : i32
    %dma_start3A_138 = arith.constant 0 : i32
    %dma_start3A_139 = tpu.memref_slice %arg10[%dma_start3A_137, %dma_start3A_138] : memref<40x128xf32, #tpu.memory_space<vmem>> -> memref<32x128xf32, #tpu.memory_space<vmem>>
    tpu.enqueue_dma source(%dma_start3A_139 : memref<32x128xf32, #tpu.memory_space<vmem>>) target(%dma_start3A_136 : memref<32x128xf32, #tpu.memory_space<vmem_shared>>) target_semaphore(%arg13 : memref<!tpu.dma_semaphore, #tpu.memory_space<semaphore_mem>>)
    "tpu.region"() ({
      %run_scoped3A = tpu.sem_alloc : memref<!tpu.dma_semaphore, #tpu.memory_space<semaphore_mem>>
      %dma_start3A_285 = arith.constant 0 : i32
      %dma_start3A_286 = arith.constant 0 : i32
      %dma_start3A_287 = tpu.memref_slice %arg3[%add3A, %dma_start3A_285, %dma_start3A_286] : memref<32x80x128xi32, #tpu.memory_space<hbm>> -> memref<1x40x128xi32, #tpu.memory_space<hbm>>
      %dma_start3A_288 = tpu.memref_squeeze %dma_start3A_287 : memref<1x40x128xi32, #tpu.memory_space<hbm>> -> memref<40x128xi32, #tpu.memory_space<hbm>>
      %dma_start3A_289 = arith.constant 0 : i32
      %dma_start3A_290 = arith.constant 0 : i32
      %dma_start3A_291 = tpu.memref_slice %arg3[%add3A, %dma_start3A_289, %dma_start3A_290] : memref<32x80x128xi32, #tpu.memory_space<hbm>> -> memref<1x40x128xi32, #tpu.memory_space<hbm>>
      %dma_start3A_292 = tpu.memref_squeeze %dma_start3A_291 : memref<1x40x128xi32, #tpu.memory_space<hbm>> -> memref<40x128xi32, #tpu.memory_space<hbm>>
      tpu.enqueue_dma source(%dma_start3A_292 : memref<40x128xi32, #tpu.memory_space<hbm>>) target(%arg6 : memref<40x128xi32, #tpu.memory_space<vmem>>) target_semaphore(%run_scoped3A : memref<!tpu.dma_semaphore, #tpu.memory_space<semaphore_mem>>)
      %dma_wait3A_293 = arith.constant 0 : i32
      %dma_wait3A_294 = arith.constant 0 : i32
      %dma_wait3A_295 = tpu.memref_slice %arg3[%add3A, %dma_wait3A_293, %dma_wait3A_294] : memref<32x80x128xi32, #tpu.memory_space<hbm>> -> memref<1x40x128xi32, #tpu.memory_space<hbm>>
      %dma_wait3A_296 = tpu.memref_squeeze %dma_wait3A_295 : memref<1x40x128xi32, #tpu.memory_space<hbm>> -> memref<40x128xi32, #tpu.memory_space<hbm>>
      %dma_wait3A_297 = arith.constant 0 : i32
      %dma_wait3A_298 = arith.constant 0 : i32
      %dma_wait3A_299 = tpu.memref_slice %arg3[%add3A, %dma_wait3A_297, %dma_wait3A_298] : memref<32x80x128xi32, #tpu.memory_space<hbm>> -> memref<1x40x128xi32, #tpu.memory_space<hbm>>
      %dma_wait3A_300 = tpu.memref_squeeze %dma_wait3A_299 : memref<1x40x128xi32, #tpu.memory_space<hbm>> -> memref<40x128xi32, #tpu.memory_space<hbm>>
      tpu.wait_dma2 semaphore(%run_scoped3A : memref<!tpu.dma_semaphore, #tpu.memory_space<semaphore_mem>>) src(%dma_wait3A_300 : memref<40x128xi32, #tpu.memory_space<hbm>>) dst(%arg6 : memref<40x128xi32, #tpu.memory_space<vmem>>)
      tpu.yield
    }) : () -> ()
    "tpu.region"() ({
      %run_scoped3A = tpu.sem_alloc : memref<!tpu.dma_semaphore, #tpu.memory_space<semaphore_mem>>
      %dma_start3A_285 = arith.constant 0 : i32
      %dma_start3A_286 = arith.constant 0 : i32
      %dma_start3A_287 = tpu.memref_slice %arg4[%add3A, %dma_start3A_285, %dma_start3A_286] : memref<32x80x128xi32, #tpu.memory_space<hbm>> -> memref<1x40x128xi32, #tpu.memory_space<hbm>>
      %dma_start3A_288 = tpu.memref_squeeze %dma_start3A_287 : memref<1x40x128xi32, #tpu.memory_space<hbm>> -> memref<40x128xi32, #tpu.memory_space<hbm>>
      %dma_start3A_289 = arith.constant 0 : i32
      %dma_start3A_290 = arith.constant 0 : i32
      %dma_start3A_291 = tpu.memref_slice %arg4[%add3A, %dma_start3A_289, %dma_start3A_290] : memref<32x80x128xi32, #tpu.memory_space<hbm>> -> memref<1x40x128xi32, #tpu.memory_space<hbm>>
      %dma_start3A_292 = tpu.memref_squeeze %dma_start3A_291 : memref<1x40x128xi32, #tpu.memory_space<hbm>> -> memref<40x128xi32, #tpu.memory_space<hbm>>
      tpu.enqueue_dma source(%dma_start3A_292 : memref<40x128xi32, #tpu.memory_space<hbm>>) target(%arg7 : memref<40x128xi32, #tpu.memory_space<vmem>>) target_semaphore(%run_scoped3A : memref<!tpu.dma_semaphore, #tpu.memory_space<semaphore_mem>>)
      %dma_wait3A_293 = arith.constant 0 : i32
      %dma_wait3A_294 = arith.constant 0 : i32
      %dma_wait3A_295 = tpu.memref_slice %arg4[%add3A, %dma_wait3A_293, %dma_wait3A_294] : memref<32x80x128xi32, #tpu.memory_space<hbm>> -> memref<1x40x128xi32, #tpu.memory_space<hbm>>
      %dma_wait3A_296 = tpu.memref_squeeze %dma_wait3A_295 : memref<1x40x128xi32, #tpu.memory_space<hbm>> -> memref<40x128xi32, #tpu.memory_space<hbm>>
      %dma_wait3A_297 = arith.constant 0 : i32
      %dma_wait3A_298 = arith.constant 0 : i32
      %dma_wait3A_299 = tpu.memref_slice %arg4[%add3A, %dma_wait3A_297, %dma_wait3A_298] : memref<32x80x128xi32, #tpu.memory_space<hbm>> -> memref<1x40x128xi32, #tpu.memory_space<hbm>>
      %dma_wait3A_300 = tpu.memref_squeeze %dma_wait3A_299 : memref<1x40x128xi32, #tpu.memory_space<hbm>> -> memref<40x128xi32, #tpu.memory_space<hbm>>
      tpu.wait_dma2 semaphore(%run_scoped3A : memref<!tpu.dma_semaphore, #tpu.memory_space<semaphore_mem>>) src(%dma_wait3A_300 : memref<40x128xi32, #tpu.memory_space<hbm>>) dst(%arg7 : memref<40x128xi32, #tpu.memory_space<vmem>>)
      tpu.yield
    }) : () -> ()
    %mul3A_140 = arith.constant 632 : i32
    %mul3A_141 = arith.muli %arg1, %mul3A_140 : i32
    %add3A_142 = arith.constant 0 : i32
    %add3A_143 = arith.addi %mul3A_141, %add3A_142 : i32
    %dma_wait3A = arith.constant 0 : i32
    %dma_wait3A_144 = tpu.memref_slice %arg11[%add3A_143, %dma_wait3A] : memref<10112x128xf32, #tpu.memory_space<vmem_shared>> -> memref<40x128xf32, #tpu.memory_space<vmem_shared>>
    %dma_wait3A_145 = arith.constant 0 : i32
    %dma_wait3A_146 = tpu.memref_slice %arg11[%add3A_143, %dma_wait3A_145] : memref<10112x128xf32, #tpu.memory_space<vmem_shared>> -> memref<40x128xf32, #tpu.memory_space<vmem_shared>>
    tpu.wait_dma2 semaphore(%arg13 : memref<!tpu.dma_semaphore, #tpu.memory_space<semaphore_mem>>) src(%arg10 : memref<40x128xf32, #tpu.memory_space<vmem>>) dst(%dma_wait3A_146 : memref<40x128xf32, #tpu.memory_space<vmem_shared>>)
    %mul3A_147 = arith.constant 632 : i32
    %mul3A_148 = arith.muli %arg1, %mul3A_147 : i32
    %add3A_149 = arith.constant 40 : i32
    %add3A_150 = arith.addi %mul3A_148, %add3A_149 : i32
    %dma_wait3A_151 = arith.constant 0 : i32
    %dma_wait3A_152 = tpu.memref_slice %arg11[%add3A_150, %dma_wait3A_151] : memref<10112x128xf32, #tpu.memory_space<vmem_shared>> -> memref<40x128xf32, #tpu.memory_space<vmem_shared>>
    %dma_wait3A_153 = arith.constant 0 : i32
    %dma_wait3A_154 = tpu.memref_slice %arg11[%add3A_150, %dma_wait3A_153] : memref<10112x128xf32, #tpu.memory_space<vmem_shared>> -> memref<40x128xf32, #tpu.memory_space<vmem_shared>>
    tpu.wait_dma2 semaphore(%arg13 : memref<!tpu.dma_semaphore, #tpu.memory_space<semaphore_mem>>) src(%arg10 : memref<40x128xf32, #tpu.memory_space<vmem>>) dst(%dma_wait3A_154 : memref<40x128xf32, #tpu.memory_space<vmem_shared>>)
    %mul3A_155 = arith.constant 632 : i32
    %mul3A_156 = arith.muli %arg1, %mul3A_155 : i32
    %add3A_157 = arith.constant 80 : i32
    %add3A_158 = arith.addi %mul3A_156, %add3A_157 : i32
    %dma_wait3A_159 = arith.constant 0 : i32
    %dma_wait3A_160 = tpu.memref_slice %arg11[%add3A_158, %dma_wait3A_159] : memref<10112x128xf32, #tpu.memory_space<vmem_shared>> -> memref<40x128xf32, #tpu.memory_space<vmem_shared>>
    %dma_wait3A_161 = arith.constant 0 : i32
    %dma_wait3A_162 = tpu.memref_slice %arg11[%add3A_158, %dma_wait3A_161] : memref<10112x128xf32, #tpu.memory_space<vmem_shared>> -> memref<40x128xf32, #tpu.memory_space<vmem_shared>>
    tpu.wait_dma2 semaphore(%arg13 : memref<!tpu.dma_semaphore, #tpu.memory_space<semaphore_mem>>) src(%arg10 : memref<40x128xf32, #tpu.memory_space<vmem>>) dst(%dma_wait3A_162 : memref<40x128xf32, #tpu.memory_space<vmem_shared>>)
    %mul3A_163 = arith.constant 632 : i32
    %mul3A_164 = arith.muli %arg1, %mul3A_163 : i32
    %add3A_165 = arith.constant 120 : i32
    %add3A_166 = arith.addi %mul3A_164, %add3A_165 : i32
    %dma_wait3A_167 = arith.constant 0 : i32
    %dma_wait3A_168 = tpu.memref_slice %arg11[%add3A_166, %dma_wait3A_167] : memref<10112x128xf32, #tpu.memory_space<vmem_shared>> -> memref<40x128xf32, #tpu.memory_space<vmem_shared>>
    %dma_wait3A_169 = arith.constant 0 : i32
    %dma_wait3A_170 = tpu.memref_slice %arg11[%add3A_166, %dma_wait3A_169] : memref<10112x128xf32, #tpu.memory_space<vmem_shared>> -> memref<40x128xf32, #tpu.memory_space<vmem_shared>>
    tpu.wait_dma2 semaphore(%arg13 : memref<!tpu.dma_semaphore, #tpu.memory_space<semaphore_mem>>) src(%arg10 : memref<40x128xf32, #tpu.memory_space<vmem>>) dst(%dma_wait3A_170 : memref<40x128xf32, #tpu.memory_space<vmem_shared>>)
    %mul3A_171 = arith.constant 632 : i32
    %mul3A_172 = arith.muli %arg1, %mul3A_171 : i32
    %add3A_173 = arith.constant 160 : i32
    %add3A_174 = arith.addi %mul3A_172, %add3A_173 : i32
    %dma_wait3A_175 = arith.constant 0 : i32
    %dma_wait3A_176 = tpu.memref_slice %arg11[%add3A_174, %dma_wait3A_175] : memref<10112x128xf32, #tpu.memory_space<vmem_shared>> -> memref<40x128xf32, #tpu.memory_space<vmem_shared>>
    %dma_wait3A_177 = arith.constant 0 : i32
    %dma_wait3A_178 = tpu.memref_slice %arg11[%add3A_174, %dma_wait3A_177] : memref<10112x128xf32, #tpu.memory_space<vmem_shared>> -> memref<40x128xf32, #tpu.memory_space<vmem_shared>>
    tpu.wait_dma2 semaphore(%arg13 : memref<!tpu.dma_semaphore, #tpu.memory_space<semaphore_mem>>) src(%arg10 : memref<40x128xf32, #tpu.memory_space<vmem>>) dst(%dma_wait3A_178 : memref<40x128xf32, #tpu.memory_space<vmem_shared>>)
    %mul3A_179 = arith.constant 632 : i32
    %mul3A_180 = arith.muli %arg1, %mul3A_179 : i32
    %add3A_181 = arith.constant 200 : i32
    %add3A_182 = arith.addi %mul3A_180, %add3A_181 : i32
    %dma_wait3A_183 = arith.constant 0 : i32
    %dma_wait3A_184 = tpu.memref_slice %arg11[%add3A_182, %dma_wait3A_183] : memref<10112x128xf32, #tpu.memory_space<vmem_shared>> -> memref<40x128xf32, #tpu.memory_space<vmem_shared>>
    %dma_wait3A_185 = arith.constant 0 : i32
    %dma_wait3A_186 = tpu.memref_slice %arg11[%add3A_182, %dma_wait3A_185] : memref<10112x128xf32, #tpu.memory_space<vmem_shared>> -> memref<40x128xf32, #tpu.memory_space<vmem_shared>>
    tpu.wait_dma2 semaphore(%arg13 : memref<!tpu.dma_semaphore, #tpu.memory_space<semaphore_mem>>) src(%arg10 : memref<40x128xf32, #tpu.memory_space<vmem>>) dst(%dma_wait3A_186 : memref<40x128xf32, #tpu.memory_space<vmem_shared>>)
    %mul3A_187 = arith.constant 632 : i32
    %mul3A_188 = arith.muli %arg1, %mul3A_187 : i32
    %add3A_189 = arith.constant 240 : i32
    %add3A_190 = arith.addi %mul3A_188, %add3A_189 : i32
    %dma_wait3A_191 = arith.constant 0 : i32
    %dma_wait3A_192 = tpu.memref_slice %arg11[%add3A_190, %dma_wait3A_191] : memref<10112x128xf32, #tpu.memory_space<vmem_shared>> -> memref<40x128xf32, #tpu.memory_space<vmem_shared>>
    %dma_wait3A_193 = arith.constant 0 : i32
    %dma_wait3A_194 = tpu.memref_slice %arg11[%add3A_190, %dma_wait3A_193] : memref<10112x128xf32, #tpu.memory_space<vmem_shared>> -> memref<40x128xf32, #tpu.memory_space<vmem_shared>>
    tpu.wait_dma2 semaphore(%arg13 : memref<!tpu.dma_semaphore, #tpu.memory_space<semaphore_mem>>) src(%arg10 : memref<40x128xf32, #tpu.memory_space<vmem>>) dst(%dma_wait3A_194 : memref<40x128xf32, #tpu.memory_space<vmem_shared>>)
    %mul3A_195 = arith.constant 632 : i32
    %mul3A_196 = arith.muli %arg1, %mul3A_195 : i32
    %add3A_197 = arith.constant 280 : i32
    %add3A_198 = arith.addi %mul3A_196, %add3A_197 : i32
    %dma_wait3A_199 = arith.constant 0 : i32
    %dma_wait3A_200 = tpu.memref_slice %arg11[%add3A_198, %dma_wait3A_199] : memref<10112x128xf32, #tpu.memory_space<vmem_shared>> -> memref<40x128xf32, #tpu.memory_space<vmem_shared>>
    %dma_wait3A_201 = arith.constant 0 : i32
    %dma_wait3A_202 = tpu.memref_slice %arg11[%add3A_198, %dma_wait3A_201] : memref<10112x128xf32, #tpu.memory_space<vmem_shared>> -> memref<40x128xf32, #tpu.memory_space<vmem_shared>>
    tpu.wait_dma2 semaphore(%arg13 : memref<!tpu.dma_semaphore, #tpu.memory_space<semaphore_mem>>) src(%arg10 : memref<40x128xf32, #tpu.memory_space<vmem>>) dst(%dma_wait3A_202 : memref<40x128xf32, #tpu.memory_space<vmem_shared>>)
    %mul3A_203 = arith.constant 632 : i32
    %mul3A_204 = arith.muli %arg1, %mul3A_203 : i32
    %add3A_205 = arith.constant 320 : i32
    %add3A_206 = arith.addi %mul3A_204, %add3A_205 : i32
    %dma_wait3A_207 = arith.constant 0 : i32
    %dma_wait3A_208 = tpu.memref_slice %arg11[%add3A_206, %dma_wait3A_207] : memref<10112x128xf32, #tpu.memory_space<vmem_shared>> -> memref<40x128xf32, #tpu.memory_space<vmem_shared>>
    %dma_wait3A_209 = arith.constant 0 : i32
    %dma_wait3A_210 = tpu.memref_slice %arg11[%add3A_206, %dma_wait3A_209] : memref<10112x128xf32, #tpu.memory_space<vmem_shared>> -> memref<40x128xf32, #tpu.memory_space<vmem_shared>>
    tpu.wait_dma2 semaphore(%arg13 : memref<!tpu.dma_semaphore, #tpu.memory_space<semaphore_mem>>) src(%arg10 : memref<40x128xf32, #tpu.memory_space<vmem>>) dst(%dma_wait3A_210 : memref<40x128xf32, #tpu.memory_space<vmem_shared>>)
    %mul3A_211 = arith.constant 632 : i32
    %mul3A_212 = arith.muli %arg1, %mul3A_211 : i32
    %add3A_213 = arith.constant 360 : i32
    %add3A_214 = arith.addi %mul3A_212, %add3A_213 : i32
    %dma_wait3A_215 = arith.constant 0 : i32
    %dma_wait3A_216 = tpu.memref_slice %arg11[%add3A_214, %dma_wait3A_215] : memref<10112x128xf32, #tpu.memory_space<vmem_shared>> -> memref<40x128xf32, #tpu.memory_space<vmem_shared>>
    %dma_wait3A_217 = arith.constant 0 : i32
    %dma_wait3A_218 = tpu.memref_slice %arg11[%add3A_214, %dma_wait3A_217] : memref<10112x128xf32, #tpu.memory_space<vmem_shared>> -> memref<40x128xf32, #tpu.memory_space<vmem_shared>>
    tpu.wait_dma2 semaphore(%arg13 : memref<!tpu.dma_semaphore, #tpu.memory_space<semaphore_mem>>) src(%arg10 : memref<40x128xf32, #tpu.memory_space<vmem>>) dst(%dma_wait3A_218 : memref<40x128xf32, #tpu.memory_space<vmem_shared>>)
    %mul3A_219 = arith.constant 632 : i32
    %mul3A_220 = arith.muli %arg1, %mul3A_219 : i32
    %add3A_221 = arith.constant 400 : i32
    %add3A_222 = arith.addi %mul3A_220, %add3A_221 : i32
    %dma_wait3A_223 = arith.constant 0 : i32
    %dma_wait3A_224 = tpu.memref_slice %arg11[%add3A_222, %dma_wait3A_223] : memref<10112x128xf32, #tpu.memory_space<vmem_shared>> -> memref<40x128xf32, #tpu.memory_space<vmem_shared>>
    %dma_wait3A_225 = arith.constant 0 : i32
    %dma_wait3A_226 = tpu.memref_slice %arg11[%add3A_222, %dma_wait3A_225] : memref<10112x128xf32, #tpu.memory_space<vmem_shared>> -> memref<40x128xf32, #tpu.memory_space<vmem_shared>>
    tpu.wait_dma2 semaphore(%arg13 : memref<!tpu.dma_semaphore, #tpu.memory_space<semaphore_mem>>) src(%arg10 : memref<40x128xf32, #tpu.memory_space<vmem>>) dst(%dma_wait3A_226 : memref<40x128xf32, #tpu.memory_space<vmem_shared>>)
    %mul3A_227 = arith.constant 632 : i32
    %mul3A_228 = arith.muli %arg1, %mul3A_227 : i32
    %add3A_229 = arith.constant 440 : i32
    %add3A_230 = arith.addi %mul3A_228, %add3A_229 : i32
    %dma_wait3A_231 = arith.constant 0 : i32
    %dma_wait3A_232 = tpu.memref_slice %arg11[%add3A_230, %dma_wait3A_231] : memref<10112x128xf32, #tpu.memory_space<vmem_shared>> -> memref<40x128xf32, #tpu.memory_space<vmem_shared>>
    %dma_wait3A_233 = arith.constant 0 : i32
    %dma_wait3A_234 = tpu.memref_slice %arg11[%add3A_230, %dma_wait3A_233] : memref<10112x128xf32, #tpu.memory_space<vmem_shared>> -> memref<40x128xf32, #tpu.memory_space<vmem_shared>>
    tpu.wait_dma2 semaphore(%arg13 : memref<!tpu.dma_semaphore, #tpu.memory_space<semaphore_mem>>) src(%arg10 : memref<40x128xf32, #tpu.memory_space<vmem>>) dst(%dma_wait3A_234 : memref<40x128xf32, #tpu.memory_space<vmem_shared>>)
    %mul3A_235 = arith.constant 632 : i32
    %mul3A_236 = arith.muli %arg1, %mul3A_235 : i32
    %add3A_237 = arith.constant 480 : i32
    %add3A_238 = arith.addi %mul3A_236, %add3A_237 : i32
    %dma_wait3A_239 = arith.constant 0 : i32
    %dma_wait3A_240 = tpu.memref_slice %arg11[%add3A_238, %dma_wait3A_239] : memref<10112x128xf32, #tpu.memory_space<vmem_shared>> -> memref<40x128xf32, #tpu.memory_space<vmem_shared>>
    %dma_wait3A_241 = arith.constant 0 : i32
    %dma_wait3A_242 = tpu.memref_slice %arg11[%add3A_238, %dma_wait3A_241] : memref<10112x128xf32, #tpu.memory_space<vmem_shared>> -> memref<40x128xf32, #tpu.memory_space<vmem_shared>>
    tpu.wait_dma2 semaphore(%arg13 : memref<!tpu.dma_semaphore, #tpu.memory_space<semaphore_mem>>) src(%arg10 : memref<40x128xf32, #tpu.memory_space<vmem>>) dst(%dma_wait3A_242 : memref<40x128xf32, #tpu.memory_space<vmem_shared>>)
    %mul3A_243 = arith.constant 632 : i32
    %mul3A_244 = arith.muli %arg1, %mul3A_243 : i32
    %add3A_245 = arith.constant 520 : i32
    %add3A_246 = arith.addi %mul3A_244, %add3A_245 : i32
    %dma_wait3A_247 = arith.constant 0 : i32
    %dma_wait3A_248 = tpu.memref_slice %arg11[%add3A_246, %dma_wait3A_247] : memref<10112x128xf32, #tpu.memory_space<vmem_shared>> -> memref<40x128xf32, #tpu.memory_space<vmem_shared>>
    %dma_wait3A_249 = arith.constant 0 : i32
    %dma_wait3A_250 = tpu.memref_slice %arg11[%add3A_246, %dma_wait3A_249] : memref<10112x128xf32, #tpu.memory_space<vmem_shared>> -> memref<40x128xf32, #tpu.memory_space<vmem_shared>>
    tpu.wait_dma2 semaphore(%arg13 : memref<!tpu.dma_semaphore, #tpu.memory_space<semaphore_mem>>) src(%arg10 : memref<40x128xf32, #tpu.memory_space<vmem>>) dst(%dma_wait3A_250 : memref<40x128xf32, #tpu.memory_space<vmem_shared>>)
    %mul3A_251 = arith.constant 632 : i32
    %mul3A_252 = arith.muli %arg1, %mul3A_251 : i32
    %add3A_253 = arith.constant 560 : i32
    %add3A_254 = arith.addi %mul3A_252, %add3A_253 : i32
    %dma_wait3A_255 = arith.constant 0 : i32
    %dma_wait3A_256 = tpu.memref_slice %arg11[%add3A_254, %dma_wait3A_255] : memref<10112x128xf32, #tpu.memory_space<vmem_shared>> -> memref<40x128xf32, #tpu.memory_space<vmem_shared>>
    %dma_wait3A_257 = arith.constant 0 : i32
    %dma_wait3A_258 = tpu.memref_slice %arg11[%add3A_254, %dma_wait3A_257] : memref<10112x128xf32, #tpu.memory_space<vmem_shared>> -> memref<40x128xf32, #tpu.memory_space<vmem_shared>>
    tpu.wait_dma2 semaphore(%arg13 : memref<!tpu.dma_semaphore, #tpu.memory_space<semaphore_mem>>) src(%arg10 : memref<40x128xf32, #tpu.memory_space<vmem>>) dst(%dma_wait3A_258 : memref<40x128xf32, #tpu.memory_space<vmem_shared>>)
    %mul3A_259 = arith.constant 632 : i32
    %mul3A_260 = arith.muli %arg1, %mul3A_259 : i32
    %add3A_261 = arith.constant 600 : i32
    %add3A_262 = arith.addi %mul3A_260, %add3A_261 : i32
    %dma_wait3A_263 = arith.constant 0 : i32
    %dma_wait3A_264 = arith.constant 0 : i32
    %dma_wait3A_265 = tpu.memref_slice %arg10[%dma_wait3A_263, %dma_wait3A_264] : memref<40x128xf32, #tpu.memory_space<vmem>> -> memref<32x128xf32, #tpu.memory_space<vmem>>
    %dma_wait3A_266 = arith.constant 0 : i32
    %dma_wait3A_267 = tpu.memref_slice %arg11[%add3A_262, %dma_wait3A_266] : memref<10112x128xf32, #tpu.memory_space<vmem_shared>> -> memref<32x128xf32, #tpu.memory_space<vmem_shared>>
    %dma_wait3A_268 = arith.constant 0 : i32
    %dma_wait3A_269 = tpu.memref_slice %arg11[%add3A_262, %dma_wait3A_268] : memref<10112x128xf32, #tpu.memory_space<vmem_shared>> -> memref<32x128xf32, #tpu.memory_space<vmem_shared>>
    %dma_wait3A_270 = arith.constant 0 : i32
    %dma_wait3A_271 = arith.constant 0 : i32
    %dma_wait3A_272 = tpu.memref_slice %arg10[%dma_wait3A_270, %dma_wait3A_271] : memref<40x128xf32, #tpu.memory_space<vmem>> -> memref<32x128xf32, #tpu.memory_space<vmem>>
    tpu.wait_dma2 semaphore(%arg13 : memref<!tpu.dma_semaphore, #tpu.memory_space<semaphore_mem>>) src(%dma_wait3A_272 : memref<32x128xf32, #tpu.memory_space<vmem>>) dst(%dma_wait3A_269 : memref<32x128xf32, #tpu.memory_space<vmem_shared>>)
    %barrier3A = arith.constant 0 : index
    tpu.barrier barrier_id(%barrier3A)
    %scan3A_273 = arith.constant 0 : i32
    %scan3A_274 = arith.constant 0 : i32
    %scan3A_275 = arith.constant 2 : i32
    %scan3A_276 = arith.addi %scan3A_274, %scan3A_275 : i32
    %scan3A_277 = arith.constant 1 : i32
    %scan3A_278 = scf.for %scan3A_285 = %scan3A_274 to %scan3A_276 step %scan3A_277 iter_args(%scan3A_286 = %scan3A_273) -> (i32)  : i32 {
      %gt3A = arith.constant 0 : i32
      %gt3A_287 = arith.cmpi sgt, %scan3A_285, %gt3A : i32
      %convert_element_type3A = arith.extui %gt3A_287 : i1 to i32
      %cond3A = arith.constant 0 : i32
      %cond3A_288 = arith.cmpi ne, %convert_element_type3A, %cond3A : i32
      scf.if %cond3A_288 {
        %mul3A_304 = arith.constant 40 : i32
        %mul3A_305 = arith.muli %scan3A_285, %mul3A_304 : i32
        "tpu.region"() ({
          %run_scoped3A = tpu.sem_alloc : memref<!tpu.dma_semaphore, #tpu.memory_space<semaphore_mem>>
          %dma_start3A_308 = arith.constant 0 : i32
          %dma_start3A_309 = tpu.memref_slice %arg3[%add3A, %mul3A_305, %dma_start3A_308] : memref<32x80x128xi32, #tpu.memory_space<hbm>> -> memref<1x40x128xi32, #tpu.memory_space<hbm>>
          %dma_start3A_310 = tpu.memref_squeeze %dma_start3A_309 : memref<1x40x128xi32, #tpu.memory_space<hbm>> -> memref<40x128xi32, #tpu.memory_space<hbm>>
          %dma_start3A_311 = arith.constant 0 : i32
          %dma_start3A_312 = tpu.memref_slice %arg3[%add3A, %mul3A_305, %dma_start3A_311] : memref<32x80x128xi32, #tpu.memory_space<hbm>> -> memref<1x40x128xi32, #tpu.memory_space<hbm>>
          %dma_start3A_313 = tpu.memref_squeeze %dma_start3A_312 : memref<1x40x128xi32, #tpu.memory_space<hbm>> -> memref<40x128xi32, #tpu.memory_space<hbm>>
          tpu.enqueue_dma source(%dma_start3A_313 : memref<40x128xi32, #tpu.memory_space<hbm>>) target(%arg6 : memref<40x128xi32, #tpu.memory_space<vmem>>) target_semaphore(%run_scoped3A : memref<!tpu.dma_semaphore, #tpu.memory_space<semaphore_mem>>)
          %dma_wait3A_314 = arith.constant 0 : i32
          %dma_wait3A_315 = tpu.memref_slice %arg3[%add3A, %mul3A_305, %dma_wait3A_314] : memref<32x80x128xi32, #tpu.memory_space<hbm>> -> memref<1x40x128xi32, #tpu.memory_space<hbm>>
          %dma_wait3A_316 = tpu.memref_squeeze %dma_wait3A_315 : memref<1x40x128xi32, #tpu.memory_space<hbm>> -> memref<40x128xi32, #tpu.memory_space<hbm>>
          %dma_wait3A_317 = arith.constant 0 : i32
          %dma_wait3A_318 = tpu.memref_slice %arg3[%add3A, %mul3A_305, %dma_wait3A_317] : memref<32x80x128xi32, #tpu.memory_space<hbm>> -> memref<1x40x128xi32, #tpu.memory_space<hbm>>
          %dma_wait3A_319 = tpu.memref_squeeze %dma_wait3A_318 : memref<1x40x128xi32, #tpu.memory_space<hbm>> -> memref<40x128xi32, #tpu.memory_space<hbm>>
          tpu.wait_dma2 semaphore(%run_scoped3A : memref<!tpu.dma_semaphore, #tpu.memory_space<semaphore_mem>>) src(%dma_wait3A_319 : memref<40x128xi32, #tpu.memory_space<hbm>>) dst(%arg6 : memref<40x128xi32, #tpu.memory_space<vmem>>)
          tpu.yield
        }) : () -> ()
        %mul3A_306 = arith.constant 40 : i32
        %mul3A_307 = arith.muli %scan3A_285, %mul3A_306 : i32
        "tpu.region"() ({
          %run_scoped3A = tpu.sem_alloc : memref<!tpu.dma_semaphore, #tpu.memory_space<semaphore_mem>>
          %dma_start3A_308 = arith.constant 0 : i32
          %dma_start3A_309 = tpu.memref_slice %arg4[%add3A, %mul3A_307, %dma_start3A_308] : memref<32x80x128xi32, #tpu.memory_space<hbm>> -> memref<1x40x128xi32, #tpu.memory_space<hbm>>
          %dma_start3A_310 = tpu.memref_squeeze %dma_start3A_309 : memref<1x40x128xi32, #tpu.memory_space<hbm>> -> memref<40x128xi32, #tpu.memory_space<hbm>>
          %dma_start3A_311 = arith.constant 0 : i32
          %dma_start3A_312 = tpu.memref_slice %arg4[%add3A, %mul3A_307, %dma_start3A_311] : memref<32x80x128xi32, #tpu.memory_space<hbm>> -> memref<1x40x128xi32, #tpu.memory_space<hbm>>
          %dma_start3A_313 = tpu.memref_squeeze %dma_start3A_312 : memref<1x40x128xi32, #tpu.memory_space<hbm>> -> memref<40x128xi32, #tpu.memory_space<hbm>>
          tpu.enqueue_dma source(%dma_start3A_313 : memref<40x128xi32, #tpu.memory_space<hbm>>) target(%arg7 : memref<40x128xi32, #tpu.memory_space<vmem>>) target_semaphore(%run_scoped3A : memref<!tpu.dma_semaphore, #tpu.memory_space<semaphore_mem>>)
          %dma_wait3A_314 = arith.constant 0 : i32
          %dma_wait3A_315 = tpu.memref_slice %arg4[%add3A, %mul3A_307, %dma_wait3A_314] : memref<32x80x128xi32, #tpu.memory_space<hbm>> -> memref<1x40x128xi32, #tpu.memory_space<hbm>>
          %dma_wait3A_316 = tpu.memref_squeeze %dma_wait3A_315 : memref<1x40x128xi32, #tpu.memory_space<hbm>> -> memref<40x128xi32, #tpu.memory_space<hbm>>
          %dma_wait3A_317 = arith.constant 0 : i32
          %dma_wait3A_318 = tpu.memref_slice %arg4[%add3A, %mul3A_307, %dma_wait3A_317] : memref<32x80x128xi32, #tpu.memory_space<hbm>> -> memref<1x40x128xi32, #tpu.memory_space<hbm>>
          %dma_wait3A_319 = tpu.memref_squeeze %dma_wait3A_318 : memref<1x40x128xi32, #tpu.memory_space<hbm>> -> memref<40x128xi32, #tpu.memory_space<hbm>>
          tpu.wait_dma2 semaphore(%run_scoped3A : memref<!tpu.dma_semaphore, #tpu.memory_space<semaphore_mem>>) src(%dma_wait3A_319 : memref<40x128xi32, #tpu.memory_space<hbm>>) dst(%arg7 : memref<40x128xi32, #tpu.memory_space<vmem>>)
          tpu.yield
        }) : () -> ()
      } else {
      }
      %dma_start3A_289 = arith.constant 0 : i32
      %dma_start3A_290 = arith.constant 0 : i32
      %dma_start3A_291 = tpu.memref_slice %arg6[%dma_start3A_289, %dma_start3A_290] : memref<40x128xi32, #tpu.memory_space<vmem>> -> memref<1x128xi32, #tpu.memory_space<vmem>>
      %dma_start3A_292 = tpu.memref_squeeze %dma_start3A_291 : memref<1x128xi32, #tpu.memory_space<vmem>> -> memref<128xi32, #tpu.memory_space<vmem>>
      %dma_start3A_293 = arith.constant 0 : i32
      %dma_start3A_294 = arith.constant 0 : i32
      %dma_start3A_295 = tpu.memref_slice %arg2[%dma_start3A_293, %dma_start3A_294] : memref<10016x128xf32, #tpu.memory_space<hbm>> -> memref<10016x128xf32, #tpu.memory_space<hbm>>
      tpu.enqueue_indirect_dma source(%dma_start3A_295 : memref<10016x128xf32, #tpu.memory_space<hbm>>) target(%arg8 : memref<128x128xf32, #tpu.memory_space<vmem>>) offsets(%dma_start3A_292 : memref<128xi32, #tpu.memory_space<vmem>>) semaphore(%arg12 : memref<!tpu.dma_semaphore, #tpu.memory_space<semaphore_mem>>)
      %scan3A_296 = arith.constant 0 : i32
      %scan3A_297 = arith.constant 0 : i32
      %scan3A_298 = arith.constant 20 : i32
      %scan3A_299 = arith.addi %scan3A_297, %scan3A_298 : i32
      %scan3A_300 = arith.constant 1 : i32
      %scan3A_301 = scf.for %scan3A_304 = %scan3A_297 to %scan3A_299 step %scan3A_300 iter_args(%scan3A_305 = %scan3A_296) -> (i32)  : i32 {
        %mul3A_306 = arith.constant 2 : i32
        %mul3A_307 = arith.muli %mul3A_306, %scan3A_304 : i32
        %mul3A_308 = arith.constant 2 : i32
        %mul3A_309 = arith.muli %mul3A_308, %scan3A_304 : i32
        %add3A_310 = arith.constant 1 : i32
        %add3A_311 = arith.addi %mul3A_309, %add3A_310 : i32
        %dma_wait3A_312 = arith.constant 0 : i32
        %dma_wait3A_313 = tpu.memref_slice %arg6[%mul3A_307, %dma_wait3A_312] : memref<40x128xi32, #tpu.memory_space<vmem>> -> memref<1x128xi32, #tpu.memory_space<vmem>>
        %dma_wait3A_314 = tpu.memref_squeeze %dma_wait3A_313 : memref<1x128xi32, #tpu.memory_space<vmem>> -> memref<128xi32, #tpu.memory_space<vmem>>
        %dma_wait3A_315 = arith.constant 0 : i32
        %dma_wait3A_316 = arith.constant 0 : i32
        %dma_wait3A_317 = tpu.memref_slice %arg2[%dma_wait3A_315, %dma_wait3A_316] : memref<10016x128xf32, #tpu.memory_space<hbm>> -> memref<10016x128xf32, #tpu.memory_space<hbm>>
        tpu.wait_indirect_dma semaphore(%arg12 : memref<!tpu.dma_semaphore, #tpu.memory_space<semaphore_mem>>) src(%dma_wait3A_317 : memref<10016x128xf32, #tpu.memory_space<hbm>>) dst(%arg8 : memref<128x128xf32, #tpu.memory_space<vmem>>)
        %dma_start3A_318 = arith.constant 0 : i32
        %dma_start3A_319 = tpu.memref_slice %arg6[%add3A_311, %dma_start3A_318] : memref<40x128xi32, #tpu.memory_space<vmem>> -> memref<1x128xi32, #tpu.memory_space<vmem>>
        %dma_start3A_320 = tpu.memref_squeeze %dma_start3A_319 : memref<1x128xi32, #tpu.memory_space<vmem>> -> memref<128xi32, #tpu.memory_space<vmem>>
        %dma_start3A_321 = arith.constant 0 : i32
        %dma_start3A_322 = arith.constant 0 : i32
        %dma_start3A_323 = tpu.memref_slice %arg2[%dma_start3A_321, %dma_start3A_322] : memref<10016x128xf32, #tpu.memory_space<hbm>> -> memref<10016x128xf32, #tpu.memory_space<hbm>>
        tpu.enqueue_indirect_dma source(%dma_start3A_323 : memref<10016x128xf32, #tpu.memory_space<hbm>>) target(%arg9 : memref<128x128xf32, #tpu.memory_space<vmem>>) offsets(%dma_start3A_320 : memref<128xi32, #tpu.memory_space<vmem>>) semaphore(%arg13 : memref<!tpu.dma_semaphore, #tpu.memory_space<semaphore_mem>>)
        "tpu.region"() ({
          %run_scoped3A = tpu.sem_alloc : memref<!tpu.dma_semaphore, #tpu.memory_space<semaphore_mem>>
          %dma_start3A_335 = arith.constant 0 : i32
          %dma_start3A_336 = tpu.memref_slice %arg7[%mul3A_307, %dma_start3A_335] : memref<40x128xi32, #tpu.memory_space<vmem>> -> memref<1x128xi32, #tpu.memory_space<vmem>>
          %dma_start3A_337 = tpu.memref_squeeze %dma_start3A_336 : memref<1x128xi32, #tpu.memory_space<vmem>> -> memref<128xi32, #tpu.memory_space<vmem>>
          %dma_start3A_338 = arith.constant 0 : i32
          %dma_start3A_339 = arith.constant 0 : i32
          %dma_start3A_340 = tpu.memref_slice %arg11[%dma_start3A_338, %dma_start3A_339] : memref<10112x128xf32, #tpu.memory_space<vmem_shared>> -> memref<10112x128xf32, #tpu.memory_space<vmem_shared>>
          tpu.enqueue_indirect_dma source(%arg8 : memref<128x128xf32, #tpu.memory_space<vmem>>) target(%dma_start3A_340 : memref<10112x128xf32, #tpu.memory_space<vmem_shared>>) offsets(%dma_start3A_337 : memref<128xi32, #tpu.memory_space<vmem>>) semaphore(%run_scoped3A : memref<!tpu.dma_semaphore, #tpu.memory_space<semaphore_mem>>) {add = true}
          %dma_wait3A_341 = arith.constant 0 : i32
          %dma_wait3A_342 = tpu.memref_slice %arg7[%mul3A_307, %dma_wait3A_341] : memref<40x128xi32, #tpu.memory_space<vmem>> -> memref<1x128xi32, #tpu.memory_space<vmem>>
          %dma_wait3A_343 = tpu.memref_squeeze %dma_wait3A_342 : memref<1x128xi32, #tpu.memory_space<vmem>> -> memref<128xi32, #tpu.memory_space<vmem>>
          %dma_wait3A_344 = arith.constant 0 : i32
          %dma_wait3A_345 = arith.constant 0 : i32
          %dma_wait3A_346 = tpu.memref_slice %arg11[%dma_wait3A_344, %dma_wait3A_345] : memref<10112x128xf32, #tpu.memory_space<vmem_shared>> -> memref<10112x128xf32, #tpu.memory_space<vmem_shared>>
          tpu.wait_indirect_dma semaphore(%run_scoped3A : memref<!tpu.dma_semaphore, #tpu.memory_space<semaphore_mem>>) src(%arg8 : memref<128x128xf32, #tpu.memory_space<vmem>>) dst(%dma_wait3A_346 : memref<10112x128xf32, #tpu.memory_space<vmem_shared>>)
          tpu.yield
        }) : () -> ()
        %dma_wait3A_324 = arith.constant 0 : i32
        %dma_wait3A_325 = tpu.memref_slice %arg6[%add3A_311, %dma_wait3A_324] : memref<40x128xi32, #tpu.memory_space<vmem>> -> memref<1x128xi32, #tpu.memory_space<vmem>>
        %dma_wait3A_326 = tpu.memref_squeeze %dma_wait3A_325 : memref<1x128xi32, #tpu.memory_space<vmem>> -> memref<128xi32, #tpu.memory_space<vmem>>
        %dma_wait3A_327 = arith.constant 0 : i32
        %dma_wait3A_328 = arith.constant 0 : i32
        %dma_wait3A_329 = tpu.memref_slice %arg2[%dma_wait3A_327, %dma_wait3A_328] : memref<10016x128xf32, #tpu.memory_space<hbm>> -> memref<10016x128xf32, #tpu.memory_space<hbm>>
        tpu.wait_indirect_dma semaphore(%arg13 : memref<!tpu.dma_semaphore, #tpu.memory_space<semaphore_mem>>) src(%dma_wait3A_329 : memref<10016x128xf32, #tpu.memory_space<hbm>>) dst(%arg9 : memref<128x128xf32, #tpu.memory_space<vmem>>)
        %lt3A = arith.constant 19 : i32
        %lt3A_330 = arith.cmpi slt, %scan3A_304, %lt3A : i32
        %convert_element_type3A_331 = arith.extui %lt3A_330 : i1 to i32
        %cond3A_332 = arith.constant 0 : i32
        %cond3A_333 = arith.cmpi ne, %convert_element_type3A_331, %cond3A_332 : i32
        scf.if %cond3A_333 {
          %add3A_335 = arith.constant 2 : i32
          %add3A_336 = arith.addi %mul3A_307, %add3A_335 : i32
          %dma_start3A_337 = arith.constant 0 : i32
          %dma_start3A_338 = tpu.memref_slice %arg6[%add3A_336, %dma_start3A_337] : memref<40x128xi32, #tpu.memory_space<vmem>> -> memref<1x128xi32, #tpu.memory_space<vmem>>
          %dma_start3A_339 = tpu.memref_squeeze %dma_start3A_338 : memref<1x128xi32, #tpu.memory_space<vmem>> -> memref<128xi32, #tpu.memory_space<vmem>>
          %dma_start3A_340 = arith.constant 0 : i32
          %dma_start3A_341 = arith.constant 0 : i32
          %dma_start3A_342 = tpu.memref_slice %arg2[%dma_start3A_340, %dma_start3A_341] : memref<10016x128xf32, #tpu.memory_space<hbm>> -> memref<10016x128xf32, #tpu.memory_space<hbm>>
          tpu.enqueue_indirect_dma source(%dma_start3A_342 : memref<10016x128xf32, #tpu.memory_space<hbm>>) target(%arg8 : memref<128x128xf32, #tpu.memory_space<vmem>>) offsets(%dma_start3A_339 : memref<128xi32, #tpu.memory_space<vmem>>) semaphore(%arg12 : memref<!tpu.dma_semaphore, #tpu.memory_space<semaphore_mem>>)
        } else {
        }
        "tpu.region"() ({
          %run_scoped3A = tpu.sem_alloc : memref<!tpu.dma_semaphore, #tpu.memory_space<semaphore_mem>>
          %dma_start3A_335 = arith.constant 0 : i32
          %dma_start3A_336 = tpu.memref_slice %arg7[%add3A_311, %dma_start3A_335] : memref<40x128xi32, #tpu.memory_space<vmem>> -> memref<1x128xi32, #tpu.memory_space<vmem>>
          %dma_start3A_337 = tpu.memref_squeeze %dma_start3A_336 : memref<1x128xi32, #tpu.memory_space<vmem>> -> memref<128xi32, #tpu.memory_space<vmem>>
          %dma_start3A_338 = arith.constant 0 : i32
          %dma_start3A_339 = arith.constant 0 : i32
          %dma_start3A_340 = tpu.memref_slice %arg11[%dma_start3A_338, %dma_start3A_339] : memref<10112x128xf32, #tpu.memory_space<vmem_shared>> -> memref<10112x128xf32, #tpu.memory_space<vmem_shared>>
          tpu.enqueue_indirect_dma source(%arg9 : memref<128x128xf32, #tpu.memory_space<vmem>>) target(%dma_start3A_340 : memref<10112x128xf32, #tpu.memory_space<vmem_shared>>) offsets(%dma_start3A_337 : memref<128xi32, #tpu.memory_space<vmem>>) semaphore(%run_scoped3A : memref<!tpu.dma_semaphore, #tpu.memory_space<semaphore_mem>>) {add = true}
          %dma_wait3A_341 = arith.constant 0 : i32
          %dma_wait3A_342 = tpu.memref_slice %arg7[%add3A_311, %dma_wait3A_341] : memref<40x128xi32, #tpu.memory_space<vmem>> -> memref<1x128xi32, #tpu.memory_space<vmem>>
          %dma_wait3A_343 = tpu.memref_squeeze %dma_wait3A_342 : memref<1x128xi32, #tpu.memory_space<vmem>> -> memref<128xi32, #tpu.memory_space<vmem>>
          %dma_wait3A_344 = arith.constant 0 : i32
          %dma_wait3A_345 = arith.constant 0 : i32
          %dma_wait3A_346 = tpu.memref_slice %arg11[%dma_wait3A_344, %dma_wait3A_345] : memref<10112x128xf32, #tpu.memory_space<vmem_shared>> -> memref<10112x128xf32, #tpu.memory_space<vmem_shared>>
          tpu.wait_indirect_dma semaphore(%run_scoped3A : memref<!tpu.dma_semaphore, #tpu.memory_space<semaphore_mem>>) src(%arg9 : memref<128x128xf32, #tpu.memory_space<vmem>>) dst(%dma_wait3A_346 : memref<10112x128xf32, #tpu.memory_space<vmem_shared>>)
          tpu.yield
        }) : () -> ()
        %scan3A_334 = arith.constant 0 : i32
        scf.yield %scan3A_334 : i32
      }
      %scan3A_302 = arith.constant 20 : i32
      %scan3A_303 = arith.constant 0 : i32
      scf.yield %scan3A_303 : i32
    }
    %scan3A_279 = arith.constant 2 : i32
    %barrier3A_280 = arith.constant 0 : index
    tpu.barrier barrier_id(%barrier3A_280)
    %mul3A_281 = arith.constant 632 : i32
    %mul3A_282 = arith.muli %arg1, %mul3A_281 : i32
    %mul3A_283 = arith.constant 632 : i32
    %mul3A_284 = arith.muli %arg1, %mul3A_283 : i32
    "tpu.region"() ({
      %run_scoped3A = tpu.sem_alloc : memref<!tpu.dma_semaphore, #tpu.memory_space<semaphore_mem>>
      %dma_start3A_285 = arith.constant 0 : i32
      %dma_start3A_286 = tpu.memref_slice %arg5[%arg0, %mul3A_284, %dma_start3A_285] : memref<2x10112x128xf32, #tpu.memory_space<hbm>> -> memref<1x632x128xf32, #tpu.memory_space<hbm>>
      %dma_start3A_287 = tpu.memref_squeeze %dma_start3A_286 : memref<1x632x128xf32, #tpu.memory_space<hbm>> -> memref<632x128xf32, #tpu.memory_space<hbm>>
      %dma_start3A_288 = arith.constant 0 : i32
      %dma_start3A_289 = tpu.memref_slice %arg11[%mul3A_282, %dma_start3A_288] : memref<10112x128xf32, #tpu.memory_space<vmem_shared>> -> memref<632x128xf32, #tpu.memory_space<vmem_shared>>
      tpu.enqueue_dma source(%dma_start3A_289 : memref<632x128xf32, #tpu.memory_space<vmem_shared>>) target(%dma_start3A_287 : memref<632x128xf32, #tpu.memory_space<hbm>>) target_semaphore(%run_scoped3A : memref<!tpu.dma_semaphore, #tpu.memory_space<semaphore_mem>>)
      %dma_wait3A_290 = arith.constant 0 : i32
      %dma_wait3A_291 = tpu.memref_slice %arg5[%arg0, %mul3A_284, %dma_wait3A_290] : memref<2x10112x128xf32, #tpu.memory_space<hbm>> -> memref<1x632x128xf32, #tpu.memory_space<hbm>>
      %dma_wait3A_292 = tpu.memref_squeeze %dma_wait3A_291 : memref<1x632x128xf32, #tpu.memory_space<hbm>> -> memref<632x128xf32, #tpu.memory_space<hbm>>
      %dma_wait3A_293 = arith.constant 0 : i32
      %dma_wait3A_294 = tpu.memref_slice %arg11[%mul3A_282, %dma_wait3A_293] : memref<10112x128xf32, #tpu.memory_space<vmem_shared>> -> memref<632x128xf32, #tpu.memory_space<vmem_shared>>
      tpu.wait_dma2 semaphore(%run_scoped3A : memref<!tpu.dma_semaphore, #tpu.memory_space<semaphore_mem>>) src(%dma_wait3A_294 : memref<632x128xf32, #tpu.memory_space<vmem_shared>>) dst(%dma_wait3A_292 : memref<632x128xf32, #tpu.memory_space<hbm>>)
      tpu.yield
    }) : () -> ()
    return
  }
}

#map = affine_map<(d0, d1) -> (0, 0)>
#map1 = affine_map<(d0, d1) -> (0, 0, 0)>
module attributes {stable_mosaic.version = 14 : i64} {
  func.func @_scatter_body(%arg0: i32, %arg1: i32, %arg2: memref<10016x128xf32, #tpu.memory_space<hbm>>, %arg3: memref<32x80x128xi32, #tpu.memory_space<hbm>>, %arg4: memref<32x80x128xi32, #tpu.memory_space<hbm>>, %arg5: memref<2x10112x128xf32, #tpu.memory_space<hbm>>, %arg6: memref<40x128xi32, #tpu.memory_space<vmem>>, %arg7: memref<40x128xi32, #tpu.memory_space<vmem>>, %arg8: memref<128x128xf32, #tpu.memory_space<vmem>>, %arg9: memref<128x128xf32, #tpu.memory_space<vmem>>, %arg10: memref<40x128xf32, #tpu.memory_space<vmem>>, %arg11: memref<10112x128xf32, #tpu.memory_space<vmem_shared>>, %arg12: memref<!tpu.dma_semaphore, #tpu.memory_space<semaphore_mem>>, %arg13: memref<!tpu.dma_semaphore, #tpu.memory_space<semaphore_mem>>) attributes {dimension_semantics = [#tpu.dimension_semantics<core_parallel>, #tpu.dimension_semantics<subcore_parallel>], iteration_bounds = array<i64: 2, 16>, scalar_prefetch = 0 : i64, scratch_operands = 8 : i64, tpu.core_type = #tpu.core_type<sc_vector_subcore>, window_params = [{transform_indices = #map}, {transform_indices = #map1}, {transform_indices = #map1}, {transform_indices = #map1}]} {
    %mul3A = arith.constant 16 : i32
    %mul3A_0 = arith.muli %arg0, %mul3A : i32
    %add3A = arith.addi %mul3A_0, %arg1 : i32
    %scan3A = arith.constant 0 : i32
    %scan3A_1 = arith.constant 0 : i32
    %scan3A_2 = arith.constant 40 : i32
    %scan3A_3 = arith.addi %scan3A_1, %scan3A_2 : i32
    %scan3A_4 = arith.constant 1 : i32
    %scan3A_5 = scf.for %scan3A_285 = %scan3A_1 to %scan3A_3 step %scan3A_4 iter_args(%scan3A_286 = %scan3A) -> (i32)  : i32 {
      %broadcast_in_dim3A = arith.constant 0.000000e+00 : f32
      %broadcast_in_dim3A_287 = vector.broadcast %broadcast_in_dim3A : f32 to vector<16xf32>
      %swap3A = arith.index_cast %scan3A_285 : i32 to index
      %swap3A_288 = arith.constant 0 : index
      %swap3A_289 = tpu.vector_load %arg10[%swap3A, %swap3A_288] {strides = array<i32>} : memref<40x128xf32, #tpu.memory_space<vmem>>, vector<1x16xf32>,
      %swap3A_290 = vector.shape_cast %swap3A_289 : vector<1x16xf32> to vector<16xf32>
      %swap3A_291 = vector.shape_cast %broadcast_in_dim3A_287 : vector<16xf32> to vector<1x16xf32>
      tpu.vector_store %arg10[%swap3A, %swap3A_288], %swap3A_291 {strides = array<i32>} : memref<40x128xf32, #tpu.memory_space<vmem>>, vector<1x16xf32>,
      %broadcast_in_dim3A_292 = arith.constant 0.000000e+00 : f32
      %broadcast_in_dim3A_293 = vector.broadcast %broadcast_in_dim3A_292 : f32 to vector<16xf32>
      %swap3A_294 = arith.index_cast %scan3A_285 : i32 to index
      %swap3A_295 = arith.constant 16 : index
      %swap3A_296 = tpu.vector_load %arg10[%swap3A_294, %swap3A_295] {strides = array<i32>} : memref<40x128xf32, #tpu.memory_space<vmem>>, vector<1x16xf32>,
      %swap3A_297 = vector.shape_cast %swap3A_296 : vector<1x16xf32> to vector<16xf32>
      %swap3A_298 = vector.shape_cast %broadcast_in_dim3A_293 : vector<16xf32> to vector<1x16xf32>
      tpu.vector_store %arg10[%swap3A_294, %swap3A_295], %swap3A_298 {strides = array<i32>} : memref<40x128xf32, #tpu.memory_space<vmem>>, vector<1x16xf32>,
      %broadcast_in_dim3A_299 = arith.constant 0.000000e+00 : f32
      %broadcast_in_dim3A_300 = vector.broadcast %broadcast_in_dim3A_299 : f32 to vector<16xf32>
      %swap3A_301 = arith.index_cast %scan3A_285 : i32 to index
      %swap3A_302 = arith.constant 32 : index
      %swap3A_303 = tpu.vector_load %arg10[%swap3A_301, %swap3A_302] {strides = array<i32>} : memref<40x128xf32, #tpu.memory_space<vmem>>, vector<1x16xf32>,
      %swap3A_304 = vector.shape_cast %swap3A_303 : vector<1x16xf32> to vector<16xf32>
      %swap3A_305 = vector.shape_cast %broadcast_in_dim3A_300 : vector<16xf32> to vector<1x16xf32>
      tpu.vector_store %arg10[%swap3A_301, %swap3A_302], %swap3A_305 {strides = array<i32>} : memref<40x128xf32, #tpu.memory_space<vmem>>, vector<1x16xf32>,
      %broadcast_in_dim3A_306 = arith.constant 0.000000e+00 : f32
      %broadcast_in_dim3A_307 = vector.broadcast %broadcast_in_dim3A_306 : f32 to vector<16xf32>
      %swap3A_308 = arith.index_cast %scan3A_285 : i32 to index
      %swap3A_309 = arith.constant 48 : index
      %swap3A_310 = tpu.vector_load %arg10[%swap3A_308, %swap3A_309] {strides = array<i32>} : memref<40x128xf32, #tpu.memory_space<vmem>>, vector<1x16xf32>,
      %swap3A_311 = vector.shape_cast %swap3A_310 : vector<1x16xf32> to vector<16xf32>
      %swap3A_312 = vector.shape_cast %broadcast_in_dim3A_307 : vector<16xf32> to vector<1x16xf32>
      tpu.vector_store %arg10[%swap3A_308, %swap3A_309], %swap3A_312 {strides = array<i32>} : memref<40x128xf32, #tpu.memory_space<vmem>>, vector<1x16xf32>,
      %broadcast_in_dim3A_313 = arith.constant 0.000000e+00 : f32
      %broadcast_in_dim3A_314 = vector.broadcast %broadcast_in_dim3A_313 : f32 to vector<16xf32>
      %swap3A_315 = arith.index_cast %scan3A_285 : i32 to index
      %swap3A_316 = arith.constant 64 : index
      %swap3A_317 = tpu.vector_load %arg10[%swap3A_315, %swap3A_316] {strides = array<i32>} : memref<40x128xf32, #tpu.memory_space<vmem>>, vector<1x16xf32>,
      %swap3A_318 = vector.shape_cast %swap3A_317 : vector<1x16xf32> to vector<16xf32>
      %swap3A_319 = vector.shape_cast %broadcast_in_dim3A_314 : vector<16xf32> to vector<1x16xf32>
      tpu.vector_store %arg10[%swap3A_315, %swap3A_316], %swap3A_319 {strides = array<i32>} : memref<40x128xf32, #tpu.memory_space<vmem>>, vector<1x16xf32>,
      %broadcast_in_dim3A_320 = arith.constant 0.000000e+00 : f32
      %broadcast_in_dim3A_321 = vector.broadcast %broadcast_in_dim3A_320 : f32 to vector<16xf32>
      %swap3A_322 = arith.index_cast %scan3A_285 : i32 to index
      %swap3A_323 = arith.constant 80 : index
      %swap3A_324 = tpu.vector_load %arg10[%swap3A_322, %swap3A_323] {strides = array<i32>} : memref<40x128xf32, #tpu.memory_space<vmem>>, vector<1x16xf32>,
      %swap3A_325 = vector.shape_cast %swap3A_324 : vector<1x16xf32> to vector<16xf32>
      %swap3A_326 = vector.shape_cast %broadcast_in_dim3A_321 : vector<16xf32> to vector<1x16xf32>
      tpu.vector_store %arg10[%swap3A_322, %swap3A_323], %swap3A_326 {strides = array<i32>} : memref<40x128xf32, #tpu.memory_space<vmem>>, vector<1x16xf32>,
      %broadcast_in_dim3A_327 = arith.constant 0.000000e+00 : f32
      %broadcast_in_dim3A_328 = vector.broadcast %broadcast_in_dim3A_327 : f32 to vector<16xf32>
      %swap3A_329 = arith.index_cast %scan3A_285 : i32 to index
      %swap3A_330 = arith.constant 96 : index
      %swap3A_331 = tpu.vector_load %arg10[%swap3A_329, %swap3A_330] {strides = array<i32>} : memref<40x128xf32, #tpu.memory_space<vmem>>, vector<1x16xf32>,
      %swap3A_332 = vector.shape_cast %swap3A_331 : vector<1x16xf32> to vector<16xf32>
      %swap3A_333 = vector.shape_cast %broadcast_in_dim3A_328 : vector<16xf32> to vector<1x16xf32>
      tpu.vector_store %arg10[%swap3A_329, %swap3A_330], %swap3A_333 {strides = array<i32>} : memref<40x128xf32, #tpu.memory_space<vmem>>, vector<1x16xf32>,
      %broadcast_in_dim3A_334 = arith.constant 0.000000e+00 : f32
      %broadcast_in_dim3A_335 = vector.broadcast %broadcast_in_dim3A_334 : f32 to vector<16xf32>
      %swap3A_336 = arith.index_cast %scan3A_285 : i32 to index
      %swap3A_337 = arith.constant 112 : index
      %swap3A_338 = tpu.vector_load %arg10[%swap3A_336, %swap3A_337] {strides = array<i32>} : memref<40x128xf32, #tpu.memory_space<vmem>>, vector<1x16xf32>,
      %swap3A_339 = vector.shape_cast %swap3A_338 : vector<1x16xf32> to vector<16xf32>
      %swap3A_340 = vector.shape_cast %broadcast_in_dim3A_335 : vector<16xf32> to vector<1x16xf32>
      tpu.vector_store %arg10[%swap3A_336, %swap3A_337], %swap3A_340 {strides = array<i32>} : memref<40x128xf32, #tpu.memory_space<vmem>>, vector<1x16xf32>,
      %scan3A_341 = arith.constant 0 : i32
      scf.yield %scan3A_341 : i32
    }
    %scan3A_6 = arith.constant 40 : i32
    %mul3A_7 = arith.constant 632 : i32
    %mul3A_8 = arith.muli %arg1, %mul3A_7 : i32
    %add3A_9 = arith.constant 0 : i32
    %add3A_10 = arith.addi %mul3A_8, %add3A_9 : i32
    %dma_start3A = arith.constant 0 : i32
    %dma_start3A_11 = tpu.memref_slice %arg11[%add3A_10, %dma_start3A] : memref<10112x128xf32, #tpu.memory_space<vmem_shared>> -> memref<40x128xf32, #tpu.memory_space<vmem_shared>>
    %dma_start3A_12 = arith.constant 0 : i32
    %dma_start3A_13 = tpu.memref_slice %arg11[%add3A_10, %dma_start3A_12] : memref<10112x128xf32, #tpu.memory_space<vmem_shared>> -> memref<40x128xf32, #tpu.memory_space<vmem_shared>>
    tpu.enqueue_dma source(%arg10 : memref<40x128xf32, #tpu.memory_space<vmem>>) target(%dma_start3A_13 : memref<40x128xf32, #tpu.memory_space<vmem_shared>>) target_semaphore(%arg13 : memref<!tpu.dma_semaphore, #tpu.memory_space<semaphore_mem>>)
    %mul3A_14 = arith.constant 632 : i32
    %mul3A_15 = arith.muli %arg1, %mul3A_14 : i32
    %add3A_16 = arith.constant 40 : i32
    %add3A_17 = arith.addi %mul3A_15, %add3A_16 : i32
    %dma_start3A_18 = arith.constant 0 : i32
    %dma_start3A_19 = tpu.memref_slice %arg11[%add3A_17, %dma_start3A_18] : memref<10112x128xf32, #tpu.memory_space<vmem_shared>> -> memref<40x128xf32, #tpu.memory_space<vmem_shared>>
    %dma_start3A_20 = arith.constant 0 : i32
    %dma_start3A_21 = tpu.memref_slice %arg11[%add3A_17, %dma_start3A_20] : memref<10112x128xf32, #tpu.memory_space<vmem_shared>> -> memref<40x128xf32, #tpu.memory_space<vmem_shared>>
    tpu.enqueue_dma source(%arg10 : memref<40x128xf32, #tpu.memory_space<vmem>>) target(%dma_start3A_21 : memref<40x128xf32, #tpu.memory_space<vmem_shared>>) target_semaphore(%arg13 : memref<!tpu.dma_semaphore, #tpu.memory_space<semaphore_mem>>)
    %mul3A_22 = arith.constant 632 : i32
    %mul3A_23 = arith.muli %arg1, %mul3A_22 : i32
    %add3A_24 = arith.constant 80 : i32
    %add3A_25 = arith.addi %mul3A_23, %add3A_24 : i32
    %dma_start3A_26 = arith.constant 0 : i32
    %dma_start3A_27 = tpu.memref_slice %arg11[%add3A_25, %dma_start3A_26] : memref<10112x128xf32, #tpu.memory_space<vmem_shared>> -> memref<40x128xf32, #tpu.memory_space<vmem_shared>>
    %dma_start3A_28 = arith.constant 0 : i32
    %dma_start3A_29 = tpu.memref_slice %arg11[%add3A_25, %dma_start3A_28] : memref<10112x128xf32, #tpu.memory_space<vmem_shared>> -> memref<40x128xf32, #tpu.memory_space<vmem_shared>>
    tpu.enqueue_dma source(%arg10 : memref<40x128xf32, #tpu.memory_space<vmem>>) target(%dma_start3A_29 : memref<40x128xf32, #tpu.memory_space<vmem_shared>>) target_semaphore(%arg13 : memref<!tpu.dma_semaphore, #tpu.memory_space<semaphore_mem>>)
    %mul3A_30 = arith.constant 632 : i32
    %mul3A_31 = arith.muli %arg1, %mul3A_30 : i32
    %add3A_32 = arith.constant 120 : i32
    %add3A_33 = arith.addi %mul3A_31, %add3A_32 : i32
    %dma_start3A_34 = arith.constant 0 : i32
    %dma_start3A_35 = tpu.memref_slice %arg11[%add3A_33, %dma_start3A_34] : memref<10112x128xf32, #tpu.memory_space<vmem_shared>> -> memref<40x128xf32, #tpu.memory_space<vmem_shared>>
    %dma_start3A_36 = arith.constant 0 : i32
    %dma_start3A_37 = tpu.memref_slice %arg11[%add3A_33, %dma_start3A_36] : memref<10112x128xf32, #tpu.memory_space<vmem_shared>> -> memref<40x128xf32, #tpu.memory_space<vmem_shared>>
    tpu.enqueue_dma source(%arg10 : memref<40x128xf32, #tpu.memory_space<vmem>>) target(%dma_start3A_37 : memref<40x128xf32, #tpu.memory_space<vmem_shared>>) target_semaphore(%arg13 : memref<!tpu.dma_semaphore, #tpu.memory_space<semaphore_mem>>)
    %mul3A_38 = arith.constant 632 : i32
    %mul3A_39 = arith.muli %arg1, %mul3A_38 : i32
    %add3A_40 = arith.constant 160 : i32
    %add3A_41 = arith.addi %mul3A_39, %add3A_40 : i32
    %dma_start3A_42 = arith.constant 0 : i32
    %dma_start3A_43 = tpu.memref_slice %arg11[%add3A_41, %dma_start3A_42] : memref<10112x128xf32, #tpu.memory_space<vmem_shared>> -> memref<40x128xf32, #tpu.memory_space<vmem_shared>>
    %dma_start3A_44 = arith.constant 0 : i32
    %dma_start3A_45 = tpu.memref_slice %arg11[%add3A_41, %dma_start3A_44] : memref<10112x128xf32, #tpu.memory_space<vmem_shared>> -> memref<40x128xf32, #tpu.memory_space<vmem_shared>>
    tpu.enqueue_dma source(%arg10 : memref<40x128xf32, #tpu.memory_space<vmem>>) target(%dma_start3A_45 : memref<40x128xf32, #tpu.memory_space<vmem_shared>>) target_semaphore(%arg13 : memref<!tpu.dma_semaphore, #tpu.memory_space<semaphore_mem>>)
    %mul3A_46 = arith.constant 632 : i32
    %mul3A_47 = arith.muli %arg1, %mul3A_46 : i32
    %add3A_48 = arith.constant 200 : i32
    %add3A_49 = arith.addi %mul3A_47, %add3A_48 : i32
    %dma_start3A_50 = arith.constant 0 : i32
    %dma_start3A_51 = tpu.memref_slice %arg11[%add3A_49, %dma_start3A_50] : memref<10112x128xf32, #tpu.memory_space<vmem_shared>> -> memref<40x128xf32, #tpu.memory_space<vmem_shared>>
    %dma_start3A_52 = arith.constant 0 : i32
    %dma_start3A_53 = tpu.memref_slice %arg11[%add3A_49, %dma_start3A_52] : memref<10112x128xf32, #tpu.memory_space<vmem_shared>> -> memref<40x128xf32, #tpu.memory_space<vmem_shared>>
    tpu.enqueue_dma source(%arg10 : memref<40x128xf32, #tpu.memory_space<vmem>>) target(%dma_start3A_53 : memref<40x128xf32, #tpu.memory_space<vmem_shared>>) target_semaphore(%arg13 : memref<!tpu.dma_semaphore, #tpu.memory_space<semaphore_mem>>)
    %mul3A_54 = arith.constant 632 : i32
    %mul3A_55 = arith.muli %arg1, %mul3A_54 : i32
    %add3A_56 = arith.constant 240 : i32
    %add3A_57 = arith.addi %mul3A_55, %add3A_56 : i32
    %dma_start3A_58 = arith.constant 0 : i32
    %dma_start3A_59 = tpu.memref_slice %arg11[%add3A_57, %dma_start3A_58] : memref<10112x128xf32, #tpu.memory_space<vmem_shared>> -> memref<40x128xf32, #tpu.memory_space<vmem_shared>>
    %dma_start3A_60 = arith.constant 0 : i32
    %dma_start3A_61 = tpu.memref_slice %arg11[%add3A_57, %dma_start3A_60] : memref<10112x128xf32, #tpu.memory_space<vmem_shared>> -> memref<40x128xf32, #tpu.memory_space<vmem_shared>>
    tpu.enqueue_dma source(%arg10 : memref<40x128xf32, #tpu.memory_space<vmem>>) target(%dma_start3A_61 : memref<40x128xf32, #tpu.memory_space<vmem_shared>>) target_semaphore(%arg13 : memref<!tpu.dma_semaphore, #tpu.memory_space<semaphore_mem>>)
    %mul3A_62 = arith.constant 632 : i32
    %mul3A_63 = arith.muli %arg1, %mul3A_62 : i32
    %add3A_64 = arith.constant 280 : i32
    %add3A_65 = arith.addi %mul3A_63, %add3A_64 : i32
    %dma_start3A_66 = arith.constant 0 : i32
    %dma_start3A_67 = tpu.memref_slice %arg11[%add3A_65, %dma_start3A_66] : memref<10112x128xf32, #tpu.memory_space<vmem_shared>> -> memref<40x128xf32, #tpu.memory_space<vmem_shared>>
    %dma_start3A_68 = arith.constant 0 : i32
    %dma_start3A_69 = tpu.memref_slice %arg11[%add3A_65, %dma_start3A_68] : memref<10112x128xf32, #tpu.memory_space<vmem_shared>> -> memref<40x128xf32, #tpu.memory_space<vmem_shared>>
    tpu.enqueue_dma source(%arg10 : memref<40x128xf32, #tpu.memory_space<vmem>>) target(%dma_start3A_69 : memref<40x128xf32, #tpu.memory_space<vmem_shared>>) target_semaphore(%arg13 : memref<!tpu.dma_semaphore, #tpu.memory_space<semaphore_mem>>)
    %mul3A_70 = arith.constant 632 : i32
    %mul3A_71 = arith.muli %arg1, %mul3A_70 : i32
    %add3A_72 = arith.constant 320 : i32
    %add3A_73 = arith.addi %mul3A_71, %add3A_72 : i32
    %dma_start3A_74 = arith.constant 0 : i32
    %dma_start3A_75 = tpu.memref_slice %arg11[%add3A_73, %dma_start3A_74] : memref<10112x128xf32, #tpu.memory_space<vmem_shared>> -> memref<40x128xf32, #tpu.memory_space<vmem_shared>>
    %dma_start3A_76 = arith.constant 0 : i32
    %dma_start3A_77 = tpu.memref_slice %arg11[%add3A_73, %dma_start3A_76] : memref<10112x128xf32, #tpu.memory_space<vmem_shared>> -> memref<40x128xf32, #tpu.memory_space<vmem_shared>>
    tpu.enqueue_dma source(%arg10 : memref<40x128xf32, #tpu.memory_space<vmem>>) target(%dma_start3A_77 : memref<40x128xf32, #tpu.memory_space<vmem_shared>>) target_semaphore(%arg13 : memref<!tpu.dma_semaphore, #tpu.memory_space<semaphore_mem>>)
    %mul3A_78 = arith.constant 632 : i32
    %mul3A_79 = arith.muli %arg1, %mul3A_78 : i32
    %add3A_80 = arith.constant 360 : i32
    %add3A_81 = arith.addi %mul3A_79, %add3A_80 : i32
    %dma_start3A_82 = arith.constant 0 : i32
    %dma_start3A_83 = tpu.memref_slice %arg11[%add3A_81, %dma_start3A_82] : memref<10112x128xf32, #tpu.memory_space<vmem_shared>> -> memref<40x128xf32, #tpu.memory_space<vmem_shared>>
    %dma_start3A_84 = arith.constant 0 : i32
    %dma_start3A_85 = tpu.memref_slice %arg11[%add3A_81, %dma_start3A_84] : memref<10112x128xf32, #tpu.memory_space<vmem_shared>> -> memref<40x128xf32, #tpu.memory_space<vmem_shared>>
    tpu.enqueue_dma source(%arg10 : memref<40x128xf32, #tpu.memory_space<vmem>>) target(%dma_start3A_85 : memref<40x128xf32, #tpu.memory_space<vmem_shared>>) target_semaphore(%arg13 : memref<!tpu.dma_semaphore, #tpu.memory_space<semaphore_mem>>)
    %mul3A_86 = arith.constant 632 : i32
    %mul3A_87 = arith.muli %arg1, %mul3A_86 : i32
    %add3A_88 = arith.constant 400 : i32
    %add3A_89 = arith.addi %mul3A_87, %add3A_88 : i32
    %dma_start3A_90 = arith.constant 0 : i32
    %dma_start3A_91 = tpu.memref_slice %arg11[%add3A_89, %dma_start3A_90] : memref<10112x128xf32, #tpu.memory_space<vmem_shared>> -> memref<40x128xf32, #tpu.memory_space<vmem_shared>>
    %dma_start3A_92 = arith.constant 0 : i32
    %dma_start3A_93 = tpu.memref_slice %arg11[%add3A_89, %dma_start3A_92] : memref<10112x128xf32, #tpu.memory_space<vmem_shared>> -> memref<40x128xf32, #tpu.memory_space<vmem_shared>>
    tpu.enqueue_dma source(%arg10 : memref<40x128xf32, #tpu.memory_space<vmem>>) target(%dma_start3A_93 : memref<40x128xf32, #tpu.memory_space<vmem_shared>>) target_semaphore(%arg13 : memref<!tpu.dma_semaphore, #tpu.memory_space<semaphore_mem>>)
    %mul3A_94 = arith.constant 632 : i32
    %mul3A_95 = arith.muli %arg1, %mul3A_94 : i32
    %add3A_96 = arith.constant 440 : i32
    %add3A_97 = arith.addi %mul3A_95, %add3A_96 : i32
    %dma_start3A_98 = arith.constant 0 : i32
    %dma_start3A_99 = tpu.memref_slice %arg11[%add3A_97, %dma_start3A_98] : memref<10112x128xf32, #tpu.memory_space<vmem_shared>> -> memref<40x128xf32, #tpu.memory_space<vmem_shared>>
    %dma_start3A_100 = arith.constant 0 : i32
    %dma_start3A_101 = tpu.memref_slice %arg11[%add3A_97, %dma_start3A_100] : memref<10112x128xf32, #tpu.memory_space<vmem_shared>> -> memref<40x128xf32, #tpu.memory_space<vmem_shared>>
    tpu.enqueue_dma source(%arg10 : memref<40x128xf32, #tpu.memory_space<vmem>>) target(%dma_start3A_101 : memref<40x128xf32, #tpu.memory_space<vmem_shared>>) target_semaphore(%arg13 : memref<!tpu.dma_semaphore, #tpu.memory_space<semaphore_mem>>)
    %mul3A_102 = arith.constant 632 : i32
    %mul3A_103 = arith.muli %arg1, %mul3A_102 : i32
    %add3A_104 = arith.constant 480 : i32
    %add3A_105 = arith.addi %mul3A_103, %add3A_104 : i32
    %dma_start3A_106 = arith.constant 0 : i32
    %dma_start3A_107 = tpu.memref_slice %arg11[%add3A_105, %dma_start3A_106] : memref<10112x128xf32, #tpu.memory_space<vmem_shared>> -> memref<40x128xf32, #tpu.memory_space<vmem_shared>>
    %dma_start3A_108 = arith.constant 0 : i32
    %dma_start3A_109 = tpu.memref_slice %arg11[%add3A_105, %dma_start3A_108] : memref<10112x128xf32, #tpu.memory_space<vmem_shared>> -> memref<40x128xf32, #tpu.memory_space<vmem_shared>>
    tpu.enqueue_dma source(%arg10 : memref<40x128xf32, #tpu.memory_space<vmem>>) target(%dma_start3A_109 : memref<40x128xf32, #tpu.memory_space<vmem_shared>>) target_semaphore(%arg13 : memref<!tpu.dma_semaphore, #tpu.memory_space<semaphore_mem>>)
    %mul3A_110 = arith.constant 632 : i32
    %mul3A_111 = arith.muli %arg1, %mul3A_110 : i32
    %add3A_112 = arith.constant 520 : i32
    %add3A_113 = arith.addi %mul3A_111, %add3A_112 : i32
    %dma_start3A_114 = arith.constant 0 : i32
    %dma_start3A_115 = tpu.memref_slice %arg11[%add3A_113, %dma_start3A_114] : memref<10112x128xf32, #tpu.memory_space<vmem_shared>> -> memref<40x128xf32, #tpu.memory_space<vmem_shared>>
    %dma_start3A_116 = arith.constant 0 : i32
    %dma_start3A_117 = tpu.memref_slice %arg11[%add3A_113, %dma_start3A_116] : memref<10112x128xf32, #tpu.memory_space<vmem_shared>> -> memref<40x128xf32, #tpu.memory_space<vmem_shared>>
    tpu.enqueue_dma source(%arg10 : memref<40x128xf32, #tpu.memory_space<vmem>>) target(%dma_start3A_117 : memref<40x128xf32, #tpu.memory_space<vmem_shared>>) target_semaphore(%arg13 : memref<!tpu.dma_semaphore, #tpu.memory_space<semaphore_mem>>)
    %mul3A_118 = arith.constant 632 : i32
    %mul3A_119 = arith.muli %arg1, %mul3A_118 : i32
    %add3A_120 = arith.constant 560 : i32
    %add3A_121 = arith.addi %mul3A_119, %add3A_120 : i32
    %dma_start3A_122 = arith.constant 0 : i32
    %dma_start3A_123 = tpu.memref_slice %arg11[%add3A_121, %dma_start3A_122] : memref<10112x128xf32, #tpu.memory_space<vmem_shared>> -> memref<40x128xf32, #tpu.memory_space<vmem_shared>>
    %dma_start3A_124 = arith.constant 0 : i32
    %dma_start3A_125 = tpu.memref_slice %arg11[%add3A_121, %dma_start3A_124] : memref<10112x128xf32, #tpu.memory_space<vmem_shared>> -> memref<40x128xf32, #tpu.memory_space<vmem_shared>>
    tpu.enqueue_dma source(%arg10 : memref<40x128xf32, #tpu.memory_space<vmem>>) target(%dma_start3A_125 : memref<40x128xf32, #tpu.memory_space<vmem_shared>>) target_semaphore(%arg13 : memref<!tpu.dma_semaphore, #tpu.memory_space<semaphore_mem>>)
    %mul3A_126 = arith.constant 632 : i32
    %mul3A_127 = arith.muli %arg1, %mul3A_126 : i32
    %add3A_128 = arith.constant 600 : i32
    %add3A_129 = arith.addi %mul3A_127, %add3A_128 : i32
    %dma_start3A_130 = arith.constant 0 : i32
    %dma_start3A_131 = arith.constant 0 : i32
    %dma_start3A_132 = tpu.memref_slice %arg10[%dma_start3A_130, %dma_start3A_131] : memref<40x128xf32, #tpu.memory_space<vmem>> -> memref<32x128xf32, #tpu.memory_space<vmem>>
    %dma_start3A_133 = arith.constant 0 : i32
    %dma_start3A_134 = tpu.memref_slice %arg11[%add3A_129, %dma_start3A_133] : memref<10112x128xf32, #tpu.memory_space<vmem_shared>> -> memref<32x128xf32, #tpu.memory_space<vmem_shared>>
    %dma_start3A_135 = arith.constant 0 : i32
    %dma_start3A_136 = tpu.memref_slice %arg11[%add3A_129, %dma_start3A_135] : memref<10112x128xf32, #tpu.memory_space<vmem_shared>> -> memref<32x128xf32, #tpu.memory_space<vmem_shared>>
    %dma_start3A_137 = arith.constant 0 : i32
    %dma_start3A_138 = arith.constant 0 : i32
    %dma_start3A_139 = tpu.memref_slice %arg10[%dma_start3A_137, %dma_start3A_138] : memref<40x128xf32, #tpu.memory_space<vmem>> -> memref<32x128xf32, #tpu.memory_space<vmem>>
    tpu.enqueue_dma source(%dma_start3A_139 : memref<32x128xf32, #tpu.memory_space<vmem>>) target(%dma_start3A_136 : memref<32x128xf32, #tpu.memory_space<vmem_shared>>) target_semaphore(%arg13 : memref<!tpu.dma_semaphore, #tpu.memory_space<semaphore_mem>>)
    "tpu.region"() ({
      %run_scoped3A = tpu.sem_alloc : memref<!tpu.dma_semaphore, #tpu.memory_space<semaphore_mem>>
      %dma_start3A_285 = arith.constant 0 : i32
      %dma_start3A_286 = arith.constant 0 : i32
      %dma_start3A_287 = tpu.memref_slice %arg3[%add3A, %dma_start3A_285, %dma_start3A_286] : memref<32x80x128xi32, #tpu.memory_space<hbm>> -> memref<1x40x128xi32, #tpu.memory_space<hbm>>
      %dma_start3A_288 = tpu.memref_squeeze %dma_start3A_287 : memref<1x40x128xi32, #tpu.memory_space<hbm>> -> memref<40x128xi32, #tpu.memory_space<hbm>>
      %dma_start3A_289 = arith.constant 0 : i32
      %dma_start3A_290 = arith.constant 0 : i32
      %dma_start3A_291 = tpu.memref_slice %arg3[%add3A, %dma_start3A_289, %dma_start3A_290] : memref<32x80x128xi32, #tpu.memory_space<hbm>> -> memref<1x40x128xi32, #tpu.memory_space<hbm>>
      %dma_start3A_292 = tpu.memref_squeeze %dma_start3A_291 : memref<1x40x128xi32, #tpu.memory_space<hbm>> -> memref<40x128xi32, #tpu.memory_space<hbm>>
      tpu.enqueue_dma source(%dma_start3A_292 : memref<40x128xi32, #tpu.memory_space<hbm>>) target(%arg6 : memref<40x128xi32, #tpu.memory_space<vmem>>) target_semaphore(%run_scoped3A : memref<!tpu.dma_semaphore, #tpu.memory_space<semaphore_mem>>)
      %dma_wait3A_293 = arith.constant 0 : i32
      %dma_wait3A_294 = arith.constant 0 : i32
      %dma_wait3A_295 = tpu.memref_slice %arg3[%add3A, %dma_wait3A_293, %dma_wait3A_294] : memref<32x80x128xi32, #tpu.memory_space<hbm>> -> memref<1x40x128xi32, #tpu.memory_space<hbm>>
      %dma_wait3A_296 = tpu.memref_squeeze %dma_wait3A_295 : memref<1x40x128xi32, #tpu.memory_space<hbm>> -> memref<40x128xi32, #tpu.memory_space<hbm>>
      %dma_wait3A_297 = arith.constant 0 : i32
      %dma_wait3A_298 = arith.constant 0 : i32
      %dma_wait3A_299 = tpu.memref_slice %arg3[%add3A, %dma_wait3A_297, %dma_wait3A_298] : memref<32x80x128xi32, #tpu.memory_space<hbm>> -> memref<1x40x128xi32, #tpu.memory_space<hbm>>
      %dma_wait3A_300 = tpu.memref_squeeze %dma_wait3A_299 : memref<1x40x128xi32, #tpu.memory_space<hbm>> -> memref<40x128xi32, #tpu.memory_space<hbm>>
      tpu.wait_dma2 semaphore(%run_scoped3A : memref<!tpu.dma_semaphore, #tpu.memory_space<semaphore_mem>>) src(%dma_wait3A_300 : memref<40x128xi32, #tpu.memory_space<hbm>>) dst(%arg6 : memref<40x128xi32, #tpu.memory_space<vmem>>)
      tpu.yield
    }) : () -> ()
    "tpu.region"() ({
      %run_scoped3A = tpu.sem_alloc : memref<!tpu.dma_semaphore, #tpu.memory_space<semaphore_mem>>
      %dma_start3A_285 = arith.constant 0 : i32
      %dma_start3A_286 = arith.constant 0 : i32
      %dma_start3A_287 = tpu.memref_slice %arg4[%add3A, %dma_start3A_285, %dma_start3A_286] : memref<32x80x128xi32, #tpu.memory_space<hbm>> -> memref<1x40x128xi32, #tpu.memory_space<hbm>>
      %dma_start3A_288 = tpu.memref_squeeze %dma_start3A_287 : memref<1x40x128xi32, #tpu.memory_space<hbm>> -> memref<40x128xi32, #tpu.memory_space<hbm>>
      %dma_start3A_289 = arith.constant 0 : i32
      %dma_start3A_290 = arith.constant 0 : i32
      %dma_start3A_291 = tpu.memref_slice %arg4[%add3A, %dma_start3A_289, %dma_start3A_290] : memref<32x80x128xi32, #tpu.memory_space<hbm>> -> memref<1x40x128xi32, #tpu.memory_space<hbm>>
      %dma_start3A_292 = tpu.memref_squeeze %dma_start3A_291 : memref<1x40x128xi32, #tpu.memory_space<hbm>> -> memref<40x128xi32, #tpu.memory_space<hbm>>
      tpu.enqueue_dma source(%dma_start3A_292 : memref<40x128xi32, #tpu.memory_space<hbm>>) target(%arg7 : memref<40x128xi32, #tpu.memory_space<vmem>>) target_semaphore(%run_scoped3A : memref<!tpu.dma_semaphore, #tpu.memory_space<semaphore_mem>>)
      %dma_wait3A_293 = arith.constant 0 : i32
      %dma_wait3A_294 = arith.constant 0 : i32
      %dma_wait3A_295 = tpu.memref_slice %arg4[%add3A, %dma_wait3A_293, %dma_wait3A_294] : memref<32x80x128xi32, #tpu.memory_space<hbm>> -> memref<1x40x128xi32, #tpu.memory_space<hbm>>
      %dma_wait3A_296 = tpu.memref_squeeze %dma_wait3A_295 : memref<1x40x128xi32, #tpu.memory_space<hbm>> -> memref<40x128xi32, #tpu.memory_space<hbm>>
      %dma_wait3A_297 = arith.constant 0 : i32
      %dma_wait3A_298 = arith.constant 0 : i32
      %dma_wait3A_299 = tpu.memref_slice %arg4[%add3A, %dma_wait3A_297, %dma_wait3A_298] : memref<32x80x128xi32, #tpu.memory_space<hbm>> -> memref<1x40x128xi32, #tpu.memory_space<hbm>>
      %dma_wait3A_300 = tpu.memref_squeeze %dma_wait3A_299 : memref<1x40x128xi32, #tpu.memory_space<hbm>> -> memref<40x128xi32, #tpu.memory_space<hbm>>
      tpu.wait_dma2 semaphore(%run_scoped3A : memref<!tpu.dma_semaphore, #tpu.memory_space<semaphore_mem>>) src(%dma_wait3A_300 : memref<40x128xi32, #tpu.memory_space<hbm>>) dst(%arg7 : memref<40x128xi32, #tpu.memory_space<vmem>>)
      tpu.yield
    }) : () -> ()
    %mul3A_140 = arith.constant 632 : i32
    %mul3A_141 = arith.muli %arg1, %mul3A_140 : i32
    %add3A_142 = arith.constant 0 : i32
    %add3A_143 = arith.addi %mul3A_141, %add3A_142 : i32
    %dma_wait3A = arith.constant 0 : i32
    %dma_wait3A_144 = tpu.memref_slice %arg11[%add3A_143, %dma_wait3A] : memref<10112x128xf32, #tpu.memory_space<vmem_shared>> -> memref<40x128xf32, #tpu.memory_space<vmem_shared>>
    %dma_wait3A_145 = arith.constant 0 : i32
    %dma_wait3A_146 = tpu.memref_slice %arg11[%add3A_143, %dma_wait3A_145] : memref<10112x128xf32, #tpu.memory_space<vmem_shared>> -> memref<40x128xf32, #tpu.memory_space<vmem_shared>>
    tpu.wait_dma2 semaphore(%arg13 : memref<!tpu.dma_semaphore, #tpu.memory_space<semaphore_mem>>) src(%arg10 : memref<40x128xf32, #tpu.memory_space<vmem>>) dst(%dma_wait3A_146 : memref<40x128xf32, #tpu.memory_space<vmem_shared>>)
    %mul3A_147 = arith.constant 632 : i32
    %mul3A_148 = arith.muli %arg1, %mul3A_147 : i32
    %add3A_149 = arith.constant 40 : i32
    %add3A_150 = arith.addi %mul3A_148, %add3A_149 : i32
    %dma_wait3A_151 = arith.constant 0 : i32
    %dma_wait3A_152 = tpu.memref_slice %arg11[%add3A_150, %dma_wait3A_151] : memref<10112x128xf32, #tpu.memory_space<vmem_shared>> -> memref<40x128xf32, #tpu.memory_space<vmem_shared>>
    %dma_wait3A_153 = arith.constant 0 : i32
    %dma_wait3A_154 = tpu.memref_slice %arg11[%add3A_150, %dma_wait3A_153] : memref<10112x128xf32, #tpu.memory_space<vmem_shared>> -> memref<40x128xf32, #tpu.memory_space<vmem_shared>>
    tpu.wait_dma2 semaphore(%arg13 : memref<!tpu.dma_semaphore, #tpu.memory_space<semaphore_mem>>) src(%arg10 : memref<40x128xf32, #tpu.memory_space<vmem>>) dst(%dma_wait3A_154 : memref<40x128xf32, #tpu.memory_space<vmem_shared>>)
    %mul3A_155 = arith.constant 632 : i32
    %mul3A_156 = arith.muli %arg1, %mul3A_155 : i32
    %add3A_157 = arith.constant 80 : i32
    %add3A_158 = arith.addi %mul3A_156, %add3A_157 : i32
    %dma_wait3A_159 = arith.constant 0 : i32
    %dma_wait3A_160 = tpu.memref_slice %arg11[%add3A_158, %dma_wait3A_159] : memref<10112x128xf32, #tpu.memory_space<vmem_shared>> -> memref<40x128xf32, #tpu.memory_space<vmem_shared>>
    %dma_wait3A_161 = arith.constant 0 : i32
    %dma_wait3A_162 = tpu.memref_slice %arg11[%add3A_158, %dma_wait3A_161] : memref<10112x128xf32, #tpu.memory_space<vmem_shared>> -> memref<40x128xf32, #tpu.memory_space<vmem_shared>>
    tpu.wait_dma2 semaphore(%arg13 : memref<!tpu.dma_semaphore, #tpu.memory_space<semaphore_mem>>) src(%arg10 : memref<40x128xf32, #tpu.memory_space<vmem>>) dst(%dma_wait3A_162 : memref<40x128xf32, #tpu.memory_space<vmem_shared>>)
    %mul3A_163 = arith.constant 632 : i32
    %mul3A_164 = arith.muli %arg1, %mul3A_163 : i32
    %add3A_165 = arith.constant 120 : i32
    %add3A_166 = arith.addi %mul3A_164, %add3A_165 : i32
    %dma_wait3A_167 = arith.constant 0 : i32
    %dma_wait3A_168 = tpu.memref_slice %arg11[%add3A_166, %dma_wait3A_167] : memref<10112x128xf32, #tpu.memory_space<vmem_shared>> -> memref<40x128xf32, #tpu.memory_space<vmem_shared>>
    %dma_wait3A_169 = arith.constant 0 : i32
    %dma_wait3A_170 = tpu.memref_slice %arg11[%add3A_166, %dma_wait3A_169] : memref<10112x128xf32, #tpu.memory_space<vmem_shared>> -> memref<40x128xf32, #tpu.memory_space<vmem_shared>>
    tpu.wait_dma2 semaphore(%arg13 : memref<!tpu.dma_semaphore, #tpu.memory_space<semaphore_mem>>) src(%arg10 : memref<40x128xf32, #tpu.memory_space<vmem>>) dst(%dma_wait3A_170 : memref<40x128xf32, #tpu.memory_space<vmem_shared>>)
    %mul3A_171 = arith.constant 632 : i32
    %mul3A_172 = arith.muli %arg1, %mul3A_171 : i32
    %add3A_173 = arith.constant 160 : i32
    %add3A_174 = arith.addi %mul3A_172, %add3A_173 : i32
    %dma_wait3A_175 = arith.constant 0 : i32
    %dma_wait3A_176 = tpu.memref_slice %arg11[%add3A_174, %dma_wait3A_175] : memref<10112x128xf32, #tpu.memory_space<vmem_shared>> -> memref<40x128xf32, #tpu.memory_space<vmem_shared>>
    %dma_wait3A_177 = arith.constant 0 : i32
    %dma_wait3A_178 = tpu.memref_slice %arg11[%add3A_174, %dma_wait3A_177] : memref<10112x128xf32, #tpu.memory_space<vmem_shared>> -> memref<40x128xf32, #tpu.memory_space<vmem_shared>>
    tpu.wait_dma2 semaphore(%arg13 : memref<!tpu.dma_semaphore, #tpu.memory_space<semaphore_mem>>) src(%arg10 : memref<40x128xf32, #tpu.memory_space<vmem>>) dst(%dma_wait3A_178 : memref<40x128xf32, #tpu.memory_space<vmem_shared>>)
    %mul3A_179 = arith.constant 632 : i32
    %mul3A_180 = arith.muli %arg1, %mul3A_179 : i32
    %add3A_181 = arith.constant 200 : i32
    %add3A_182 = arith.addi %mul3A_180, %add3A_181 : i32
    %dma_wait3A_183 = arith.constant 0 : i32
    %dma_wait3A_184 = tpu.memref_slice %arg11[%add3A_182, %dma_wait3A_183] : memref<10112x128xf32, #tpu.memory_space<vmem_shared>> -> memref<40x128xf32, #tpu.memory_space<vmem_shared>>
    %dma_wait3A_185 = arith.constant 0 : i32
    %dma_wait3A_186 = tpu.memref_slice %arg11[%add3A_182, %dma_wait3A_185] : memref<10112x128xf32, #tpu.memory_space<vmem_shared>> -> memref<40x128xf32, #tpu.memory_space<vmem_shared>>
    tpu.wait_dma2 semaphore(%arg13 : memref<!tpu.dma_semaphore, #tpu.memory_space<semaphore_mem>>) src(%arg10 : memref<40x128xf32, #tpu.memory_space<vmem>>) dst(%dma_wait3A_186 : memref<40x128xf32, #tpu.memory_space<vmem_shared>>)
    %mul3A_187 = arith.constant 632 : i32
    %mul3A_188 = arith.muli %arg1, %mul3A_187 : i32
    %add3A_189 = arith.constant 240 : i32
    %add3A_190 = arith.addi %mul3A_188, %add3A_189 : i32
    %dma_wait3A_191 = arith.constant 0 : i32
    %dma_wait3A_192 = tpu.memref_slice %arg11[%add3A_190, %dma_wait3A_191] : memref<10112x128xf32, #tpu.memory_space<vmem_shared>> -> memref<40x128xf32, #tpu.memory_space<vmem_shared>>
    %dma_wait3A_193 = arith.constant 0 : i32
    %dma_wait3A_194 = tpu.memref_slice %arg11[%add3A_190, %dma_wait3A_193] : memref<10112x128xf32, #tpu.memory_space<vmem_shared>> -> memref<40x128xf32, #tpu.memory_space<vmem_shared>>
    tpu.wait_dma2 semaphore(%arg13 : memref<!tpu.dma_semaphore, #tpu.memory_space<semaphore_mem>>) src(%arg10 : memref<40x128xf32, #tpu.memory_space<vmem>>) dst(%dma_wait3A_194 : memref<40x128xf32, #tpu.memory_space<vmem_shared>>)
    %mul3A_195 = arith.constant 632 : i32
    %mul3A_196 = arith.muli %arg1, %mul3A_195 : i32
    %add3A_197 = arith.constant 280 : i32
    %add3A_198 = arith.addi %mul3A_196, %add3A_197 : i32
    %dma_wait3A_199 = arith.constant 0 : i32
    %dma_wait3A_200 = tpu.memref_slice %arg11[%add3A_198, %dma_wait3A_199] : memref<10112x128xf32, #tpu.memory_space<vmem_shared>> -> memref<40x128xf32, #tpu.memory_space<vmem_shared>>
    %dma_wait3A_201 = arith.constant 0 : i32
    %dma_wait3A_202 = tpu.memref_slice %arg11[%add3A_198, %dma_wait3A_201] : memref<10112x128xf32, #tpu.memory_space<vmem_shared>> -> memref<40x128xf32, #tpu.memory_space<vmem_shared>>
    tpu.wait_dma2 semaphore(%arg13 : memref<!tpu.dma_semaphore, #tpu.memory_space<semaphore_mem>>) src(%arg10 : memref<40x128xf32, #tpu.memory_space<vmem>>) dst(%dma_wait3A_202 : memref<40x128xf32, #tpu.memory_space<vmem_shared>>)
    %mul3A_203 = arith.constant 632 : i32
    %mul3A_204 = arith.muli %arg1, %mul3A_203 : i32
    %add3A_205 = arith.constant 320 : i32
    %add3A_206 = arith.addi %mul3A_204, %add3A_205 : i32
    %dma_wait3A_207 = arith.constant 0 : i32
    %dma_wait3A_208 = tpu.memref_slice %arg11[%add3A_206, %dma_wait3A_207] : memref<10112x128xf32, #tpu.memory_space<vmem_shared>> -> memref<40x128xf32, #tpu.memory_space<vmem_shared>>
    %dma_wait3A_209 = arith.constant 0 : i32
    %dma_wait3A_210 = tpu.memref_slice %arg11[%add3A_206, %dma_wait3A_209] : memref<10112x128xf32, #tpu.memory_space<vmem_shared>> -> memref<40x128xf32, #tpu.memory_space<vmem_shared>>
    tpu.wait_dma2 semaphore(%arg13 : memref<!tpu.dma_semaphore, #tpu.memory_space<semaphore_mem>>) src(%arg10 : memref<40x128xf32, #tpu.memory_space<vmem>>) dst(%dma_wait3A_210 : memref<40x128xf32, #tpu.memory_space<vmem_shared>>)
    %mul3A_211 = arith.constant 632 : i32
    %mul3A_212 = arith.muli %arg1, %mul3A_211 : i32
    %add3A_213 = arith.constant 360 : i32
    %add3A_214 = arith.addi %mul3A_212, %add3A_213 : i32
    %dma_wait3A_215 = arith.constant 0 : i32
    %dma_wait3A_216 = tpu.memref_slice %arg11[%add3A_214, %dma_wait3A_215] : memref<10112x128xf32, #tpu.memory_space<vmem_shared>> -> memref<40x128xf32, #tpu.memory_space<vmem_shared>>
    %dma_wait3A_217 = arith.constant 0 : i32
    %dma_wait3A_218 = tpu.memref_slice %arg11[%add3A_214, %dma_wait3A_217] : memref<10112x128xf32, #tpu.memory_space<vmem_shared>> -> memref<40x128xf32, #tpu.memory_space<vmem_shared>>
    tpu.wait_dma2 semaphore(%arg13 : memref<!tpu.dma_semaphore, #tpu.memory_space<semaphore_mem>>) src(%arg10 : memref<40x128xf32, #tpu.memory_space<vmem>>) dst(%dma_wait3A_218 : memref<40x128xf32, #tpu.memory_space<vmem_shared>>)
    %mul3A_219 = arith.constant 632 : i32
    %mul3A_220 = arith.muli %arg1, %mul3A_219 : i32
    %add3A_221 = arith.constant 400 : i32
    %add3A_222 = arith.addi %mul3A_220, %add3A_221 : i32
    %dma_wait3A_223 = arith.constant 0 : i32
    %dma_wait3A_224 = tpu.memref_slice %arg11[%add3A_222, %dma_wait3A_223] : memref<10112x128xf32, #tpu.memory_space<vmem_shared>> -> memref<40x128xf32, #tpu.memory_space<vmem_shared>>
    %dma_wait3A_225 = arith.constant 0 : i32
    %dma_wait3A_226 = tpu.memref_slice %arg11[%add3A_222, %dma_wait3A_225] : memref<10112x128xf32, #tpu.memory_space<vmem_shared>> -> memref<40x128xf32, #tpu.memory_space<vmem_shared>>
    tpu.wait_dma2 semaphore(%arg13 : memref<!tpu.dma_semaphore, #tpu.memory_space<semaphore_mem>>) src(%arg10 : memref<40x128xf32, #tpu.memory_space<vmem>>) dst(%dma_wait3A_226 : memref<40x128xf32, #tpu.memory_space<vmem_shared>>)
    %mul3A_227 = arith.constant 632 : i32
    %mul3A_228 = arith.muli %arg1, %mul3A_227 : i32
    %add3A_229 = arith.constant 440 : i32
    %add3A_230 = arith.addi %mul3A_228, %add3A_229 : i32
    %dma_wait3A_231 = arith.constant 0 : i32
    %dma_wait3A_232 = tpu.memref_slice %arg11[%add3A_230, %dma_wait3A_231] : memref<10112x128xf32, #tpu.memory_space<vmem_shared>> -> memref<40x128xf32, #tpu.memory_space<vmem_shared>>
    %dma_wait3A_233 = arith.constant 0 : i32
    %dma_wait3A_234 = tpu.memref_slice %arg11[%add3A_230, %dma_wait3A_233] : memref<10112x128xf32, #tpu.memory_space<vmem_shared>> -> memref<40x128xf32, #tpu.memory_space<vmem_shared>>
    tpu.wait_dma2 semaphore(%arg13 : memref<!tpu.dma_semaphore, #tpu.memory_space<semaphore_mem>>) src(%arg10 : memref<40x128xf32, #tpu.memory_space<vmem>>) dst(%dma_wait3A_234 : memref<40x128xf32, #tpu.memory_space<vmem_shared>>)
    %mul3A_235 = arith.constant 632 : i32
    %mul3A_236 = arith.muli %arg1, %mul3A_235 : i32
    %add3A_237 = arith.constant 480 : i32
    %add3A_238 = arith.addi %mul3A_236, %add3A_237 : i32
    %dma_wait3A_239 = arith.constant 0 : i32
    %dma_wait3A_240 = tpu.memref_slice %arg11[%add3A_238, %dma_wait3A_239] : memref<10112x128xf32, #tpu.memory_space<vmem_shared>> -> memref<40x128xf32, #tpu.memory_space<vmem_shared>>
    %dma_wait3A_241 = arith.constant 0 : i32
    %dma_wait3A_242 = tpu.memref_slice %arg11[%add3A_238, %dma_wait3A_241] : memref<10112x128xf32, #tpu.memory_space<vmem_shared>> -> memref<40x128xf32, #tpu.memory_space<vmem_shared>>
    tpu.wait_dma2 semaphore(%arg13 : memref<!tpu.dma_semaphore, #tpu.memory_space<semaphore_mem>>) src(%arg10 : memref<40x128xf32, #tpu.memory_space<vmem>>) dst(%dma_wait3A_242 : memref<40x128xf32, #tpu.memory_space<vmem_shared>>)
    %mul3A_243 = arith.constant 632 : i32
    %mul3A_244 = arith.muli %arg1, %mul3A_243 : i32
    %add3A_245 = arith.constant 520 : i32
    %add3A_246 = arith.addi %mul3A_244, %add3A_245 : i32
    %dma_wait3A_247 = arith.constant 0 : i32
    %dma_wait3A_248 = tpu.memref_slice %arg11[%add3A_246, %dma_wait3A_247] : memref<10112x128xf32, #tpu.memory_space<vmem_shared>> -> memref<40x128xf32, #tpu.memory_space<vmem_shared>>
    %dma_wait3A_249 = arith.constant 0 : i32
    %dma_wait3A_250 = tpu.memref_slice %arg11[%add3A_246, %dma_wait3A_249] : memref<10112x128xf32, #tpu.memory_space<vmem_shared>> -> memref<40x128xf32, #tpu.memory_space<vmem_shared>>
    tpu.wait_dma2 semaphore(%arg13 : memref<!tpu.dma_semaphore, #tpu.memory_space<semaphore_mem>>) src(%arg10 : memref<40x128xf32, #tpu.memory_space<vmem>>) dst(%dma_wait3A_250 : memref<40x128xf32, #tpu.memory_space<vmem_shared>>)
    %mul3A_251 = arith.constant 632 : i32
    %mul3A_252 = arith.muli %arg1, %mul3A_251 : i32
    %add3A_253 = arith.constant 560 : i32
    %add3A_254 = arith.addi %mul3A_252, %add3A_253 : i32
    %dma_wait3A_255 = arith.constant 0 : i32
    %dma_wait3A_256 = tpu.memref_slice %arg11[%add3A_254, %dma_wait3A_255] : memref<10112x128xf32, #tpu.memory_space<vmem_shared>> -> memref<40x128xf32, #tpu.memory_space<vmem_shared>>
    %dma_wait3A_257 = arith.constant 0 : i32
    %dma_wait3A_258 = tpu.memref_slice %arg11[%add3A_254, %dma_wait3A_257] : memref<10112x128xf32, #tpu.memory_space<vmem_shared>> -> memref<40x128xf32, #tpu.memory_space<vmem_shared>>
    tpu.wait_dma2 semaphore(%arg13 : memref<!tpu.dma_semaphore, #tpu.memory_space<semaphore_mem>>) src(%arg10 : memref<40x128xf32, #tpu.memory_space<vmem>>) dst(%dma_wait3A_258 : memref<40x128xf32, #tpu.memory_space<vmem_shared>>)
    %mul3A_259 = arith.constant 632 : i32
    %mul3A_260 = arith.muli %arg1, %mul3A_259 : i32
    %add3A_261 = arith.constant 600 : i32
    %add3A_262 = arith.addi %mul3A_260, %add3A_261 : i32
    %dma_wait3A_263 = arith.constant 0 : i32
    %dma_wait3A_264 = arith.constant 0 : i32
    %dma_wait3A_265 = tpu.memref_slice %arg10[%dma_wait3A_263, %dma_wait3A_264] : memref<40x128xf32, #tpu.memory_space<vmem>> -> memref<32x128xf32, #tpu.memory_space<vmem>>
    %dma_wait3A_266 = arith.constant 0 : i32
    %dma_wait3A_267 = tpu.memref_slice %arg11[%add3A_262, %dma_wait3A_266] : memref<10112x128xf32, #tpu.memory_space<vmem_shared>> -> memref<32x128xf32, #tpu.memory_space<vmem_shared>>
    %dma_wait3A_268 = arith.constant 0 : i32
    %dma_wait3A_269 = tpu.memref_slice %arg11[%add3A_262, %dma_wait3A_268] : memref<10112x128xf32, #tpu.memory_space<vmem_shared>> -> memref<32x128xf32, #tpu.memory_space<vmem_shared>>
    %dma_wait3A_270 = arith.constant 0 : i32
    %dma_wait3A_271 = arith.constant 0 : i32
    %dma_wait3A_272 = tpu.memref_slice %arg10[%dma_wait3A_270, %dma_wait3A_271] : memref<40x128xf32, #tpu.memory_space<vmem>> -> memref<32x128xf32, #tpu.memory_space<vmem>>
    tpu.wait_dma2 semaphore(%arg13 : memref<!tpu.dma_semaphore, #tpu.memory_space<semaphore_mem>>) src(%dma_wait3A_272 : memref<32x128xf32, #tpu.memory_space<vmem>>) dst(%dma_wait3A_269 : memref<32x128xf32, #tpu.memory_space<vmem_shared>>)
    %barrier3A = arith.constant 0 : index
    tpu.barrier barrier_id(%barrier3A)
    %scan3A_273 = arith.constant 0 : i32
    %scan3A_274 = arith.constant 0 : i32
    %scan3A_275 = arith.constant 2 : i32
    %scan3A_276 = arith.addi %scan3A_274, %scan3A_275 : i32
    %scan3A_277 = arith.constant 1 : i32
    %scan3A_278 = scf.for %scan3A_285 = %scan3A_274 to %scan3A_276 step %scan3A_277 iter_args(%scan3A_286 = %scan3A_273) -> (i32)  : i32 {
      %gt3A = arith.constant 0 : i32
      %gt3A_287 = arith.cmpi sgt, %scan3A_285, %gt3A : i32
      %convert_element_type3A = arith.extui %gt3A_287 : i1 to i32
      %cond3A = arith.constant 0 : i32
      %cond3A_288 = arith.cmpi ne, %convert_element_type3A, %cond3A : i32
      scf.if %cond3A_288 {
        %mul3A_304 = arith.constant 40 : i32
        %mul3A_305 = arith.muli %scan3A_285, %mul3A_304 : i32
        "tpu.region"() ({
          %run_scoped3A = tpu.sem_alloc : memref<!tpu.dma_semaphore, #tpu.memory_space<semaphore_mem>>
          %dma_start3A_308 = arith.constant 0 : i32
          %dma_start3A_309 = tpu.memref_slice %arg3[%add3A, %mul3A_305, %dma_start3A_308] : memref<32x80x128xi32, #tpu.memory_space<hbm>> -> memref<1x40x128xi32, #tpu.memory_space<hbm>>
          %dma_start3A_310 = tpu.memref_squeeze %dma_start3A_309 : memref<1x40x128xi32, #tpu.memory_space<hbm>> -> memref<40x128xi32, #tpu.memory_space<hbm>>
          %dma_start3A_311 = arith.constant 0 : i32
          %dma_start3A_312 = tpu.memref_slice %arg3[%add3A, %mul3A_305, %dma_start3A_311] : memref<32x80x128xi32, #tpu.memory_space<hbm>> -> memref<1x40x128xi32, #tpu.memory_space<hbm>>
          %dma_start3A_313 = tpu.memref_squeeze %dma_start3A_312 : memref<1x40x128xi32, #tpu.memory_space<hbm>> -> memref<40x128xi32, #tpu.memory_space<hbm>>
          tpu.enqueue_dma source(%dma_start3A_313 : memref<40x128xi32, #tpu.memory_space<hbm>>) target(%arg6 : memref<40x128xi32, #tpu.memory_space<vmem>>) target_semaphore(%run_scoped3A : memref<!tpu.dma_semaphore, #tpu.memory_space<semaphore_mem>>)
          %dma_wait3A_314 = arith.constant 0 : i32
          %dma_wait3A_315 = tpu.memref_slice %arg3[%add3A, %mul3A_305, %dma_wait3A_314] : memref<32x80x128xi32, #tpu.memory_space<hbm>> -> memref<1x40x128xi32, #tpu.memory_space<hbm>>
          %dma_wait3A_316 = tpu.memref_squeeze %dma_wait3A_315 : memref<1x40x128xi32, #tpu.memory_space<hbm>> -> memref<40x128xi32, #tpu.memory_space<hbm>>
          %dma_wait3A_317 = arith.constant 0 : i32
          %dma_wait3A_318 = tpu.memref_slice %arg3[%add3A, %mul3A_305, %dma_wait3A_317] : memref<32x80x128xi32, #tpu.memory_space<hbm>> -> memref<1x40x128xi32, #tpu.memory_space<hbm>>
          %dma_wait3A_319 = tpu.memref_squeeze %dma_wait3A_318 : memref<1x40x128xi32, #tpu.memory_space<hbm>> -> memref<40x128xi32, #tpu.memory_space<hbm>>
          tpu.wait_dma2 semaphore(%run_scoped3A : memref<!tpu.dma_semaphore, #tpu.memory_space<semaphore_mem>>) src(%dma_wait3A_319 : memref<40x128xi32, #tpu.memory_space<hbm>>) dst(%arg6 : memref<40x128xi32, #tpu.memory_space<vmem>>)
          tpu.yield
        }) : () -> ()
        %mul3A_306 = arith.constant 40 : i32
        %mul3A_307 = arith.muli %scan3A_285, %mul3A_306 : i32
        "tpu.region"() ({
          %run_scoped3A = tpu.sem_alloc : memref<!tpu.dma_semaphore, #tpu.memory_space<semaphore_mem>>
          %dma_start3A_308 = arith.constant 0 : i32
          %dma_start3A_309 = tpu.memref_slice %arg4[%add3A, %mul3A_307, %dma_start3A_308] : memref<32x80x128xi32, #tpu.memory_space<hbm>> -> memref<1x40x128xi32, #tpu.memory_space<hbm>>
          %dma_start3A_310 = tpu.memref_squeeze %dma_start3A_309 : memref<1x40x128xi32, #tpu.memory_space<hbm>> -> memref<40x128xi32, #tpu.memory_space<hbm>>
          %dma_start3A_311 = arith.constant 0 : i32
          %dma_start3A_312 = tpu.memref_slice %arg4[%add3A, %mul3A_307, %dma_start3A_311] : memref<32x80x128xi32, #tpu.memory_space<hbm>> -> memref<1x40x128xi32, #tpu.memory_space<hbm>>
          %dma_start3A_313 = tpu.memref_squeeze %dma_start3A_312 : memref<1x40x128xi32, #tpu.memory_space<hbm>> -> memref<40x128xi32, #tpu.memory_space<hbm>>
          tpu.enqueue_dma source(%dma_start3A_313 : memref<40x128xi32, #tpu.memory_space<hbm>>) target(%arg7 : memref<40x128xi32, #tpu.memory_space<vmem>>) target_semaphore(%run_scoped3A : memref<!tpu.dma_semaphore, #tpu.memory_space<semaphore_mem>>)
          %dma_wait3A_314 = arith.constant 0 : i32
          %dma_wait3A_315 = tpu.memref_slice %arg4[%add3A, %mul3A_307, %dma_wait3A_314] : memref<32x80x128xi32, #tpu.memory_space<hbm>> -> memref<1x40x128xi32, #tpu.memory_space<hbm>>
          %dma_wait3A_316 = tpu.memref_squeeze %dma_wait3A_315 : memref<1x40x128xi32, #tpu.memory_space<hbm>> -> memref<40x128xi32, #tpu.memory_space<hbm>>
          %dma_wait3A_317 = arith.constant 0 : i32
          %dma_wait3A_318 = tpu.memref_slice %arg4[%add3A, %mul3A_307, %dma_wait3A_317] : memref<32x80x128xi32, #tpu.memory_space<hbm>> -> memref<1x40x128xi32, #tpu.memory_space<hbm>>
          %dma_wait3A_319 = tpu.memref_squeeze %dma_wait3A_318 : memref<1x40x128xi32, #tpu.memory_space<hbm>> -> memref<40x128xi32, #tpu.memory_space<hbm>>
          tpu.wait_dma2 semaphore(%run_scoped3A : memref<!tpu.dma_semaphore, #tpu.memory_space<semaphore_mem>>) src(%dma_wait3A_319 : memref<40x128xi32, #tpu.memory_space<hbm>>) dst(%arg7 : memref<40x128xi32, #tpu.memory_space<vmem>>)
          tpu.yield
        }) : () -> ()
      } else {
      }
      %dma_start3A_289 = arith.constant 0 : i32
      %dma_start3A_290 = arith.constant 0 : i32
      %dma_start3A_291 = tpu.memref_slice %arg6[%dma_start3A_289, %dma_start3A_290] : memref<40x128xi32, #tpu.memory_space<vmem>> -> memref<1x128xi32, #tpu.memory_space<vmem>>
      %dma_start3A_292 = tpu.memref_squeeze %dma_start3A_291 : memref<1x128xi32, #tpu.memory_space<vmem>> -> memref<128xi32, #tpu.memory_space<vmem>>
      %dma_start3A_293 = arith.constant 0 : i32
      %dma_start3A_294 = arith.constant 0 : i32
      %dma_start3A_295 = tpu.memref_slice %arg2[%dma_start3A_293, %dma_start3A_294] : memref<10016x128xf32, #tpu.memory_space<hbm>> -> memref<10016x128xf32, #tpu.memory_space<hbm>>
      tpu.enqueue_indirect_dma source(%dma_start3A_295 : memref<10016x128xf32, #tpu.memory_space<hbm>>) target(%arg8 : memref<128x128xf32, #tpu.memory_space<vmem>>) offsets(%dma_start3A_292 : memref<128xi32, #tpu.memory_space<vmem>>) semaphore(%arg12 : memref<!tpu.dma_semaphore, #tpu.memory_space<semaphore_mem>>)
      %scan3A_296 = arith.constant 0 : i32
      %scan3A_297 = arith.constant 0 : i32
      %scan3A_298 = arith.constant 20 : i32
      %scan3A_299 = arith.addi %scan3A_297, %scan3A_298 : i32
      %scan3A_300 = arith.constant 1 : i32
      %scan3A_301 = scf.for %scan3A_304 = %scan3A_297 to %scan3A_299 step %scan3A_300 iter_args(%scan3A_305 = %scan3A_296) -> (i32)  : i32 {
        %mul3A_306 = arith.constant 2 : i32
        %mul3A_307 = arith.muli %mul3A_306, %scan3A_304 : i32
        %mul3A_308 = arith.constant 2 : i32
        %mul3A_309 = arith.muli %mul3A_308, %scan3A_304 : i32
        %add3A_310 = arith.constant 1 : i32
        %add3A_311 = arith.addi %mul3A_309, %add3A_310 : i32
        %dma_wait3A_312 = arith.constant 0 : i32
        %dma_wait3A_313 = tpu.memref_slice %arg6[%mul3A_307, %dma_wait3A_312] : memref<40x128xi32, #tpu.memory_space<vmem>> -> memref<1x128xi32, #tpu.memory_space<vmem>>
        %dma_wait3A_314 = tpu.memref_squeeze %dma_wait3A_313 : memref<1x128xi32, #tpu.memory_space<vmem>> -> memref<128xi32, #tpu.memory_space<vmem>>
        %dma_wait3A_315 = arith.constant 0 : i32
        %dma_wait3A_316 = arith.constant 0 : i32
        %dma_wait3A_317 = tpu.memref_slice %arg2[%dma_wait3A_315, %dma_wait3A_316] : memref<10016x128xf32, #tpu.memory_space<hbm>> -> memref<10016x128xf32, #tpu.memory_space<hbm>>
        tpu.wait_indirect_dma semaphore(%arg12 : memref<!tpu.dma_semaphore, #tpu.memory_space<semaphore_mem>>) src(%dma_wait3A_317 : memref<10016x128xf32, #tpu.memory_space<hbm>>) dst(%arg8 : memref<128x128xf32, #tpu.memory_space<vmem>>)
        %dma_start3A_318 = arith.constant 0 : i32
        %dma_start3A_319 = tpu.memref_slice %arg6[%add3A_311, %dma_start3A_318] : memref<40x128xi32, #tpu.memory_space<vmem>> -> memref<1x128xi32, #tpu.memory_space<vmem>>
        %dma_start3A_320 = tpu.memref_squeeze %dma_start3A_319 : memref<1x128xi32, #tpu.memory_space<vmem>> -> memref<128xi32, #tpu.memory_space<vmem>>
        %dma_start3A_321 = arith.constant 0 : i32
        %dma_start3A_322 = arith.constant 0 : i32
        %dma_start3A_323 = tpu.memref_slice %arg2[%dma_start3A_321, %dma_start3A_322] : memref<10016x128xf32, #tpu.memory_space<hbm>> -> memref<10016x128xf32, #tpu.memory_space<hbm>>
        tpu.enqueue_indirect_dma source(%dma_start3A_323 : memref<10016x128xf32, #tpu.memory_space<hbm>>) target(%arg9 : memref<128x128xf32, #tpu.memory_space<vmem>>) offsets(%dma_start3A_320 : memref<128xi32, #tpu.memory_space<vmem>>) semaphore(%arg13 : memref<!tpu.dma_semaphore, #tpu.memory_space<semaphore_mem>>)
        "tpu.region"() ({
          %run_scoped3A = tpu.sem_alloc : memref<!tpu.dma_semaphore, #tpu.memory_space<semaphore_mem>>
          %dma_start3A_335 = arith.constant 0 : i32
          %dma_start3A_336 = tpu.memref_slice %arg7[%mul3A_307, %dma_start3A_335] : memref<40x128xi32, #tpu.memory_space<vmem>> -> memref<1x128xi32, #tpu.memory_space<vmem>>
          %dma_start3A_337 = tpu.memref_squeeze %dma_start3A_336 : memref<1x128xi32, #tpu.memory_space<vmem>> -> memref<128xi32, #tpu.memory_space<vmem>>
          %dma_start3A_338 = arith.constant 0 : i32
          %dma_start3A_339 = arith.constant 0 : i32
          %dma_start3A_340 = tpu.memref_slice %arg11[%dma_start3A_338, %dma_start3A_339] : memref<10112x128xf32, #tpu.memory_space<vmem_shared>> -> memref<10112x128xf32, #tpu.memory_space<vmem_shared>>
          tpu.enqueue_indirect_dma source(%arg8 : memref<128x128xf32, #tpu.memory_space<vmem>>) target(%dma_start3A_340 : memref<10112x128xf32, #tpu.memory_space<vmem_shared>>) offsets(%dma_start3A_337 : memref<128xi32, #tpu.memory_space<vmem>>) semaphore(%run_scoped3A : memref<!tpu.dma_semaphore, #tpu.memory_space<semaphore_mem>>) {add = true}
          %dma_wait3A_341 = arith.constant 0 : i32
          %dma_wait3A_342 = tpu.memref_slice %arg7[%mul3A_307, %dma_wait3A_341] : memref<40x128xi32, #tpu.memory_space<vmem>> -> memref<1x128xi32, #tpu.memory_space<vmem>>
          %dma_wait3A_343 = tpu.memref_squeeze %dma_wait3A_342 : memref<1x128xi32, #tpu.memory_space<vmem>> -> memref<128xi32, #tpu.memory_space<vmem>>
          %dma_wait3A_344 = arith.constant 0 : i32
          %dma_wait3A_345 = arith.constant 0 : i32
          %dma_wait3A_346 = tpu.memref_slice %arg11[%dma_wait3A_344, %dma_wait3A_345] : memref<10112x128xf32, #tpu.memory_space<vmem_shared>> -> memref<10112x128xf32, #tpu.memory_space<vmem_shared>>
          tpu.wait_indirect_dma semaphore(%run_scoped3A : memref<!tpu.dma_semaphore, #tpu.memory_space<semaphore_mem>>) src(%arg8 : memref<128x128xf32, #tpu.memory_space<vmem>>) dst(%dma_wait3A_346 : memref<10112x128xf32, #tpu.memory_space<vmem_shared>>)
          tpu.yield
        }) : () -> ()
        %dma_wait3A_324 = arith.constant 0 : i32
        %dma_wait3A_325 = tpu.memref_slice %arg6[%add3A_311, %dma_wait3A_324] : memref<40x128xi32, #tpu.memory_space<vmem>> -> memref<1x128xi32, #tpu.memory_space<vmem>>
        %dma_wait3A_326 = tpu.memref_squeeze %dma_wait3A_325 : memref<1x128xi32, #tpu.memory_space<vmem>> -> memref<128xi32, #tpu.memory_space<vmem>>
        %dma_wait3A_327 = arith.constant 0 : i32
        %dma_wait3A_328 = arith.constant 0 : i32
        %dma_wait3A_329 = tpu.memref_slice %arg2[%dma_wait3A_327, %dma_wait3A_328] : memref<10016x128xf32, #tpu.memory_space<hbm>> -> memref<10016x128xf32, #tpu.memory_space<hbm>>
        tpu.wait_indirect_dma semaphore(%arg13 : memref<!tpu.dma_semaphore, #tpu.memory_space<semaphore_mem>>) src(%dma_wait3A_329 : memref<10016x128xf32, #tpu.memory_space<hbm>>) dst(%arg9 : memref<128x128xf32, #tpu.memory_space<vmem>>)
        %lt3A = arith.constant 19 : i32
        %lt3A_330 = arith.cmpi slt, %scan3A_304, %lt3A : i32
        %convert_element_type3A_331 = arith.extui %lt3A_330 : i1 to i32
        %cond3A_332 = arith.constant 0 : i32
        %cond3A_333 = arith.cmpi ne, %convert_element_type3A_331, %cond3A_332 : i32
        scf.if %cond3A_333 {
          %add3A_335 = arith.constant 2 : i32
          %add3A_336 = arith.addi %mul3A_307, %add3A_335 : i32
          %dma_start3A_337 = arith.constant 0 : i32
          %dma_start3A_338 = tpu.memref_slice %arg6[%add3A_336, %dma_start3A_337] : memref<40x128xi32, #tpu.memory_space<vmem>> -> memref<1x128xi32, #tpu.memory_space<vmem>>
          %dma_start3A_339 = tpu.memref_squeeze %dma_start3A_338 : memref<1x128xi32, #tpu.memory_space<vmem>> -> memref<128xi32, #tpu.memory_space<vmem>>
          %dma_start3A_340 = arith.constant 0 : i32
          %dma_start3A_341 = arith.constant 0 : i32
          %dma_start3A_342 = tpu.memref_slice %arg2[%dma_start3A_340, %dma_start3A_341] : memref<10016x128xf32, #tpu.memory_space<hbm>> -> memref<10016x128xf32, #tpu.memory_space<hbm>>
          tpu.enqueue_indirect_dma source(%dma_start3A_342 : memref<10016x128xf32, #tpu.memory_space<hbm>>) target(%arg8 : memref<128x128xf32, #tpu.memory_space<vmem>>) offsets(%dma_start3A_339 : memref<128xi32, #tpu.memory_space<vmem>>) semaphore(%arg12 : memref<!tpu.dma_semaphore, #tpu.memory_space<semaphore_mem>>)
        } else {
        }
        "tpu.region"() ({
          %run_scoped3A = tpu.sem_alloc : memref<!tpu.dma_semaphore, #tpu.memory_space<semaphore_mem>>
          %dma_start3A_335 = arith.constant 0 : i32
          %dma_start3A_336 = tpu.memref_slice %arg7[%add3A_311, %dma_start3A_335] : memref<40x128xi32, #tpu.memory_space<vmem>> -> memref<1x128xi32, #tpu.memory_space<vmem>>
          %dma_start3A_337 = tpu.memref_squeeze %dma_start3A_336 : memref<1x128xi32, #tpu.memory_space<vmem>> -> memref<128xi32, #tpu.memory_space<vmem>>
          %dma_start3A_338 = arith.constant 0 : i32
          %dma_start3A_339 = arith.constant 0 : i32
          %dma_start3A_340 = tpu.memref_slice %arg11[%dma_start3A_338, %dma_start3A_339] : memref<10112x128xf32, #tpu.memory_space<vmem_shared>> -> memref<10112x128xf32, #tpu.memory_space<vmem_shared>>
          tpu.enqueue_indirect_dma source(%arg9 : memref<128x128xf32, #tpu.memory_space<vmem>>) target(%dma_start3A_340 : memref<10112x128xf32, #tpu.memory_space<vmem_shared>>) offsets(%dma_start3A_337 : memref<128xi32, #tpu.memory_space<vmem>>) semaphore(%run_scoped3A : memref<!tpu.dma_semaphore, #tpu.memory_space<semaphore_mem>>) {add = true}
          %dma_wait3A_341 = arith.constant 0 : i32
          %dma_wait3A_342 = tpu.memref_slice %arg7[%add3A_311, %dma_wait3A_341] : memref<40x128xi32, #tpu.memory_space<vmem>> -> memref<1x128xi32, #tpu.memory_space<vmem>>
          %dma_wait3A_343 = tpu.memref_squeeze %dma_wait3A_342 : memref<1x128xi32, #tpu.memory_space<vmem>> -> memref<128xi32, #tpu.memory_space<vmem>>
          %dma_wait3A_344 = arith.constant 0 : i32
          %dma_wait3A_345 = arith.constant 0 : i32
          %dma_wait3A_346 = tpu.memref_slice %arg11[%dma_wait3A_344, %dma_wait3A_345] : memref<10112x128xf32, #tpu.memory_space<vmem_shared>> -> memref<10112x128xf32, #tpu.memory_space<vmem_shared>>
          tpu.wait_indirect_dma semaphore(%run_scoped3A : memref<!tpu.dma_semaphore, #tpu.memory_space<semaphore_mem>>) src(%arg9 : memref<128x128xf32, #tpu.memory_space<vmem>>) dst(%dma_wait3A_346 : memref<10112x128xf32, #tpu.memory_space<vmem_shared>>)
          tpu.yield
        }) : () -> ()
        %scan3A_334 = arith.constant 0 : i32
        scf.yield %scan3A_334 : i32
      }
      %scan3A_302 = arith.constant 20 : i32
      %scan3A_303 = arith.constant 0 : i32
      scf.yield %scan3A_303 : i32
    }
    %scan3A_279 = arith.constant 2 : i32
    %barrier3A_280 = arith.constant 0 : index
    tpu.barrier barrier_id(%barrier3A_280)
    %mul3A_281 = arith.constant 632 : i32
    %mul3A_282 = arith.muli %arg1, %mul3A_281 : i32
    %mul3A_283 = arith.constant 632 : i32
    %mul3A_284 = arith.muli %arg1, %mul3A_283 : i32
    "tpu.region"() ({
      %run_scoped3A = tpu.sem_alloc : memref<!tpu.dma_semaphore, #tpu.memory_space<semaphore_mem>>
      %dma_start3A_285 = arith.constant 0 : i32
      %dma_start3A_286 = tpu.memref_slice %arg5[%arg0, %mul3A_284, %dma_start3A_285] : memref<2x10112x128xf32, #tpu.memory_space<hbm>> -> memref<1x632x128xf32, #tpu.memory_space<hbm>>
      %dma_start3A_287 = tpu.memref_squeeze %dma_start3A_286 : memref<1x632x128xf32, #tpu.memory_space<hbm>> -> memref<632x128xf32, #tpu.memory_space<hbm>>
      %dma_start3A_288 = arith.constant 0 : i32
      %dma_start3A_289 = tpu.memref_slice %arg11[%mul3A_282, %dma_start3A_288] : memref<10112x128xf32, #tpu.memory_space<vmem_shared>> -> memref<632x128xf32, #tpu.memory_space<vmem_shared>>
      tpu.enqueue_dma source(%dma_start3A_289 : memref<632x128xf32, #tpu.memory_space<vmem_shared>>) target(%dma_start3A_287 : memref<632x128xf32, #tpu.memory_space<hbm>>) target_semaphore(%run_scoped3A : memref<!tpu.dma_semaphore, #tpu.memory_space<semaphore_mem>>)
      %dma_wait3A_290 = arith.constant 0 : i32
      %dma_wait3A_291 = tpu.memref_slice %arg5[%arg0, %mul3A_284, %dma_wait3A_290] : memref<2x10112x128xf32, #tpu.memory_space<hbm>> -> memref<1x632x128xf32, #tpu.memory_space<hbm>>
      %dma_wait3A_292 = tpu.memref_squeeze %dma_wait3A_291 : memref<1x632x128xf32, #tpu.memory_space<hbm>> -> memref<632x128xf32, #tpu.memory_space<hbm>>
      %dma_wait3A_293 = arith.constant 0 : i32
      %dma_wait3A_294 = tpu.memref_slice %arg11[%mul3A_282, %dma_wait3A_293] : memref<10112x128xf32, #tpu.memory_space<vmem_shared>> -> memref<632x128xf32, #tpu.memory_space<vmem_shared>>
      tpu.wait_dma2 semaphore(%run_scoped3A : memref<!tpu.dma_semaphore, #tpu.memory_space<semaphore_mem>>) src(%dma_wait3A_294 : memref<632x128xf32, #tpu.memory_space<vmem_shared>>) dst(%dma_wait3A_292 : memref<632x128xf32, #tpu.memory_space<hbm>>)
      tpu.yield
    }) : () -> ()
    return
  }
}

module attributes {stable_mosaic.version = 14 : i64} {
  func.func @_tc_a_body(%arg0: memref<10000x128xf32, #tpu.memory_space<vmem>>, %arg1: memref<2x10112x128xf32, #tpu.memory_space<vmem>>, %arg2: memref<10016x128xf32, #tpu.memory_space<vmem>>, %arg3: memref<10000x1xf32, #tpu.memory_space<vmem>>) attributes {dimension_semantics = [], scalar_prefetch = 0 : i64, scratch_operands = 0 : i64, tpu.core_type = #tpu.core_type<tc>} {
    %get3A = arith.constant 0 : index
    %get3A_0 = arith.constant 0 : index
    %get3A_1 = arith.constant 0 : index
    %get3A_2 = vector.load %arg1[%get3A, %get3A_0, %get3A_1] : memref<2x10112x128xf32, #tpu.memory_space<vmem>>, vector<1x10000x1xf32>
    %get3A_3 = vector.shape_cast %get3A_2 : vector<1x10000x1xf32> to vector<10000x1xf32>
    %get3A_4 = arith.constant 1 : index
    %get3A_5 = arith.constant 0 : index
    %get3A_6 = arith.constant 0 : index
    %get3A_7 = vector.load %arg1[%get3A_4, %get3A_5, %get3A_6] : memref<2x10112x128xf32, #tpu.memory_space<vmem>>, vector<1x10000x1xf32>
    %get3A_8 = vector.shape_cast %get3A_7 : vector<1x10000x1xf32> to vector<10000x1xf32>
    %add3A = arith.addf %get3A_3, %get3A_8 : vector<10000x1xf32>
    %add3A_9 = arith.constant 1.000000e+00 : f32
    %add3A_10 = vector.broadcast %add3A_9 : f32 to vector<10000x1xf32>
    %add3A_11 = arith.addf %add3A, %add3A_10 : vector<10000x1xf32>
    %rsqrt3A = math.rsqrt %add3A_11 : vector<10000x1xf32>
    %swap3A = arith.constant 0 : index
    %swap3A_12 = arith.constant 0 : index
    %swap3A_13 = vector.load %arg3[%swap3A, %swap3A_12] : memref<10000x1xf32, #tpu.memory_space<vmem>>, vector<10000x1xf32>
    tpu.vector_store %arg3[%swap3A, %swap3A_12], %rsqrt3A {strides = array<i32>} : memref<10000x1xf32, #tpu.memory_space<vmem>>, vector<10000x1xf32>,
    %get3A_14 = arith.constant 0 : index
    %get3A_15 = arith.constant 0 : index
    %get3A_16 = vector.load %arg0[%get3A_14, %get3A_15] : memref<10000x128xf32, #tpu.memory_space<vmem>>, vector<10000x128xf32>
    %mul3A = vector.broadcast %rsqrt3A : vector<10000x1xf32> to vector<10000x128xf32>
    %mul3A_17 = arith.mulf %get3A_16, %mul3A : vector<10000x128xf32>
    %swap3A_18 = arith.constant 0 : index
    %swap3A_19 = arith.constant 0 : index
    %swap3A_20 = vector.load %arg2[%swap3A_18, %swap3A_19] : memref<10016x128xf32, #tpu.memory_space<vmem>>, vector<10000x128xf32>
    tpu.vector_store %arg2[%swap3A_18, %swap3A_19], %mul3A_17 {strides = array<i32>} : memref<10016x128xf32, #tpu.memory_space<vmem>>, vector<10000x128xf32>,
    %broadcast_in_dim3A = arith.constant 0.000000e+00 : f32
    %broadcast_in_dim3A_21 = vector.broadcast %broadcast_in_dim3A : f32 to vector<16x128xf32>
    %swap3A_22 = arith.constant 10000 : index
    %swap3A_23 = arith.constant 0 : index
    %swap3A_24 = vector.load %arg2[%swap3A_22, %swap3A_23] : memref<10016x128xf32, #tpu.memory_space<vmem>>, vector<16x128xf32>
    tpu.vector_store %arg2[%swap3A_22, %swap3A_23], %broadcast_in_dim3A_21 {strides = array<i32>} : memref<10016x128xf32, #tpu.memory_space<vmem>>, vector<16x128xf32>,
    return
  }
}

module attributes {stable_mosaic.version = 14 : i64} {
  func.func @_tc_mm_body(%arg0: memref<10000x128xf32, #tpu.memory_space<vmem>>, %arg1: memref<128x128xf32, #tpu.memory_space<vmem>>, %arg2: memref<10000x128xf32, #tpu.memory_space<vmem>>) attributes {dimension_semantics = [], scalar_prefetch = 0 : i64, scratch_operands = 0 : i64, tpu.core_type = #tpu.core_type<tc>} {
    %get3A = arith.constant 0 : index
    %get3A_0 = arith.constant 0 : index
    %get3A_1 = vector.load %arg0[%get3A, %get3A_0] : memref<10000x128xf32, #tpu.memory_space<vmem>>, vector<10000x128xf32>
    %get3A_2 = arith.constant 0 : index
    %get3A_3 = arith.constant 0 : index
    %get3A_4 = vector.load %arg1[%get3A_2, %get3A_3] : memref<128x128xf32, #tpu.memory_space<vmem>>, vector<128x128xf32>
    %dot_general3A = arith.constant dense<0.000000e+00> : vector<10000x128xf32>
    %dot_general3A_5 = tpu.matmul %get3A_1, %get3A_4, %dot_general3A {dimension_numbers = #tpu.dot_dimension_numbers<[1], [0], [0], [1], [0, 0, 1, 1], [], []>, transpose_lhs_hint = false} : vector<10000x128xf32>, vector<128x128xf32>, vector<10000x128xf32> -> vector<10000x128xf32>
    %swap3A = arith.constant 0 : index
    %swap3A_6 = arith.constant 0 : index
    %swap3A_7 = vector.load %arg2[%swap3A, %swap3A_6] : memref<10000x128xf32, #tpu.memory_space<vmem>>, vector<10000x128xf32>
    tpu.vector_store %arg2[%swap3A, %swap3A_6], %dot_general3A_5 {strides = array<i32>} : memref<10000x128xf32, #tpu.memory_space<vmem>>, vector<10000x128xf32>,
    return
  }
}

module attributes {stable_mosaic.version = 14 : i64} {
  func.func @_tc_b_body(%arg0: memref<2x10112x128xf32, #tpu.memory_space<vmem>>, %arg1: memref<10016x128xf32, #tpu.memory_space<vmem>>, %arg2: memref<10000x1xf32, #tpu.memory_space<vmem>>, %arg3: memref<1x128xf32, #tpu.memory_space<vmem>>, %arg4: memref<128x128xf32, #tpu.memory_space<vmem>>, %arg5: memref<10016x128xf32, #tpu.memory_space<vmem>>) attributes {dimension_semantics = [], scalar_prefetch = 0 : i64, scratch_operands = 0 : i64, tpu.core_type = #tpu.core_type<tc>} {
    %get3A = arith.constant 0 : index
    %get3A_0 = arith.constant 0 : index
    %get3A_1 = vector.load %arg2[%get3A, %get3A_0] : memref<10000x1xf32, #tpu.memory_space<vmem>>, vector<10000x1xf32>
    %get3A_2 = arith.constant 0 : index
    %get3A_3 = arith.constant 0 : index
    %get3A_4 = arith.constant 0 : index
    %get3A_5 = vector.load %arg0[%get3A_2, %get3A_3, %get3A_4] : memref<2x10112x128xf32, #tpu.memory_space<vmem>>, vector<1x10000x128xf32>
    %get3A_6 = vector.shape_cast %get3A_5 : vector<1x10000x128xf32> to vector<10000x128xf32>
    %get3A_7 = arith.constant 1 : index
    %get3A_8 = arith.constant 0 : index
    %get3A_9 = arith.constant 0 : index
    %get3A_10 = vector.load %arg0[%get3A_7, %get3A_8, %get3A_9] : memref<2x10112x128xf32, #tpu.memory_space<vmem>>, vector<1x10000x128xf32>
    %get3A_11 = vector.shape_cast %get3A_10 : vector<1x10000x128xf32> to vector<10000x128xf32>
    %add3A = arith.addf %get3A_6, %get3A_11 : vector<10000x128xf32>
    %get3A_12 = arith.constant 0 : index
    %get3A_13 = arith.constant 0 : index
    %get3A_14 = vector.load %arg1[%get3A_12, %get3A_13] : memref<10016x128xf32, #tpu.memory_space<vmem>>, vector<10000x128xf32>
    %add3A_15 = arith.addf %add3A, %get3A_14 : vector<10000x128xf32>
    %mul3A = vector.broadcast %get3A_1 : vector<10000x1xf32> to vector<10000x128xf32>
    %mul3A_16 = arith.mulf %add3A_15, %mul3A : vector<10000x128xf32>
    %get3A_17 = arith.constant 0 : index
    %get3A_18 = arith.constant 0 : index
    %get3A_19 = vector.load %arg3[%get3A_17, %get3A_18] : memref<1x128xf32, #tpu.memory_space<vmem>>, vector<1x128xf32>
    %add3A_20 = vector.broadcast %get3A_19 : vector<1x128xf32> to vector<10000x128xf32>
    %add3A_21 = arith.addf %mul3A_16, %add3A_20 : vector<10000x128xf32>
    %max3A = arith.constant 0.000000e+00 : f32
    %max3A_22 = vector.broadcast %max3A : f32 to vector<10000x128xf32>
    %max3A_23 = arith.maximumf %add3A_21, %max3A_22 : vector<10000x128xf32>
    %get3A_24 = arith.constant 0 : index
    %get3A_25 = arith.constant 0 : index
    %get3A_26 = vector.load %arg4[%get3A_24, %get3A_25] : memref<128x128xf32, #tpu.memory_space<vmem>>, vector<128x128xf32>
    %dot_general3A = arith.constant dense<0.000000e+00> : vector<10000x128xf32>
    %dot_general3A_27 = tpu.matmul %max3A_23, %get3A_26, %dot_general3A {dimension_numbers = #tpu.dot_dimension_numbers<[1], [0], [0], [1], [0, 0, 1, 1], [], []>, transpose_lhs_hint = false} : vector<10000x128xf32>, vector<128x128xf32>, vector<10000x128xf32> -> vector<10000x128xf32>
    %mul3A_28 = vector.broadcast %get3A_1 : vector<10000x1xf32> to vector<10000x128xf32>
    %mul3A_29 = arith.mulf %dot_general3A_27, %mul3A_28 : vector<10000x128xf32>
    %swap3A = arith.constant 0 : index
    %swap3A_30 = arith.constant 0 : index
    %swap3A_31 = vector.load %arg5[%swap3A, %swap3A_30] : memref<10016x128xf32, #tpu.memory_space<vmem>>, vector<10000x128xf32>
    tpu.vector_store %arg5[%swap3A, %swap3A_30], %mul3A_29 {strides = array<i32>} : memref<10016x128xf32, #tpu.memory_space<vmem>>, vector<10000x128xf32>,
    %broadcast_in_dim3A = arith.constant 0.000000e+00 : f32
    %broadcast_in_dim3A_32 = vector.broadcast %broadcast_in_dim3A : f32 to vector<16x128xf32>
    %swap3A_33 = arith.constant 10000 : index
    %swap3A_34 = arith.constant 0 : index
    %swap3A_35 = vector.load %arg5[%swap3A_33, %swap3A_34] : memref<10016x128xf32, #tpu.memory_space<vmem>>, vector<16x128xf32>
    tpu.vector_store %arg5[%swap3A_33, %swap3A_34], %broadcast_in_dim3A_32 {strides = array<i32>} : memref<10016x128xf32, #tpu.memory_space<vmem>>, vector<16x128xf32>,
    return
  }
}

module attributes {stable_mosaic.version = 14 : i64} {
  func.func @_tc_c_body(%arg0: memref<2x10112x128xf32, #tpu.memory_space<vmem>>, %arg1: memref<10016x128xf32, #tpu.memory_space<vmem>>, %arg2: memref<10000x1xf32, #tpu.memory_space<vmem>>, %arg3: memref<1x128xf32, #tpu.memory_space<vmem>>, %arg4: memref<10000x128xf32, #tpu.memory_space<vmem>>) attributes {dimension_semantics = [], scalar_prefetch = 0 : i64, scratch_operands = 0 : i64, tpu.core_type = #tpu.core_type<tc>} {
    %get3A = arith.constant 0 : index
    %get3A_0 = arith.constant 0 : index
    %get3A_1 = arith.constant 0 : index
    %get3A_2 = vector.load %arg0[%get3A, %get3A_0, %get3A_1] : memref<2x10112x128xf32, #tpu.memory_space<vmem>>, vector<1x10000x128xf32>
    %get3A_3 = vector.shape_cast %get3A_2 : vector<1x10000x128xf32> to vector<10000x128xf32>
    %get3A_4 = arith.constant 1 : index
    %get3A_5 = arith.constant 0 : index
    %get3A_6 = arith.constant 0 : index
    %get3A_7 = vector.load %arg0[%get3A_4, %get3A_5, %get3A_6] : memref<2x10112x128xf32, #tpu.memory_space<vmem>>, vector<1x10000x128xf32>
    %get3A_8 = vector.shape_cast %get3A_7 : vector<1x10000x128xf32> to vector<10000x128xf32>
    %add3A = arith.addf %get3A_3, %get3A_8 : vector<10000x128xf32>
    %get3A_9 = arith.constant 0 : index
    %get3A_10 = arith.constant 0 : index
    %get3A_11 = vector.load %arg1[%get3A_9, %get3A_10] : memref<10016x128xf32, #tpu.memory_space<vmem>>, vector<10000x128xf32>
    %add3A_12 = arith.addf %add3A, %get3A_11 : vector<10000x128xf32>
    %get3A_13 = arith.constant 0 : index
    %get3A_14 = arith.constant 0 : index
    %get3A_15 = vector.load %arg2[%get3A_13, %get3A_14] : memref<10000x1xf32, #tpu.memory_space<vmem>>, vector<10000x1xf32>
    %mul3A = vector.broadcast %get3A_15 : vector<10000x1xf32> to vector<10000x128xf32>
    %mul3A_16 = arith.mulf %add3A_12, %mul3A : vector<10000x128xf32>
    %get3A_17 = arith.constant 0 : index
    %get3A_18 = arith.constant 0 : index
    %get3A_19 = vector.load %arg3[%get3A_17, %get3A_18] : memref<1x128xf32, #tpu.memory_space<vmem>>, vector<1x128xf32>
    %add3A_20 = vector.broadcast %get3A_19 : vector<1x128xf32> to vector<10000x128xf32>
    %add3A_21 = arith.addf %mul3A_16, %add3A_20 : vector<10000x128xf32>
    %mul3A_22 = arith.mulf %add3A_21, %add3A_21 : vector<10000x128xf32>
    %reduce_sum3A = arith.constant dense<0.000000e+00> : vector<10000xf32>
    %reduce_sum3A_23 = vector.multi_reduction <add>, %mul3A_22, %reduce_sum3A [1] : vector<10000x128xf32> to vector<10000xf32>
    %broadcast_in_dim3A = vector.shape_cast %reduce_sum3A_23 : vector<10000xf32> to vector<10000x1xf32>
    %sqrt3A = math.sqrt %broadcast_in_dim3A : vector<10000x1xf32>
    %max3A = arith.constant 9.99999996E-13 : f32
    %max3A_24 = vector.broadcast %max3A : f32 to vector<10000x1xf32>
    %max3A_25 = arith.maximumf %sqrt3A, %max3A_24 : vector<10000x1xf32>
    %div3A = vector.broadcast %max3A_25 : vector<10000x1xf32> to vector<10000x128xf32>
    %div3A_26 = arith.divf %add3A_21, %div3A : vector<10000x128xf32>
    %swap3A = arith.constant 0 : index
    %swap3A_27 = arith.constant 0 : index
    %swap3A_28 = vector.load %arg4[%swap3A, %swap3A_27] : memref<10000x128xf32, #tpu.memory_space<vmem>>, vector<10000x128xf32>
    tpu.vector_store %arg4[%swap3A, %swap3A_27], %div3A_26 {strides = array<i32>} : memref<10000x128xf32, #tpu.memory_space<vmem>>, vector<10000x128xf32>,
    return
  }
}

</mosaic_0001>

<sc_bundles>
// kernel: kernel.12.cloned.1.call-start
scs
__scs_entry_jumppad:
0x0: {  	(pc) =	sbr.rel $0x88, $3  }
0x1: {  	(tag) =	ssettag $0x0;
	lr =	simm.s32 $0x1  }
0x2: {  	[smem:$0x3F9B] =	sst lr;
	_ =	strace $0xD0000000  }
0x3: {  	_ = 	snop  }
0x4: {  	_ = 	snop  }
0x5: {  	_ = 	snop  }
0x6: {  	_ = 	snop  }
0x7: {  	_ = 	snop  }
__scs_overlays_trampoline_lowered:
0x8: {  	[smem:$0x3FAA] =	sst s0  }
0x9: {  	[smem:$0x3FAB] =	sst s1  }
0xa: {  	[smem:$0x3FAC] =	sst s2  }
0xb: {  	[smem:$0x3FAD] =	sst s3  }
0xc: {  	[smem:$0x3FAE] =	sst s4  }
0xd: {  	[smem:$0x3FAF] =	sst s5  }
0xe: {  	[smem:$0x3FB0] =	sst s6  }
0xf: {  	[smem:$0x3FB1] =	sst s7  }
0x10: {  	[smem:$0x3FB2] =	sst s8  }
0x11: {  	[smem:$0x3FB3] =	sst s9;
	s0 =	simm.s32 @!p0 $0x0  }
0x12: {  	s1 =	sld [smem:$0x3F99];
	s0 =	simm.s32 @p0 $0x1  }
0x13: {  	[smem:$0x3FB4] =	sst s0;
	s0 =	simm.s32 @!p1 $0x0  }
0x14: {  	s2 =	sld [smem:$0x3F98];
	s0 =	simm.s32 @p1 $0x1  }
0x15: {  	[smem:$0x3FB5] =	sst s0;
	s0 =	simm.s32 @!p2 $0x0  }
0x16: {  	s3 =	sld [smem:$0x3FDB];
	s0 =	simm.s32 @p2 $0x1  }
0x17: {  	s4 =	simm.s32 $0x1BF5;
	[smem:$0x3FB7] =	sst s0  }
0x18: {  	s0 =	sld [smem:$0x3F9A];
	_ =	swait.ge [sflag:s4], $0x0  }
0x19: {  	s7 =	sld [smem:$0x3F9B]  }
0x1a: {  	s8 =	sadd.s32 $0xFFFFE003, lr  }
0x1b: {  	s9 =	sadd.s32 $0xFFFFFEF7, lr;
	s5 =	simm.s32 $0xFFFFFFFF;
	p2 =	slt.u32 s8, $0xFFFFF086  }
0x1c: {  	p1 =	slt.u32 s9, $0xF7A;
	s5 =	simm.s32 @!p2 $0x0  }
0x1d: {  	s5 =	simm.s32 @p1 $0x1;
	p0 =	seq.s32 s7, s2  }
0x1e: {  	s7 =	smul.u32 @!p0 $0xF7A, s2;
	p2 =	seq.s32 @!p0 s5, $0x0  }
0x1f: {  	s9 =	smul.u32 $0xF7A, s1;
	s8 =	simm.s32 @!p0 $0x1BF5;
	p2 =	por !p2, p0  }
0x20: {  	[sflag:s8] =	ssyncset.s32 @!p0 $0xFFFFF086;
	s6 =	sadd.s32 @!p0 s3, s7;
	s7 =	simm.s32 @!p0 $0x108  }
0x21: {  	s3 =	sadd.s32 s3, s9;
	s6 =	sadd.s32 @!p0 $0x88, s6;
	s7 =	simm.s32 @p2 $0x1082  }
0x22: {  	[simem:s7], [sflag:s8] =	dma.local @!p0 [hbm:s6], $0xF7A  }
0x23: {  	s9 =	sor.u32 $0xD0000000, s2;
	s6 =	simm.s32 $0x108;
	_ =	swait.ge @!p0 [sflag:s8], $0x0  }
0x24: {  	s3 =	sadd.s32 $0x88, s3;
	s6 =	simm.s32 @!p1 $0x1082;
	[sflag:s4] =	ssyncset.s32 $0xFFFFF086  }
0x25: {  	[simem:s6], [sflag:s4] =	dma.local [hbm:s3], $0xF7A  }
0x26: {  	[smem:$0x3F9B] =	sst s1;
	(tag) =	ssettag s2;
	_ =	strace s9  }
0x27: {  	s1 =	sld [smem:$0x3FAB]  }
0x28: {  	s2 =	sld [smem:$0x3FAC]  }
0x29: {  	s4 =	sld [smem:$0x3FAE]  }
0x2a: {  	p0 =	seq.s32 s5, $0x0;
	s5 =	sld [smem:$0x3FAF]  }
0x2b: {  	s6 =	sld [smem:$0x3FB0]  }
0x2c: {  	s7 =	sld [smem:$0x3FB1]  }
0x2d: {  	s3 =	simm.s32 $0x108;
	s8 =	sld [smem:$0x3FB2]  }
0x2e: {  	s3 =	simm.s32 @!p0 $0x1082;
	s9 =	sld [smem:$0x3FB3]  }
0x2f: {  	lr =	sadd.s32 s0, s3;
	s0 =	sld [smem:$0x3FAA]  }
0x30: {  	s3 =	sld [smem:$0x3FAD]  }
0x31: {  	[smem:$0x3FB6] =	sst s10  }
0x32: {  	s10 =	sld [smem:$0x3FB4];
	_ =	sdelay $0x3  }
0x33: {  	p0 =	seq.s32 s10, $0x1;
	s10 =	sld [smem:$0x3FB6];
	_ =	sdelay $0x3  }
0x34: {  	[smem:$0x3FB6] =	sst s10  }
0x35: {  	s10 =	sld [smem:$0x3FB5];
	_ =	sdelay $0x3  }
0x36: {  	p1 =	seq.s32 s10, $0x1;
	s10 =	sld [smem:$0x3FB6];
	_ =	sdelay $0x3  }
0x37: {  	[smem:$0x3FB6] =	sst s10  }
0x38: {  	s10 =	sld [smem:$0x3FB7]  }
0x39: {  	_ = 	snop;
	(pc) =	sbr.ind lr, $3  }
0x3a: {  	_ = 	snop  }
0x3b: {  	_ = 	snop  }
0x3c: {  	p2 =	seq.s32 s10, $0x1;
	s10 =	sld [smem:$0x3FB6]  }
0x3d: {  	_ =	shalt  }
0x3e: {  	_ =	shalt  }
0x3f: {  	_ =	shalt  }
0x40: {  	_ =	shalt  }
0x41: {  	_ =	shalt  }
0x42: {  	_ =	shalt  }
0x43: {  	_ =	shalt  }
0x44: {  	_ =	shalt  }
0x45: {  	_ =	shalt  }
0x46: {  	_ =	shalt  }
0x47: {  	_ =	shalt  }
0x48: {  	_ =	shalt  }
0x49: {  	_ =	shalt  }
0x4a: {  	_ =	shalt  }
0x4b: {  	_ =	shalt  }
0x4c: {  	_ =	shalt  }
0x4d: {  	_ =	shalt  }
0x4e: {  	_ =	shalt  }
0x4f: {  	_ =	shalt  }
0x50: {  	_ =	shalt  }
0x51: {  	_ =	shalt  }
0x52: {  	_ =	shalt  }
0x53: {  	_ =	shalt  }
0x54: {  	_ =	shalt  }
0x55: {  	_ =	shalt  }
0x56: {  	_ =	shalt  }
0x57: {  	_ =	shalt  }
0x58: {  	_ =	shalt  }
0x59: {  	_ =	shalt  }
0x5a: {  	_ =	shalt  }
0x5b: {  	_ =	shalt  }
0x5c: {  	_ =	shalt  }
0x5d: {  	_ =	shalt  }
0x5e: {  	_ =	shalt  }
0x5f: {  	_ =	shalt  }
0x60: {  	_ =	shalt  }
0x61: {  	_ =	shalt  }
0x62: {  	_ =	shalt  }
0x63: {  	_ =	shalt  }
0x64: {  	_ =	shalt  }
0x65: {  	_ =	shalt  }
0x66: {  	_ =	shalt  }
0x67: {  	_ =	shalt  }
0x68: {  	_ =	shalt  }
0x69: {  	_ =	shalt  }
0x6a: {  	_ =	shalt  }
0x6b: {  	_ =	shalt  }
0x6c: {  	_ =	shalt  }
0x6d: {  	_ =	shalt  }
0x6e: {  	_ =	shalt  }
0x6f: {  	_ =	shalt  }
0x70: {  	_ =	shalt  }
0x71: {  	_ =	shalt  }
0x72: {  	_ =	shalt  }
0x73: {  	_ =	shalt  }
0x74: {  	_ =	shalt  }
0x75: {  	_ =	shalt  }
0x76: {  	_ =	shalt  }
0x77: {  	_ =	shalt  }
0x78: {  	_ =	shalt  }
0x79: {  	_ =	shalt  }
0x7a: {  	_ =	shalt  }
0x7b: {  	_ =	shalt  }
0x7c: {  	_ =	shalt  }
0x7d: {  	_ =	shalt  }
0x7e: {  	_ =	shalt  }
0x7f: {  	_ =	shalt  }
0x80: {  	_ =	shalt  }
0x81: {  	_ =	shalt  }
0x82: {  	_ =	shalt  }
0x83: {  	_ =	shalt  }
0x84: {  	_ =	shalt  }
0x85: {  	_ =	shalt  }
0x86: {  	_ =	shalt  }
0x87: {  	_ =	shalt  }
.Lfunc_end0:
.L_simem_size_0:
called_computation.1_lowered:
.L_overlay_start_0:
0x88: {  	s2 =	sld [smem:$0x3FD9]  }
0x89: {  	s3 =	sld [smem:$0x3FFE];
	_ =	sdelay $0x1  }
0x8a: {  	s1 =	srdreg.scid  }
0x8b: {  	s0 =	sand.u32 $0x1, s1  }
0x8c: {  	s17 =	sshll.u32 s0, $0xA;
	s2 =	sadd.s32 s3, s2  }
0x8d: {  	s2 =	sadd.s32 s2, s17  }
0x8e: {  	[smem:$0x3FC2] =	sst s2  }
0x8f: {  	_ = 	snop  }
0x90: {  	s2 =	sld [smem:$0x3FD0];
	(tm) =	ssettm $0x1  }
0x91: {  	s18 =	sld [smem:$0x3FFB];
	_ =	sdelay $0x3  }
0x92: {  	_ =	strace s18  }
0x93: {  	s3 =	sld [smem:$0x3FFC];
	_ =	sdelay $0x3  }
0x94: {  	_ =	strace s3  }
0x95: {  	s3 =	sld [smem:$0x3FFD];
	_ =	sdelay $0x3  }
0x96: {  	_ =	strace s3  }
0x97: {  	_ =	strace $0x8FFFFFFF  }
0x98: {  	s19 =	sld [smem:$0x3FDB];
	_ =	sdelay $0x1  }
0x99: {  	s4 =	simm.s32 $_scs_section_size  }
0x9a: {  	s5 =	simm.s32 $_size__tile_overlayer_lowered;
	s6 =	simm.s32 $_tile_overlayer_lowered  }
0x9b: {  	s22 =	simm.s32 $0x1BFF;
	s21 =	sshll.u32 s6, $0x1;
	s3 =	sadd.s32 s4, s19  }
0x9c: {  	s7 =	simm.s32 $0x0;
	s20 =	sshll.u32 s5, $0x1;
	s5 =	sadd.s32 s21, s3  }
0x9d: {  	[timem:s7], [sflag:s22] =	dma.local [hbm:s5], s20  }
0x9e: {  	_ =	swait.ge [sflag:s22], s20  }
0x9f: {  	s4 =	ssub.s32 $0x0, s20;
	[sflag:s22] =	ssyncset.done $0x0  }
0xa0: {  	[sflag:s22] =	ssyncadd.s32 s4;
	_ =	sdelay $0x1  }
0xa1: {  	s23 =	simm.s32 $0x1B8B  }
0xa2: {  	_ =	swait.ge [sflag:s23], $0x1  }
0xa3: {  	[sflag:s23] =	ssyncset.done $0x0  }
0xa4: {  	s25 =	simm.s32 $0x1B8E;
	s24 =	sld [smem:$0x3FFE];
	[sflag:s23] =	ssyncadd.s32 $0xFFFFFFFF  }
0xa5: {  	s26 =	simm.s32 $execute0_lowered;
	[smem:$0x3FD2] =	sst s25  }
0xa6: {  	s5 =	sshll.u32 s26, $0x1;
	_ =	strace $0x80000049;
	[dreg:$0x1] =	wrdreg $0xFFFFFFFF  }
0xa7: {  	s28 =	simm.s32 $_size_execute0_lowered;
	s3 =	sadd.s32 s3, s5;
	[dreg:$0x0] =	wrdreg $0x0  }
0xa8: {  	s5 =	sshll.u32 s28, $0x1;
	[dreg:$0x2] =	wrdreg s3  }
0xa9: {  	[dreg:$0x3] =	wrdreg s5  }
0xaa: {  	[dreg:$0x4] =	wrdreg $0xC0  }
0xab: {  	_ =	task [dreg:s7], $0x5FFFF  }
0xac: {  	[dreg:$0x1] =	wrdreg $0xFFFFFFFF  }
0xad: {  	[dreg:$0x0] =	wrdreg $0x60  }
0xae: {  	[dreg:$0x2] =	wrdreg s24  }
0xaf: {  	[dreg:$0x3] =	wrdreg s2  }
0xb0: {  	[dreg:$0x4] =	wrdreg $0xBC000  }
0xb1: {  	[dreg:$0x5] =	wrdreg $0x9  }
0xb2: {  	_ =	task.clear_ibuf [dreg:s7], $0x6FFFF;
	_ =	strace $0x90000049  }
0xb3: {  	s29 =	simm.s32 $0x9;
	_ =	strace $0x8000004B  }
0xb4: {  	_ =	swait.ge [sflag:s29], $0x1  }
0xb5: {  	[sflag:s29] =	ssyncadd.s32 $0xFFFFFFFF  }
0xb6: {  	_ =	strace $0x9000004B  }
0xb7: {  	_ =	sfence  }
0xb8: {  	s30 =	sld [smem:$0x0];
	_ =	sdelay $0x2  }
0xb9: {  	s31 =	sshll.u32 s1, $0xD;
	s1 =	sshrl.u32 s1, $0x2  }
0xba: {  	s3 =	sand.u32 $0x4000, s31;
	s1 =	sadd.s32 s1, s30  }
0xbb: {  	s0 =	sor.u32 s3, s0;
	s1 =	sshll.u32 s1, $0x11  }
0xbc: {  	s0 =	sor.u32 s1, s0  }
0xbd: {  	s0 =	sadd.s32 $0x8F2B, s0  }
0xbe: {  	[sflag:s0] =	ssyncadd.remote.s32 $0x1  }
0xbf: {  	_ =	sfence.sel $0xFFFF  }
0xc0: {  	[dreg:$0x0] =	wrdreg $0xFFFFFFFF;
	(pc) =	sbr.abs _section_cstart, $3  }
0xc1: {  	[dreg:$0x1] =	wrdreg $0xFFFFFFFF  }
0xc2: {  	_ =	task.clear_ibuf [dreg:s7], $0x2FFFF;
	_ =	strace $0x9FFFFFFF  }
0xc3: {  	(tm) =	ssettm $0x7FFFFFFF  }
tec
execute0_lowered:
.L_overlay_start_1:
0x0: {  	(tag) =	ssettag $0x1  }
0x1: {  	s0 =	rddreg [dreg:$0x0]  }
0x2: {  	s2 =	rddreg [dreg:$0x1]  }
0x3: {  	s1 =	rddreg [dreg:$0x2];
	s3 =	srdreg.scid  }
0x4: {  	s10 =	stileid.u32;
	s28 =	simm.s32 $0xA800;
	s29 =	simm.s32 $0x3  }
0x5: {  	s30 =	simm.s32 $0x1400;
	s31 =	simm.s32 $0x2;
	s7 =	smul.u32 $0x13C00, s10  }
0x6: {  	s5 =	sand.u32 $0x1, s3;
	s3 =	simm.s32 $0x0;
	s14 =	smul.u32 $0x4F000, s10  }
0x7: {  	s4 =	sadd.s32 $0xC800, s0;
	s8 =	sadd.s32 $0x2800, s0;
	s6 =	smul.u32 $0x13C000, s5  }
0x8: {  	[smem:$0x7FF] =	sst s3;
	s9 =	ssub.s32 $0x2, s5;
	s16 =	sshll.u32 s5, $0x4  }
0x9: {  	_ =	strace $0x8000004A;
	s6 =	sadd.s32 s7, s6;
	s7 =	sshrl.u32 s14, $0x2  }
0xa: {  	s15 =	sshrl.u32 s9, $0x1;
	s17 =	sor.u32 s10, s16;
	s5 =	sadd.s32 s7, s1  }
0xb: {  	s10 =	simm.s32 $0x2780;
	s6 =	sshrl.u32 s6, $0x3;
	s18 =	sadd.s32 $0x1400, s5  }
0xc: {  	s7 =	smul.u32 $0x2800, s17;
	s19 =	sadd.s32 $0x2800, s5;
	[dreg:$0x4] =	wrdreg s18  }
0xd: {  	s0 =	sadd.s32 s6, s0;
	s20 =	sadd.s32 $0x3C00, s5;
	[dreg:$0x5] =	wrdreg s19  }
0xe: {  	s6 =	ssub.s32 s9, s15;
	s21 =	sadd.s32 $0x5000, s5;
	[dreg:$0x6] =	wrdreg s20  }
0xf: {  	s22 =	sadd.s32 $0x6400, s5;
	s23 =	sadd.s32 $0x7800, s5;
	[dreg:$0x7] =	wrdreg s21  }
0x10: {  	s24 =	sadd.s32 $0x8C00, s5;
	s25 =	sadd.s32 $0xA000, s5;
	[dreg:$0x8] =	wrdreg s22  }
0x11: {  	s14 =	sadd.s32 $0xB400, s5;
	s15 =	sadd.s32 $0xC800, s5;
	[dreg:$0x9] =	wrdreg s23  }
0x12: {  	s16 =	sadd.s32 $0xDC00, s5;
	s17 =	sadd.s32 $0xF000, s5;
	[dreg:$0xa] =	wrdreg s24  }
0x13: {  	s9 =	simm.s32 $0x2700;
	[dreg:$0xb] =	wrdreg s25;
	s7 =	sshrl.u32 s7, $0x3  }
0x14: {  	s18 =	sadd.s32 $0x10400, s5;
	s23 =	sadd.s32 $0x11800, s5;
	s24 =	sadd.s32 $0x33A00, s0  }
0x15: {  	s25 =	smax.u32 s6, $0x1;
	s0 =	simm.s32 $0x80;
	s6 =	simm.s32 $0x1  }
0x16: {  	s19 =	sadd.s32 s8, s7;
	s26 =	sadd.s32 $0x280, s7;
	s20 =	sadd.s32 s2, s7  }
0x17: {  	s7 =	simm.s32 $0x6800;
	s21 =	sadd.s32 s8, s26;
	s22 =	sadd.s32 s2, s26  }
0x18: {  	v0 =	vimm.f32 $0.0e+00;
	s26 =	sadd.s32 $0x12C00, s5;
	s2 =	simm.s32 $0x2800;
	s8 =	simm.s32 $0x1380  }
.LBB2_1:
0x19: {  	s11 =	simm.s32 $0x0;
	s12 =	simm.s32 $0x200  }
.LBB2_2:
0x1a: {  	p0 =	sne.s32 s12, $0x4E00;
	[tilespmem:s11+$0xA870] =	vst v0  }
0x1b: {  	[tilespmem:s11+$0xA800] =	vst v0  }
0x1c: {  	[tilespmem:s11+$0xA810] =	vst v0  }
.Ltmp0:
0x1d: {  	[tilespmem:s11+$0xA820] =	vst v0;
	(pc) =	sbr.rel @p0 .LBB2_2-.Ltmp0, $4  }
0x1e: {  	[tilespmem:s11+$0xA830] =	vst v0  }
0x1f: {  	[tilespmem:s11+$0xA840] =	vst v0  }
0x20: {  	[tilespmem:s11+$0xA850] =	vst v0  }
0x21: {  	[tilespmem:s11+$0xA860] =	vst v0;
	s11 =	sshra.s32 s12, $0x2;
	s12 =	sadd.s32 $0x200, s12  }
0x22: {  	[tilespmem:s11+$0xA870] =	vst v0  }
0x23: {  	[tilespmem:s11+$0xA800] =	vst v0  }
0x24: {  	[tilespmem:s11+$0xA810] =	vst v0  }
0x25: {  	[tilespmem:s11+$0xA820] =	vst v0  }
0x26: {  	[tilespmem:s11+$0xA830] =	vst v0  }
0x27: {  	[tilespmem:s11+$0xA840] =	vst v0  }
0x28: {  	[tilespmem:s11+$0xA850] =	vst v0  }
0x29: {  	[tilespmem:s11+$0xA860] =	vst v0  }
0x2a: {  	[spmem:s5] =	stream.linear.scatter [tilespmem:s28], [sflag:$0x2], $0x1400, $0x38;
	[tilespmem:$0x1F800] =	vst v63  }
0x2b: {  	s13 =	rddreg [dreg:$0x4]  }
0x2c: {  	[spmem:s13] =	stream.linear.scatter [tilespmem:s28], [sflag:$0x2], $0x1400, $0x38;
	[tilespmem:$0x1F800] =	vst v63  }
0x2d: {  	s12 =	rddreg [dreg:$0x5]  }
0x2e: {  	[spmem:s12] =	stream.linear.scatter [tilespmem:s28], [sflag:$0x2], $0x1400, $0x38;
	[tilespmem:$0x1F800] =	vst v63  }
0x2f: {  	s13 =	rddreg [dreg:$0x6]  }
0x30: {  	[spmem:s13] =	stream.linear.scatter [tilespmem:s28], [sflag:$0x2], $0x1400, $0x38;
	[tilespmem:$0x1F800] =	vst v63  }
0x31: {  	s12 =	rddreg [dreg:$0x7]  }
0x32: {  	[spmem:s12] =	stream.linear.scatter [tilespmem:s28], [sflag:$0x2], $0x1400, $0x38;
	[tilespmem:$0x1F800] =	vst v63  }
0x33: {  	s13 =	rddreg [dreg:$0x8]  }
0x34: {  	[spmem:s13] =	stream.linear.scatter [tilespmem:s28], [sflag:$0x2], $0x1400, $0x38;
	[tilespmem:$0x1F800] =	vst v63  }
0x35: {  	s12 =	rddreg [dreg:$0x9]  }
0x36: {  	[spmem:s12] =	stream.linear.scatter [tilespmem:s28], [sflag:$0x2], $0x1400, $0x38;
	[tilespmem:$0x1F800] =	vst v63  }
0x37: {  	s13 =	rddreg [dreg:$0xa]  }
0x38: {  	[spmem:s13] =	stream.linear.scatter [tilespmem:s28], [sflag:$0x2], $0x1400, $0x38;
	[tilespmem:$0x1F800] =	vst v63  }
0x39: {  	s12 =	rddreg [dreg:$0xb]  }
0x3a: {  	[spmem:s12] =	stream.linear.scatter [tilespmem:s28], [sflag:$0x2], $0x1400, $0x38;
	[tilespmem:$0x1F800] =	vst v63  }
0x3b: {  	_ = 	snop  }
0x3c: {  	[spmem:s14] =	stream.linear.scatter [tilespmem:s28], [sflag:$0x2], $0x1400, $0x38;
	[tilespmem:$0x1F800] =	vst v63  }
0x3d: {  	_ = 	snop  }
0x3e: {  	[spmem:s15] =	stream.linear.scatter [tilespmem:s28], [sflag:$0x2], $0x1400, $0x38;
	[tilespmem:$0x1F800] =	vst v63  }
0x3f: {  	_ = 	snop  }
0x40: {  	[spmem:s16] =	stream.linear.scatter [tilespmem:s28], [sflag:$0x2], $0x1400, $0x38;
	[tilespmem:$0x1F800] =	vst v63  }
0x41: {  	_ = 	snop  }
0x42: {  	[spmem:s17] =	stream.linear.scatter [tilespmem:s28], [sflag:$0x2], $0x1400, $0x38;
	[tilespmem:$0x1F800] =	vst v63  }
0x43: {  	_ = 	snop  }
0x44: {  	[spmem:s18] =	stream.linear.scatter [tilespmem:s28], [sflag:$0x2], $0x1400, $0x38;
	[tilespmem:$0x1F800] =	vst v63  }
0x45: {  	_ = 	snop  }
0x46: {  	[spmem:s23] =	stream.linear.scatter [tilespmem:s28], [sflag:$0x2], $0x1400, $0x38;
	[tilespmem:$0x1F800] =	vst v63  }
0x47: {  	_ = 	snop  }
0x48: {  	[spmem:s26] =	stream.linear.scatter [tilespmem:s28], [sflag:$0x2], $0x1000, $0x38;
	[tilespmem:$0x1F800] =	vst v63  }
0x49: {  	s13 =	simm.s32 $0x0  }
0x4a: {  	[tilespmem:s13], [sflag:$0x3] =	stream.linear.gather [hbm4b:s19+s13], $0x1400, $0x38;
	[tilespmem:$0x1F800] =	vst v63  }
0x4b: {  	_ =	swait.ge [sflag:s29], $0x1400  }
0x4c: {  	[sflag:s29] =	ssyncset.done $0x0  }
0x4d: {  	[sflag:s29] =	ssyncadd.s32 $0xFFFFEC00  }
0x4e: {  	[tilespmem:s30], [sflag:$0x3] =	stream.linear.gather [hbm4b:s20+s13], $0x1400, $0x38;
	[tilespmem:$0x1F800] =	vst v63  }
0x4f: {  	_ =	swait.ge [sflag:s29], $0x1400  }
0x50: {  	[sflag:s29] =	ssyncset.done $0x0  }
0x51: {  	[sflag:s29] =	ssyncadd.s32 $0xFFFFEC00  }
0x52: {  	_ =	swait.ge [sflag:s31], $0x1400  }
0x53: {  	[sflag:s31] =	ssyncset.done $0x0  }
0x54: {  	[sflag:s31] =	ssyncadd.s32 $0xFFFFEC00  }
0x55: {  	_ =	swait.ge [sflag:s31], $0x1400  }
0x56: {  	[sflag:s31] =	ssyncset.done $0x0  }
0x57: {  	[sflag:s31] =	ssyncadd.s32 $0xFFFFEC00  }
0x58: {  	_ =	swait.ge [sflag:s31], $0x1400  }
0x59: {  	[sflag:s31] =	ssyncset.done $0x0  }
0x5a: {  	[sflag:s31] =	ssyncadd.s32 $0xFFFFEC00  }
0x5b: {  	_ =	swait.ge [sflag:s31], $0x1400  }
0x5c: {  	[sflag:s31] =	ssyncset.done $0x0  }
0x5d: {  	[sflag:s31] =	ssyncadd.s32 $0xFFFFEC00  }
0x5e: {  	_ =	swait.ge [sflag:s31], $0x1400  }
0x5f: {  	[sflag:s31] =	ssyncset.done $0x0  }
0x60: {  	[sflag:s31] =	ssyncadd.s32 $0xFFFFEC00  }
0x61: {  	_ =	swait.ge [sflag:s31], $0x1400  }
0x62: {  	[sflag:s31] =	ssyncset.done $0x0  }
0x63: {  	[sflag:s31] =	ssyncadd.s32 $0xFFFFEC00  }
0x64: {  	_ =	swait.ge [sflag:s31], $0x1400  }
0x65: {  	[sflag:s31] =	ssyncset.done $0x0  }
0x66: {  	[sflag:s31] =	ssyncadd.s32 $0xFFFFEC00  }
0x67: {  	_ =	swait.ge [sflag:s31], $0x1400  }
0x68: {  	[sflag:s31] =	ssyncset.done $0x0  }
0x69: {  	[sflag:s31] =	ssyncadd.s32 $0xFFFFEC00  }
0x6a: {  	_ =	swait.ge [sflag:s31], $0x1400  }
0x6b: {  	[sflag:s31] =	ssyncset.done $0x0  }
0x6c: {  	[sflag:s31] =	ssyncadd.s32 $0xFFFFEC00  }
0x6d: {  	_ =	swait.ge [sflag:s31], $0x1400  }
0x6e: {  	[sflag:s31] =	ssyncset.done $0x0  }
0x6f: {  	[sflag:s31] =	ssyncadd.s32 $0xFFFFEC00  }
0x70: {  	_ =	swait.ge [sflag:s31], $0x1400  }
0x71: {  	[sflag:s31] =	ssyncset.done $0x0  }
0x72: {  	[sflag:s31] =	ssyncadd.s32 $0xFFFFEC00  }
0x73: {  	_ =	swait.ge [sflag:s31], $0x1400  }
0x74: {  	[sflag:s31] =	ssyncset.done $0x0  }
0x75: {  	[sflag:s31] =	ssyncadd.s32 $0xFFFFEC00  }
0x76: {  	_ =	swait.ge [sflag:s31], $0x1400  }
0x77: {  	[sflag:s31] =	ssyncset.done $0x0  }
0x78: {  	[sflag:s31] =	ssyncadd.s32 $0xFFFFEC00  }
0x79: {  	_ =	swait.ge [sflag:s31], $0x1400  }
0x7a: {  	[sflag:s31] =	ssyncset.done $0x0  }
0x7b: {  	[sflag:s31] =	ssyncadd.s32 $0xFFFFEC00  }
0x7c: {  	_ =	swait.ge [sflag:s31], $0x1400  }
0x7d: {  	[sflag:s31] =	ssyncset.done $0x0  }
0x7e: {  	[sflag:s31] =	ssyncadd.s32 $0xFFFFEC00  }
0x7f: {  	_ =	swait.ge [sflag:s31], $0x1000  }
0x80: {  	[sflag:s31] =	ssyncset.done $0x0  }
0x81: {  	[sflag:s31] =	ssyncadd.s32 $0xFFFFF000  }
0x82: {  	[bflag:$0x0] =	sbarrier.arrive $0xFFFF  }
0x83: {  	[tilespmem:s2], [sflag:$0x1] =	stream.indirect.gather [hbm4b:s4+s0], $0x80, s13, s0, $0xb8;
	[tilespmem:$0x1F800] =	vst v63  }
0x84: {  	_ =	swait.ge [sflag:s6], $0x4000  }
0x85: {  	[sflag:s6] =	ssyncset.done $0x0  }
0x86: {  	s12 =	simm.s32 $0x80;
	[sflag:s6] =	ssyncadd.s32 $0xFFFFC000  }
0x87: {  	[tilespmem:s7], [sflag:$0x2] =	stream.indirect.gather [hbm4b:s4+s0], $0x80, s12, s0, $0xb8;
	[tilespmem:$0x1F800] =	vst v63  }
0x88: {  	s13 =	simm.s32 $0x1400  }
0x89: {  	[spmem:s1] =	stream.indirect.scatter.add.f32 [tilespmem:s2], [sflag:$0x3], $0x80, s13, s0, $0xb8;
	[tilespmem:$0x1F800] =	vst v63  }
0x8a: {  	_ =	swait.ge [sflag:s29], $0x4000  }
0x8b: {  	[sflag:s29] =	ssyncset.done $0x0  }
0x8c: {  	[sflag:s29] =	ssyncadd.s32 $0xFFFFC000  }
0x8d: {  	_ =	swait.ge [sflag:s31], $0x4000  }
0x8e: {  	[sflag:s31] =	ssyncset.done $0x0  }
0x8f: {  	s12 =	simm.s32 $0x100;
	[sflag:s31] =	ssyncadd.s32 $0xFFFFC000  }
0x90: {  	[tilespmem:s2], [sflag:$0x1] =	stream.indirect.gather [hbm4b:s4+s0], $0x80, s12, s0, $0xb8;
	[tilespmem:$0x1F800] =	vst v63  }
0x91: {  	s13 =	simm.s32 $0x1480  }
0x92: {  	[spmem:s1] =	stream.indirect.scatter.add.f32 [tilespmem:s7], [sflag:$0x3], $0x80, s13, s0, $0xb8;
	[tilespmem:$0x1F800] =	vst v63  }
0x93: {  	_ =	swait.ge [sflag:s29], $0x4000  }
0x94: {  	s11 =	simm.s32 $0x400;
	[sflag:s29] =	ssyncset.done $0x0  }
.LBB2_4:
0x95: {  	p0 =	sne.s32 s11, $0x4800  }
0x96: {  	[sflag:s29] =	ssyncadd.s32 $0xFFFFC000;
	s12 =	smov.u32 s11;
	s11 =	sadd.s32 $0x400, s11  }
0x97: {  	_ = 	snop  }
0x98: {  	_ =	swait.ge [sflag:s6], $0x4000  }
0x99: {  	s12 =	sshra.s32 s12, $0x2;
	[sflag:s6] =	ssyncset.done $0x0  }
0x9a: {  	s13 =	sadd.s32 $0x80, s12;
	[sflag:s6] =	ssyncadd.s32 $0xFFFFC000  }
0x9b: {  	[tilespmem:s7], [sflag:$0x2] =	stream.indirect.gather [hbm4b:s4+s0], $0x80, s13, s0, $0xb8;
	[tilespmem:$0x1F800] =	vst v63  }
0x9c: {  	s13 =	sadd.s32 $0x1400, s12  }
0x9d: {  	[spmem:s1] =	stream.indirect.scatter.add.f32 [tilespmem:s2], [sflag:$0x3], $0x80, s13, s0, $0xb8;
	[tilespmem:$0x1F800] =	vst v63  }
0x9e: {  	_ =	swait.ge [sflag:s29], $0x4000  }
0x9f: {  	[sflag:s29] =	ssyncset.done $0x0  }
0xa0: {  	[sflag:s29] =	ssyncadd.s32 $0xFFFFC000  }
0xa1: {  	_ =	swait.ge [sflag:s31], $0x4000  }
0xa2: {  	[sflag:s31] =	ssyncset.done $0x0  }
0xa3: {  	s13 =	sadd.s32 $0x100, s12;
	[sflag:s31] =	ssyncadd.s32 $0xFFFFC000  }
0xa4: {  	[tilespmem:s2], [sflag:$0x1] =	stream.indirect.gather [hbm4b:s4+s0], $0x80, s13, s0, $0xb8;
	[tilespmem:$0x1F800] =	vst v63  }
.Ltmp1:
0xa5: {  	_ = 	snop;
	(pc) =	sbr.rel @p0 .LBB2_4-.Ltmp1, $4  }
0xa6: {  	s12 =	sadd.s32 $0x1480, s12  }
0xa7: {  	[spmem:s1] =	stream.indirect.scatter.add.f32 [tilespmem:s7], [sflag:$0x3], $0x80, s12, s0, $0xb8;
	[tilespmem:$0x1F800] =	vst v63  }
0xa8: {  	_ =	swait.ge [sflag:s29], $0x4000  }
0xa9: {  	[sflag:s29] =	ssyncset.done $0x0  }
0xaa: {  	[sflag:s29] =	ssyncadd.s32 $0xFFFFC000  }
0xab: {  	_ =	swait.ge [sflag:s6], $0x4000  }
0xac: {  	[sflag:s6] =	ssyncset.done $0x0  }
0xad: {  	[sflag:s6] =	ssyncadd.s32 $0xFFFFC000  }
0xae: {  	[tilespmem:s7], [sflag:$0x2] =	stream.indirect.gather [hbm4b:s4+s0], $0x80, s8, s0, $0xb8;
	[tilespmem:$0x1F800] =	vst v63  }
0xaf: {  	_ = 	snop  }
0xb0: {  	[spmem:s1] =	stream.indirect.scatter.add.f32 [tilespmem:s2], [sflag:$0x3], $0x80, s9, s0, $0xb8;
	[tilespmem:$0x1F800] =	vst v63  }
0xb1: {  	_ =	swait.ge [sflag:s29], $0x4000  }
0xb2: {  	[sflag:s29] =	ssyncset.done $0x0  }
0xb3: {  	[sflag:s29] =	ssyncadd.s32 $0xFFFFC000  }
0xb4: {  	_ =	swait.ge [sflag:s31], $0x4000  }
0xb5: {  	[sflag:s31] =	ssyncset.done $0x0  }
0xb6: {  	[sflag:s31] =	ssyncadd.s32 $0xFFFFC000  }
0xb7: {  	[spmem:s1] =	stream.indirect.scatter.add.f32 [tilespmem:s7], [sflag:$0x3], $0x80, s10, s0, $0xb8;
	[tilespmem:$0x1F800] =	vst v63  }
0xb8: {  	_ =	swait.ge [sflag:s29], $0x4000  }
0xb9: {  	[sflag:s29] =	ssyncset.done $0x0  }
0xba: {  	s11 =	simm.s32 $0x0;
	[sflag:s29] =	ssyncadd.s32 $0xFFFFC000  }
0xbb: {  	[tilespmem:s11], [sflag:$0x3] =	stream.linear.gather [hbm4b:s21+s11], $0x1400, $0x38;
	[tilespmem:$0x1F800] =	vst v63  }
0xbc: {  	_ =	swait.ge [sflag:s29], $0x1400  }
0xbd: {  	[sflag:s29] =	ssyncset.done $0x0  }
0xbe: {  	[sflag:s29] =	ssyncadd.s32 $0xFFFFEC00  }
0xbf: {  	[tilespmem:s30], [sflag:$0x3] =	stream.linear.gather [hbm4b:s22+s11], $0x1400, $0x38;
	[tilespmem:$0x1F800] =	vst v63  }
0xc0: {  	_ =	swait.ge [sflag:s29], $0x1400  }
0xc1: {  	[sflag:s29] =	ssyncset.done $0x0  }
0xc2: {  	[sflag:s29] =	ssyncadd.s32 $0xFFFFEC00  }
0xc3: {  	[tilespmem:s2], [sflag:$0x1] =	stream.indirect.gather [hbm4b:s4+s0], $0x80, s11, s0, $0xb8;
	[tilespmem:$0x1F800] =	vst v63  }
0xc4: {  	_ =	swait.ge [sflag:s6], $0x4000  }
0xc5: {  	[sflag:s6] =	ssyncset.done $0x0  }
0xc6: {  	s12 =	simm.s32 $0x80;
	[sflag:s6] =	ssyncadd.s32 $0xFFFFC000  }
0xc7: {  	[tilespmem:s7], [sflag:$0x2] =	stream.indirect.gather [hbm4b:s4+s0], $0x80, s12, s0, $0xb8;
	[tilespmem:$0x1F800] =	vst v63  }
0xc8: {  	s13 =	simm.s32 $0x1400  }
0xc9: {  	[spmem:s1] =	stream.indirect.scatter.add.f32 [tilespmem:s2], [sflag:$0x3], $0x80, s13, s0, $0xb8;
	[tilespmem:$0x1F800] =	vst v63  }
0xca: {  	_ =	swait.ge [sflag:s29], $0x4000  }
0xcb: {  	[sflag:s29] =	ssyncset.done $0x0  }
0xcc: {  	[sflag:s29] =	ssyncadd.s32 $0xFFFFC000  }
0xcd: {  	_ =	swait.ge [sflag:s31], $0x4000  }
0xce: {  	[sflag:s31] =	ssyncset.done $0x0  }
0xcf: {  	s12 =	simm.s32 $0x100;
	[sflag:s31] =	ssyncadd.s32 $0xFFFFC000  }
0xd0: {  	[tilespmem:s2], [sflag:$0x1] =	stream.indirect.gather [hbm4b:s4+s0], $0x80, s12, s0, $0xb8;
	[tilespmem:$0x1F800] =	vst v63  }
0xd1: {  	s13 =	simm.s32 $0x1480  }
0xd2: {  	[spmem:s1] =	stream.indirect.scatter.add.f32 [tilespmem:s7], [sflag:$0x3], $0x80, s13, s0, $0xb8;
	[tilespmem:$0x1F800] =	vst v63  }
0xd3: {  	_ =	swait.ge [sflag:s29], $0x4000  }
0xd4: {  	s11 =	simm.s32 $0x400;
	[sflag:s29] =	ssyncset.done $0x0  }
.LBB2_6:
0xd5: {  	p0 =	sne.s32 s11, $0x4800  }
0xd6: {  	[sflag:s29] =	ssyncadd.s32 $0xFFFFC000;
	s12 =	smov.u32 s11;
	s11 =	sadd.s32 $0x400, s11  }
0xd7: {  	_ = 	snop  }
0xd8: {  	_ =	swait.ge [sflag:s6], $0x4000  }
0xd9: {  	s12 =	sshra.s32 s12, $0x2;
	[sflag:s6] =	ssyncset.done $0x0  }
0xda: {  	s13 =	sadd.s32 $0x80, s12;
	[sflag:s6] =	ssyncadd.s32 $0xFFFFC000  }
0xdb: {  	[tilespmem:s7], [sflag:$0x2] =	stream.indirect.gather [hbm4b:s4+s0], $0x80, s13, s0, $0xb8;
	[tilespmem:$0x1F800] =	vst v63  }
0xdc: {  	s13 =	sadd.s32 $0x1400, s12  }
0xdd: {  	[spmem:s1] =	stream.indirect.scatter.add.f32 [tilespmem:s2], [sflag:$0x3], $0x80, s13, s0, $0xb8;
	[tilespmem:$0x1F800] =	vst v63  }
0xde: {  	_ =	swait.ge [sflag:s29], $0x4000  }
0xdf: {  	[sflag:s29] =	ssyncset.done $0x0  }
0xe0: {  	[sflag:s29] =	ssyncadd.s32 $0xFFFFC000  }
0xe1: {  	_ =	swait.ge [sflag:s31], $0x4000  }
0xe2: {  	[sflag:s31] =	ssyncset.done $0x0  }
0xe3: {  	s13 =	sadd.s32 $0x100, s12;
	[sflag:s31] =	ssyncadd.s32 $0xFFFFC000  }
0xe4: {  	[tilespmem:s2], [sflag:$0x1] =	stream.indirect.gather [hbm4b:s4+s0], $0x80, s13, s0, $0xb8;
	[tilespmem:$0x1F800] =	vst v63  }
.Ltmp2:
0xe5: {  	_ = 	snop;
	(pc) =	sbr.rel @p0 .LBB2_6-.Ltmp2, $4  }
0xe6: {  	s12 =	sadd.s32 $0x1480, s12  }
0xe7: {  	[spmem:s1] =	stream.indirect.scatter.add.f32 [tilespmem:s7], [sflag:$0x3], $0x80, s12, s0, $0xb8;
	[tilespmem:$0x1F800] =	vst v63  }
0xe8: {  	_ =	swait.ge [sflag:s29], $0x4000  }
0xe9: {  	[sflag:s29] =	ssyncset.done $0x0  }
0xea: {  	[sflag:s29] =	ssyncadd.s32 $0xFFFFC000  }
0xeb: {  	_ =	swait.ge [sflag:s6], $0x4000  }
0xec: {  	[sflag:s6] =	ssyncset.done $0x0  }
0xed: {  	[sflag:s6] =	ssyncadd.s32 $0xFFFFC000  }
0xee: {  	[tilespmem:s7], [sflag:$0x2] =	stream.indirect.gather [hbm4b:s4+s0], $0x80, s8, s0, $0xb8;
	[tilespmem:$0x1F800] =	vst v63  }
0xef: {  	_ = 	snop  }
0xf0: {  	[spmem:s1] =	stream.indirect.scatter.add.f32 [tilespmem:s2], [sflag:$0x3], $0x80, s9, s0, $0xb8;
	[tilespmem:$0x1F800] =	vst v63  }
0xf1: {  	_ =	swait.ge [sflag:s29], $0x4000  }
0xf2: {  	[sflag:s29] =	ssyncset.done $0x0  }
0xf3: {  	[sflag:s29] =	ssyncadd.s32 $0xFFFFC000  }
0xf4: {  	_ =	swait.ge [sflag:s31], $0x4000  }
0xf5: {  	[sflag:s31] =	ssyncset.done $0x0  }
0xf6: {  	[sflag:s31] =	ssyncadd.s32 $0xFFFFC000  }
0xf7: {  	[spmem:s1] =	stream.indirect.scatter.add.f32 [tilespmem:s7], [sflag:$0x3], $0x80, s10, s0, $0xb8;
	[tilespmem:$0x1F800] =	vst v63  }
0xf8: {  	s11 =	stileid.u32;
	_ =	swait.ge [sflag:s29], $0x4000  }
0xf9: {  	s12 =	sshrl.u32 s5, $0x3;
	s3 =	sadd.s32 $0x1, s3;
	[sflag:s29] =	ssyncset.done $0x0  }
0xfa: {  	s11 =	sshll.u32 s11, $0x6;
	p0 =	sne.s32 s3, s25;
	[sflag:s29] =	ssyncadd.s32 $0xFFFFC000  }
.Ltmp3:
0xfb: {  	s11 =	sor.u32 $0x1C03, s11;
	[bflag:$0x0] =	sbarrier.arrive $0xFFFF;
	(pc) =	sbr.rel @p0 .LBB2_1-.Ltmp3, $4  }
0xfc: {  	[hbm:s24], [sflag:s11] =	dma.local [spmem:s12], $0x2780  }
0xfd: {  	_ =	swait.ge [sflag:s29], $0x2780  }
0xfe: {  	[sflag:s29] =	ssyncset.done $0x0  }
0xff: {  	[sflag:s29] =	ssyncadd.s32 $0xFFFFD880  }
0x100: {  	_ =	sfence.sel $0x180000  }
0x101: {  	[bflag:$0x0] =	sbarrier.arrive $0xFFFF  }
0x102: {  	_ =	strace $0x9000004A  }
0x103: {  	s0 =	stileid.u32;
	[bflag:$0x2] =	sbarrier.arrive $0xFFFF  }
0x104: {  	p0 =	sne.s32 s0, $0x0;
	s0 =	rddreg [dreg:$0x3]  }
0x105: {  	s0 =	sadd.s32 @!p0 $0x100000, s0  }
0x106: {  	[sflag:s0] =	ssyncadd.tile.s32 @!p0 $0x1;
	_ =	shalt  }
.Lfunc_end2:
_tile_overlayer_lowered:
.L_overlay_start_2:
0x107: {  	(tag) =	ssettag $0x2  }
0x108: {  	s0 =	rddreg [dreg:$0x0];
	s2 =	stileid.u32  }
0x109: {  	s1 =	rddreg [dreg:$0x1];
	p0 =	sne.s32 s2, $0x0  }
0x10a: {  	s3 =	rddreg [dreg:$0x2];
	[bflag:$0x3] =	sbarrier.arrive $0xFFFF;
	s2 =	simm.s32 @!p0 $0x1C03  }
0x10b: {  	[timem:s3], [sflag:s2] =	dma.local @!p0 [hbm:s0], s1  }
0x10c: {  	s0 =	simm.s32 @!p0 $0x3  }
0x10d: {  	_ =	swait.ge @!p0 [sflag:s0], s1  }
0x10e: {  	s1 =	ssub.s32 @!p0 $0x0, s1;
	[sflag:s0] =	ssyncset.done @!p0 $0x0  }
0x10f: {  	[sflag:s0] =	ssyncadd.s32 @!p0 s1  }
0x110: {  	[bflag:$0x3] =	sbarrier.arrive $0xFFFF  }
0x111: {  	_ =	shalt  }

// kernel: kernel.15.cloned.1.call-start
scs
__scs_entry_jumppad:
0x0: {  	(pc) =	sbr.rel $0x88, $3  }
0x1: {  	(tag) =	ssettag $0x0;
	lr =	simm.s32 $0x1  }
0x2: {  	[smem:$0x3F9B] =	sst lr;
	_ =	strace $0xD0000000  }
0x3: {  	_ = 	snop  }
0x4: {  	_ = 	snop  }
0x5: {  	_ = 	snop  }
0x6: {  	_ = 	snop  }
0x7: {  	_ = 	snop  }
__scs_overlays_trampoline_lowered:
0x8: {  	[smem:$0x3FAA] =	sst s0  }
0x9: {  	[smem:$0x3FAB] =	sst s1  }
0xa: {  	[smem:$0x3FAC] =	sst s2  }
0xb: {  	[smem:$0x3FAD] =	sst s3  }
0xc: {  	[smem:$0x3FAE] =	sst s4  }
0xd: {  	[smem:$0x3FAF] =	sst s5  }
0xe: {  	[smem:$0x3FB0] =	sst s6  }
0xf: {  	[smem:$0x3FB1] =	sst s7  }
0x10: {  	[smem:$0x3FB2] =	sst s8  }
0x11: {  	[smem:$0x3FB3] =	sst s9;
	s0 =	simm.s32 @!p0 $0x0  }
0x12: {  	s1 =	sld [smem:$0x3F99];
	s0 =	simm.s32 @p0 $0x1  }
0x13: {  	[smem:$0x3FB4] =	sst s0;
	s0 =	simm.s32 @!p1 $0x0  }
0x14: {  	s2 =	sld [smem:$0x3F98];
	s0 =	simm.s32 @p1 $0x1  }
0x15: {  	[smem:$0x3FB5] =	sst s0;
	s0 =	simm.s32 @!p2 $0x0  }
0x16: {  	s3 =	sld [smem:$0x3FDB];
	s0 =	simm.s32 @p2 $0x1  }
0x17: {  	s4 =	simm.s32 $0x1BF5;
	[smem:$0x3FB7] =	sst s0  }
0x18: {  	s0 =	sld [smem:$0x3F9A];
	_ =	swait.ge [sflag:s4], $0x0  }
0x19: {  	s7 =	sld [smem:$0x3F9B]  }
0x1a: {  	s8 =	sadd.s32 $0xFFFFE003, lr  }
0x1b: {  	s9 =	sadd.s32 $0xFFFFFEF7, lr;
	s5 =	simm.s32 $0xFFFFFFFF;
	p2 =	slt.u32 s8, $0xFFFFF086  }
0x1c: {  	p1 =	slt.u32 s9, $0xF7A;
	s5 =	simm.s32 @!p2 $0x0  }
0x1d: {  	s5 =	simm.s32 @p1 $0x1;
	p0 =	seq.s32 s7, s2  }
0x1e: {  	s7 =	smul.u32 @!p0 $0xF7A, s2;
	p2 =	seq.s32 @!p0 s5, $0x0  }
0x1f: {  	s9 =	smul.u32 $0xF7A, s1;
	s8 =	simm.s32 @!p0 $0x1BF5;
	p2 =	por !p2, p0  }
0x20: {  	[sflag:s8] =	ssyncset.s32 @!p0 $0xFFFFF086;
	s6 =	sadd.s32 @!p0 s3, s7;
	s7 =	simm.s32 @!p0 $0x108  }
0x21: {  	s3 =	sadd.s32 s3, s9;
	s6 =	sadd.s32 @!p0 $0x88, s6;
	s7 =	simm.s32 @p2 $0x1082  }
0x22: {  	[simem:s7], [sflag:s8] =	dma.local @!p0 [hbm:s6], $0xF7A  }
0x23: {  	s9 =	sor.u32 $0xD0000000, s2;
	s6 =	simm.s32 $0x108;
	_ =	swait.ge @!p0 [sflag:s8], $0x0  }
0x24: {  	s3 =	sadd.s32 $0x88, s3;
	s6 =	simm.s32 @!p1 $0x1082;
	[sflag:s4] =	ssyncset.s32 $0xFFFFF086  }
0x25: {  	[simem:s6], [sflag:s4] =	dma.local [hbm:s3], $0xF7A  }
0x26: {  	[smem:$0x3F9B] =	sst s1;
	(tag) =	ssettag s2;
	_ =	strace s9  }
0x27: {  	s1 =	sld [smem:$0x3FAB]  }
0x28: {  	s2 =	sld [smem:$0x3FAC]  }
0x29: {  	s4 =	sld [smem:$0x3FAE]  }
0x2a: {  	p0 =	seq.s32 s5, $0x0;
	s5 =	sld [smem:$0x3FAF]  }
0x2b: {  	s6 =	sld [smem:$0x3FB0]  }
0x2c: {  	s7 =	sld [smem:$0x3FB1]  }
0x2d: {  	s3 =	simm.s32 $0x108;
	s8 =	sld [smem:$0x3FB2]  }
0x2e: {  	s3 =	simm.s32 @!p0 $0x1082;
	s9 =	sld [smem:$0x3FB3]  }
0x2f: {  	lr =	sadd.s32 s0, s3;
	s0 =	sld [smem:$0x3FAA]  }
0x30: {  	s3 =	sld [smem:$0x3FAD]  }
0x31: {  	[smem:$0x3FB6] =	sst s10  }
0x32: {  	s10 =	sld [smem:$0x3FB4];
	_ =	sdelay $0x3  }
0x33: {  	p0 =	seq.s32 s10, $0x1;
	s10 =	sld [smem:$0x3FB6];
	_ =	sdelay $0x3  }
0x34: {  	[smem:$0x3FB6] =	sst s10  }
0x35: {  	s10 =	sld [smem:$0x3FB5];
	_ =	sdelay $0x3  }
0x36: {  	p1 =	seq.s32 s10, $0x1;
	s10 =	sld [smem:$0x3FB6];
	_ =	sdelay $0x3  }
0x37: {  	[smem:$0x3FB6] =	sst s10  }
0x38: {  	s10 =	sld [smem:$0x3FB7]  }
0x39: {  	_ = 	snop;
	(pc) =	sbr.ind lr, $3  }
0x3a: {  	_ = 	snop  }
0x3b: {  	_ = 	snop  }
0x3c: {  	p2 =	seq.s32 s10, $0x1;
	s10 =	sld [smem:$0x3FB6]  }
0x3d: {  	_ =	shalt  }
0x3e: {  	_ =	shalt  }
0x3f: {  	_ =	shalt  }
0x40: {  	_ =	shalt  }
0x41: {  	_ =	shalt  }
0x42: {  	_ =	shalt  }
0x43: {  	_ =	shalt  }
0x44: {  	_ =	shalt  }
0x45: {  	_ =	shalt  }
0x46: {  	_ =	shalt  }
0x47: {  	_ =	shalt  }
0x48: {  	_ =	shalt  }
0x49: {  	_ =	shalt  }
0x4a: {  	_ =	shalt  }
0x4b: {  	_ =	shalt  }
0x4c: {  	_ =	shalt  }
0x4d: {  	_ =	shalt  }
0x4e: {  	_ =	shalt  }
0x4f: {  	_ =	shalt  }
0x50: {  	_ =	shalt  }
0x51: {  	_ =	shalt  }
0x52: {  	_ =	shalt  }
0x53: {  	_ =	shalt  }
0x54: {  	_ =	shalt  }
0x55: {  	_ =	shalt  }
0x56: {  	_ =	shalt  }
0x57: {  	_ =	shalt  }
0x58: {  	_ =	shalt  }
0x59: {  	_ =	shalt  }
0x5a: {  	_ =	shalt  }
0x5b: {  	_ =	shalt  }
0x5c: {  	_ =	shalt  }
0x5d: {  	_ =	shalt  }
0x5e: {  	_ =	shalt  }
0x5f: {  	_ =	shalt  }
0x60: {  	_ =	shalt  }
0x61: {  	_ =	shalt  }
0x62: {  	_ =	shalt  }
0x63: {  	_ =	shalt  }
0x64: {  	_ =	shalt  }
0x65: {  	_ =	shalt  }
0x66: {  	_ =	shalt  }
0x67: {  	_ =	shalt  }
0x68: {  	_ =	shalt  }
0x69: {  	_ =	shalt  }
0x6a: {  	_ =	shalt  }
0x6b: {  	_ =	shalt  }
0x6c: {  	_ =	shalt  }
0x6d: {  	_ =	shalt  }
0x6e: {  	_ =	shalt  }
0x6f: {  	_ =	shalt  }
0x70: {  	_ =	shalt  }
0x71: {  	_ =	shalt  }
0x72: {  	_ =	shalt  }
0x73: {  	_ =	shalt  }
0x74: {  	_ =	shalt  }
0x75: {  	_ =	shalt  }
0x76: {  	_ =	shalt  }
0x77: {  	_ =	shalt  }
0x78: {  	_ =	shalt  }
0x79: {  	_ =	shalt  }
0x7a: {  	_ =	shalt  }
0x7b: {  	_ =	shalt  }
0x7c: {  	_ =	shalt  }
0x7d: {  	_ =	shalt  }
0x7e: {  	_ =	shalt  }
0x7f: {  	_ =	shalt  }
0x80: {  	_ =	shalt  }
0x81: {  	_ =	shalt  }
0x82: {  	_ =	shalt  }
0x83: {  	_ =	shalt  }
0x84: {  	_ =	shalt  }
0x85: {  	_ =	shalt  }
0x86: {  	_ =	shalt  }
0x87: {  	_ =	shalt  }
.Lfunc_end0:
.L_simem_size_0:
called_computation.2_lowered:
.L_overlay_start_0:
0x88: {  	s2 =	sld [smem:$0x3FD9]  }
0x89: {  	s3 =	sld [smem:$0x3FFE];
	_ =	sdelay $0x1  }
0x8a: {  	s1 =	srdreg.scid  }
0x8b: {  	s0 =	sand.u32 $0x1, s1  }
0x8c: {  	s17 =	sshll.u32 s0, $0xA;
	s2 =	sadd.s32 s3, s2  }
0x8d: {  	s2 =	sadd.s32 s2, s17  }
0x8e: {  	[smem:$0x3FC2] =	sst s2  }
0x8f: {  	_ = 	snop  }
0x90: {  	s2 =	sld [smem:$0x3FD0];
	(tm) =	ssettm $0x1  }
0x91: {  	s18 =	sld [smem:$0x3FFB];
	_ =	sdelay $0x3  }
0x92: {  	_ =	strace s18  }
0x93: {  	s3 =	sld [smem:$0x3FFC];
	_ =	sdelay $0x3  }
0x94: {  	_ =	strace s3  }
0x95: {  	s3 =	sld [smem:$0x3FFD];
	_ =	sdelay $0x3  }
0x96: {  	_ =	strace s3  }
0x97: {  	_ =	strace $0x8FFFFFFF  }
0x98: {  	s19 =	sld [smem:$0x3FDB];
	_ =	sdelay $0x1  }
0x99: {  	s4 =	simm.s32 $_scs_section_size  }
0x9a: {  	s5 =	simm.s32 $_size__tile_overlayer_lowered;
	s6 =	simm.s32 $_tile_overlayer_lowered  }
0x9b: {  	s22 =	simm.s32 $0x1BFF;
	s21 =	sshll.u32 s6, $0x1;
	s3 =	sadd.s32 s4, s19  }
0x9c: {  	s7 =	simm.s32 $0x0;
	s20 =	sshll.u32 s5, $0x1;
	s5 =	sadd.s32 s21, s3  }
0x9d: {  	[timem:s7], [sflag:s22] =	dma.local [hbm:s5], s20  }
0x9e: {  	_ =	swait.ge [sflag:s22], s20  }
0x9f: {  	s4 =	ssub.s32 $0x0, s20;
	[sflag:s22] =	ssyncset.done $0x0  }
0xa0: {  	[sflag:s22] =	ssyncadd.s32 s4;
	_ =	sdelay $0x1  }
0xa1: {  	s23 =	simm.s32 $0x1B8B  }
0xa2: {  	_ =	swait.ge [sflag:s23], $0x1  }
0xa3: {  	[sflag:s23] =	ssyncset.done $0x0  }
0xa4: {  	s25 =	simm.s32 $0x1B8E;
	s24 =	sld [smem:$0x3FFE];
	[sflag:s23] =	ssyncadd.s32 $0xFFFFFFFF  }
0xa5: {  	s26 =	simm.s32 $execute0_lowered;
	[smem:$0x3FD2] =	sst s25  }
0xa6: {  	s5 =	sshll.u32 s26, $0x1;
	_ =	strace $0x8000004C;
	[dreg:$0x1] =	wrdreg $0xFFFFFFFF  }
0xa7: {  	s28 =	simm.s32 $_size_execute0_lowered;
	s3 =	sadd.s32 s3, s5;
	[dreg:$0x0] =	wrdreg $0x0  }
0xa8: {  	s5 =	sshll.u32 s28, $0x1;
	[dreg:$0x2] =	wrdreg s3  }
0xa9: {  	[dreg:$0x3] =	wrdreg s5  }
0xaa: {  	[dreg:$0x4] =	wrdreg $0xC0  }
0xab: {  	_ =	task [dreg:s7], $0x5FFFF  }
0xac: {  	[dreg:$0x1] =	wrdreg $0xFFFFFFFF  }
0xad: {  	[dreg:$0x0] =	wrdreg $0x60  }
0xae: {  	[dreg:$0x2] =	wrdreg s24  }
0xaf: {  	[dreg:$0x3] =	wrdreg s2  }
0xb0: {  	[dreg:$0x4] =	wrdreg $0xBC000  }
0xb1: {  	[dreg:$0x5] =	wrdreg $0x9  }
0xb2: {  	_ =	task.clear_ibuf [dreg:s7], $0x6FFFF;
	_ =	strace $0x9000004C  }
0xb3: {  	s29 =	simm.s32 $0x9;
	_ =	strace $0x8000004E  }
0xb4: {  	_ =	swait.ge [sflag:s29], $0x1  }
0xb5: {  	[sflag:s29] =	ssyncadd.s32 $0xFFFFFFFF  }
0xb6: {  	_ =	strace $0x9000004E  }
0xb7: {  	_ =	sfence  }
0xb8: {  	s30 =	sld [smem:$0x0];
	_ =	sdelay $0x2  }
0xb9: {  	s31 =	sshll.u32 s1, $0xD;
	s1 =	sshrl.u32 s1, $0x2  }
0xba: {  	s3 =	sand.u32 $0x4000, s31;
	s1 =	sadd.s32 s1, s30  }
0xbb: {  	s0 =	sor.u32 s3, s0;
	s1 =	sshll.u32 s1, $0x11  }
0xbc: {  	s0 =	sor.u32 s1, s0  }
0xbd: {  	s0 =	sadd.s32 $0x8F2B, s0  }
0xbe: {  	[sflag:s0] =	ssyncadd.remote.s32 $0x1  }
0xbf: {  	_ =	sfence.sel $0xFFFF  }
0xc0: {  	[dreg:$0x0] =	wrdreg $0xFFFFFFFF;
	(pc) =	sbr.abs _section_cstart, $3  }
0xc1: {  	[dreg:$0x1] =	wrdreg $0xFFFFFFFF  }
0xc2: {  	_ =	task.clear_ibuf [dreg:s7], $0x2FFFF;
	_ =	strace $0x9FFFFFFF  }
0xc3: {  	(tm) =	ssettm $0x7FFFFFFF  }
tec
execute0_lowered:
.L_overlay_start_1:
0x0: {  	(tag) =	ssettag $0x1  }
0x1: {  	s0 =	rddreg [dreg:$0x0]  }
0x2: {  	s2 =	rddreg [dreg:$0x1]  }
0x3: {  	s1 =	rddreg [dreg:$0x2];
	s3 =	srdreg.scid  }
0x4: {  	s10 =	stileid.u32;
	s28 =	simm.s32 $0xA800;
	s29 =	simm.s32 $0x3  }
0x5: {  	s30 =	simm.s32 $0x1400;
	s31 =	simm.s32 $0x2;
	s7 =	smul.u32 $0x13C00, s10  }
0x6: {  	s5 =	sand.u32 $0x1, s3;
	s3 =	simm.s32 $0x0;
	s14 =	smul.u32 $0x4F000, s10  }
0x7: {  	s4 =	sadd.s32 $0xC800, s0;
	s8 =	sadd.s32 $0x2800, s0;
	s6 =	smul.u32 $0x13C000, s5  }
0x8: {  	[smem:$0x7FF] =	sst s3;
	s9 =	ssub.s32 $0x2, s5;
	s16 =	sshll.u32 s5, $0x4  }
0x9: {  	_ =	strace $0x8000004D;
	s6 =	sadd.s32 s7, s6;
	s7 =	sshrl.u32 s14, $0x2  }
0xa: {  	s15 =	sshrl.u32 s9, $0x1;
	s17 =	sor.u32 s10, s16;
	s5 =	sadd.s32 s7, s1  }
0xb: {  	s10 =	simm.s32 $0x2780;
	s6 =	sshrl.u32 s6, $0x3;
	s18 =	sadd.s32 $0x1400, s5  }
0xc: {  	s7 =	smul.u32 $0x2800, s17;
	s19 =	sadd.s32 $0x2800, s5;
	[dreg:$0x4] =	wrdreg s18  }
0xd: {  	s0 =	sadd.s32 s6, s0;
	s20 =	sadd.s32 $0x3C00, s5;
	[dreg:$0x5] =	wrdreg s19  }
0xe: {  	s6 =	ssub.s32 s9, s15;
	s21 =	sadd.s32 $0x5000, s5;
	[dreg:$0x6] =	wrdreg s20  }
0xf: {  	s22 =	sadd.s32 $0x6400, s5;
	s23 =	sadd.s32 $0x7800, s5;
	[dreg:$0x7] =	wrdreg s21  }
0x10: {  	s24 =	sadd.s32 $0x8C00, s5;
	s25 =	sadd.s32 $0xA000, s5;
	[dreg:$0x8] =	wrdreg s22  }
0x11: {  	s14 =	sadd.s32 $0xB400, s5;
	s15 =	sadd.s32 $0xC800, s5;
	[dreg:$0x9] =	wrdreg s23  }
0x12: {  	s16 =	sadd.s32 $0xDC00, s5;
	s17 =	sadd.s32 $0xF000, s5;
	[dreg:$0xa] =	wrdreg s24  }
0x13: {  	s9 =	simm.s32 $0x2700;
	[dreg:$0xb] =	wrdreg s25;
	s7 =	sshrl.u32 s7, $0x3  }
0x14: {  	s18 =	sadd.s32 $0x10400, s5;
	s23 =	sadd.s32 $0x11800, s5;
	s24 =	sadd.s32 $0x33A00, s0  }
0x15: {  	s25 =	smax.u32 s6, $0x1;
	s0 =	simm.s32 $0x80;
	s6 =	simm.s32 $0x1  }
0x16: {  	s19 =	sadd.s32 s8, s7;
	s26 =	sadd.s32 $0x280, s7;
	s20 =	sadd.s32 s2, s7  }
0x17: {  	s7 =	simm.s32 $0x6800;
	s21 =	sadd.s32 s8, s26;
	s22 =	sadd.s32 s2, s26  }
0x18: {  	v0 =	vimm.f32 $0.0e+00;
	s26 =	sadd.s32 $0x12C00, s5;
	s2 =	simm.s32 $0x2800;
	s8 =	simm.s32 $0x1380  }
.LBB2_1:
0x19: {  	s11 =	simm.s32 $0x0;
	s12 =	simm.s32 $0x200  }
.LBB2_2:
0x1a: {  	p0 =	sne.s32 s12, $0x4E00;
	[tilespmem:s11+$0xA870] =	vst v0  }
0x1b: {  	[tilespmem:s11+$0xA800] =	vst v0  }
0x1c: {  	[tilespmem:s11+$0xA810] =	vst v0  }
.Ltmp0:
0x1d: {  	[tilespmem:s11+$0xA820] =	vst v0;
	(pc) =	sbr.rel @p0 .LBB2_2-.Ltmp0, $4  }
0x1e: {  	[tilespmem:s11+$0xA830] =	vst v0  }
0x1f: {  	[tilespmem:s11+$0xA840] =	vst v0  }
0x20: {  	[tilespmem:s11+$0xA850] =	vst v0  }
0x21: {  	[tilespmem:s11+$0xA860] =	vst v0;
	s11 =	sshra.s32 s12, $0x2;
	s12 =	sadd.s32 $0x200, s12  }
0x22: {  	[tilespmem:s11+$0xA870] =	vst v0  }
0x23: {  	[tilespmem:s11+$0xA800] =	vst v0  }
0x24: {  	[tilespmem:s11+$0xA810] =	vst v0  }
0x25: {  	[tilespmem:s11+$0xA820] =	vst v0  }
0x26: {  	[tilespmem:s11+$0xA830] =	vst v0  }
0x27: {  	[tilespmem:s11+$0xA840] =	vst v0  }
0x28: {  	[tilespmem:s11+$0xA850] =	vst v0  }
0x29: {  	[tilespmem:s11+$0xA860] =	vst v0  }
0x2a: {  	[spmem:s5] =	stream.linear.scatter [tilespmem:s28], [sflag:$0x2], $0x1400, $0x38;
	[tilespmem:$0x1F800] =	vst v63  }
0x2b: {  	s13 =	rddreg [dreg:$0x4]  }
0x2c: {  	[spmem:s13] =	stream.linear.scatter [tilespmem:s28], [sflag:$0x2], $0x1400, $0x38;
	[tilespmem:$0x1F800] =	vst v63  }
0x2d: {  	s12 =	rddreg [dreg:$0x5]  }
0x2e: {  	[spmem:s12] =	stream.linear.scatter [tilespmem:s28], [sflag:$0x2], $0x1400, $0x38;
	[tilespmem:$0x1F800] =	vst v63  }
0x2f: {  	s13 =	rddreg [dreg:$0x6]  }
0x30: {  	[spmem:s13] =	stream.linear.scatter [tilespmem:s28], [sflag:$0x2], $0x1400, $0x38;
	[tilespmem:$0x1F800] =	vst v63  }
0x31: {  	s12 =	rddreg [dreg:$0x7]  }
0x32: {  	[spmem:s12] =	stream.linear.scatter [tilespmem:s28], [sflag:$0x2], $0x1400, $0x38;
	[tilespmem:$0x1F800] =	vst v63  }
0x33: {  	s13 =	rddreg [dreg:$0x8]  }
0x34: {  	[spmem:s13] =	stream.linear.scatter [tilespmem:s28], [sflag:$0x2], $0x1400, $0x38;
	[tilespmem:$0x1F800] =	vst v63  }
0x35: {  	s12 =	rddreg [dreg:$0x9]  }
0x36: {  	[spmem:s12] =	stream.linear.scatter [tilespmem:s28], [sflag:$0x2], $0x1400, $0x38;
	[tilespmem:$0x1F800] =	vst v63  }
0x37: {  	s13 =	rddreg [dreg:$0xa]  }
0x38: {  	[spmem:s13] =	stream.linear.scatter [tilespmem:s28], [sflag:$0x2], $0x1400, $0x38;
	[tilespmem:$0x1F800] =	vst v63  }
0x39: {  	s12 =	rddreg [dreg:$0xb]  }
0x3a: {  	[spmem:s12] =	stream.linear.scatter [tilespmem:s28], [sflag:$0x2], $0x1400, $0x38;
	[tilespmem:$0x1F800] =	vst v63  }
0x3b: {  	_ = 	snop  }
0x3c: {  	[spmem:s14] =	stream.linear.scatter [tilespmem:s28], [sflag:$0x2], $0x1400, $0x38;
	[tilespmem:$0x1F800] =	vst v63  }
0x3d: {  	_ = 	snop  }
0x3e: {  	[spmem:s15] =	stream.linear.scatter [tilespmem:s28], [sflag:$0x2], $0x1400, $0x38;
	[tilespmem:$0x1F800] =	vst v63  }
0x3f: {  	_ = 	snop  }
0x40: {  	[spmem:s16] =	stream.linear.scatter [tilespmem:s28], [sflag:$0x2], $0x1400, $0x38;
	[tilespmem:$0x1F800] =	vst v63  }
0x41: {  	_ = 	snop  }
0x42: {  	[spmem:s17] =	stream.linear.scatter [tilespmem:s28], [sflag:$0x2], $0x1400, $0x38;
	[tilespmem:$0x1F800] =	vst v63  }
0x43: {  	_ = 	snop  }
0x44: {  	[spmem:s18] =	stream.linear.scatter [tilespmem:s28], [sflag:$0x2], $0x1400, $0x38;
	[tilespmem:$0x1F800] =	vst v63  }
0x45: {  	_ = 	snop  }
0x46: {  	[spmem:s23] =	stream.linear.scatter [tilespmem:s28], [sflag:$0x2], $0x1400, $0x38;
	[tilespmem:$0x1F800] =	vst v63  }
0x47: {  	_ = 	snop  }
0x48: {  	[spmem:s26] =	stream.linear.scatter [tilespmem:s28], [sflag:$0x2], $0x1000, $0x38;
	[tilespmem:$0x1F800] =	vst v63  }
0x49: {  	s13 =	simm.s32 $0x0  }
0x4a: {  	[tilespmem:s13], [sflag:$0x3] =	stream.linear.gather [hbm4b:s19+s13], $0x1400, $0x38;
	[tilespmem:$0x1F800] =	vst v63  }
0x4b: {  	_ =	swait.ge [sflag:s29], $0x1400  }
0x4c: {  	[sflag:s29] =	ssyncset.done $0x0  }
0x4d: {  	[sflag:s29] =	ssyncadd.s32 $0xFFFFEC00  }
0x4e: {  	[tilespmem:s30], [sflag:$0x3] =	stream.linear.gather [hbm4b:s20+s13], $0x1400, $0x38;
	[tilespmem:$0x1F800] =	vst v63  }
0x4f: {  	_ =	swait.ge [sflag:s29], $0x1400  }
0x50: {  	[sflag:s29] =	ssyncset.done $0x0  }
0x51: {  	[sflag:s29] =	ssyncadd.s32 $0xFFFFEC00  }
0x52: {  	_ =	swait.ge [sflag:s31], $0x1400  }
0x53: {  	[sflag:s31] =	ssyncset.done $0x0  }
0x54: {  	[sflag:s31] =	ssyncadd.s32 $0xFFFFEC00  }
0x55: {  	_ =	swait.ge [sflag:s31], $0x1400  }
0x56: {  	[sflag:s31] =	ssyncset.done $0x0  }
0x57: {  	[sflag:s31] =	ssyncadd.s32 $0xFFFFEC00  }
0x58: {  	_ =	swait.ge [sflag:s31], $0x1400  }
0x59: {  	[sflag:s31] =	ssyncset.done $0x0  }
0x5a: {  	[sflag:s31] =	ssyncadd.s32 $0xFFFFEC00  }
0x5b: {  	_ =	swait.ge [sflag:s31], $0x1400  }
0x5c: {  	[sflag:s31] =	ssyncset.done $0x0  }
0x5d: {  	[sflag:s31] =	ssyncadd.s32 $0xFFFFEC00  }
0x5e: {  	_ =	swait.ge [sflag:s31], $0x1400  }
0x5f: {  	[sflag:s31] =	ssyncset.done $0x0  }
0x60: {  	[sflag:s31] =	ssyncadd.s32 $0xFFFFEC00  }
0x61: {  	_ =	swait.ge [sflag:s31], $0x1400  }
0x62: {  	[sflag:s31] =	ssyncset.done $0x0  }
0x63: {  	[sflag:s31] =	ssyncadd.s32 $0xFFFFEC00  }
0x64: {  	_ =	swait.ge [sflag:s31], $0x1400  }
0x65: {  	[sflag:s31] =	ssyncset.done $0x0  }
0x66: {  	[sflag:s31] =	ssyncadd.s32 $0xFFFFEC00  }
0x67: {  	_ =	swait.ge [sflag:s31], $0x1400  }
0x68: {  	[sflag:s31] =	ssyncset.done $0x0  }
0x69: {  	[sflag:s31] =	ssyncadd.s32 $0xFFFFEC00  }
0x6a: {  	_ =	swait.ge [sflag:s31], $0x1400  }
0x6b: {  	[sflag:s31] =	ssyncset.done $0x0  }
0x6c: {  	[sflag:s31] =	ssyncadd.s32 $0xFFFFEC00  }
0x6d: {  	_ =	swait.ge [sflag:s31], $0x1400  }
0x6e: {  	[sflag:s31] =	ssyncset.done $0x0  }
0x6f: {  	[sflag:s31] =	ssyncadd.s32 $0xFFFFEC00  }
0x70: {  	_ =	swait.ge [sflag:s31], $0x1400  }
0x71: {  	[sflag:s31] =	ssyncset.done $0x0  }
0x72: {  	[sflag:s31] =	ssyncadd.s32 $0xFFFFEC00  }
0x73: {  	_ =	swait.ge [sflag:s31], $0x1400  }
0x74: {  	[sflag:s31] =	ssyncset.done $0x0  }
0x75: {  	[sflag:s31] =	ssyncadd.s32 $0xFFFFEC00  }
0x76: {  	_ =	swait.ge [sflag:s31], $0x1400  }
0x77: {  	[sflag:s31] =	ssyncset.done $0x0  }
0x78: {  	[sflag:s31] =	ssyncadd.s32 $0xFFFFEC00  }
0x79: {  	_ =	swait.ge [sflag:s31], $0x1400  }
0x7a: {  	[sflag:s31] =	ssyncset.done $0x0  }
0x7b: {  	[sflag:s31] =	ssyncadd.s32 $0xFFFFEC00  }
0x7c: {  	_ =	swait.ge [sflag:s31], $0x1400  }
0x7d: {  	[sflag:s31] =	ssyncset.done $0x0  }
0x7e: {  	[sflag:s31] =	ssyncadd.s32 $0xFFFFEC00  }
0x7f: {  	_ =	swait.ge [sflag:s31], $0x1000  }
0x80: {  	[sflag:s31] =	ssyncset.done $0x0  }
0x81: {  	[sflag:s31] =	ssyncadd.s32 $0xFFFFF000  }
0x82: {  	[bflag:$0x0] =	sbarrier.arrive $0xFFFF  }
0x83: {  	[tilespmem:s2], [sflag:$0x1] =	stream.indirect.gather [hbm4b:s4+s0], $0x80, s13, s0, $0xb8;
	[tilespmem:$0x1F800] =	vst v63  }
0x84: {  	_ =	swait.ge [sflag:s6], $0x4000  }
0x85: {  	[sflag:s6] =	ssyncset.done $0x0  }
0x86: {  	s12 =	simm.s32 $0x80;
	[sflag:s6] =	ssyncadd.s32 $0xFFFFC000  }
0x87: {  	[tilespmem:s7], [sflag:$0x2] =	stream.indirect.gather [hbm4b:s4+s0], $0x80, s12, s0, $0xb8;
	[tilespmem:$0x1F800] =	vst v63  }
0x88: {  	s13 =	simm.s32 $0x1400  }
0x89: {  	[spmem:s1] =	stream.indirect.scatter.add.f32 [tilespmem:s2], [sflag:$0x3], $0x80, s13, s0, $0xb8;
	[tilespmem:$0x1F800] =	vst v63  }
0x8a: {  	_ =	swait.ge [sflag:s29], $0x4000  }
0x8b: {  	[sflag:s29] =	ssyncset.done $0x0  }
0x8c: {  	[sflag:s29] =	ssyncadd.s32 $0xFFFFC000  }
0x8d: {  	_ =	swait.ge [sflag:s31], $0x4000  }
0x8e: {  	[sflag:s31] =	ssyncset.done $0x0  }
0x8f: {  	s12 =	simm.s32 $0x100;
	[sflag:s31] =	ssyncadd.s32 $0xFFFFC000  }
0x90: {  	[tilespmem:s2], [sflag:$0x1] =	stream.indirect.gather [hbm4b:s4+s0], $0x80, s12, s0, $0xb8;
	[tilespmem:$0x1F800] =	vst v63  }
0x91: {  	s13 =	simm.s32 $0x1480  }
0x92: {  	[spmem:s1] =	stream.indirect.scatter.add.f32 [tilespmem:s7], [sflag:$0x3], $0x80, s13, s0, $0xb8;
	[tilespmem:$0x1F800] =	vst v63  }
0x93: {  	_ =	swait.ge [sflag:s29], $0x4000  }
0x94: {  	s11 =	simm.s32 $0x400;
	[sflag:s29] =	ssyncset.done $0x0  }
.LBB2_4:
0x95: {  	p0 =	sne.s32 s11, $0x4800  }
0x96: {  	[sflag:s29] =	ssyncadd.s32 $0xFFFFC000;
	s12 =	smov.u32 s11;
	s11 =	sadd.s32 $0x400, s11  }
0x97: {  	_ = 	snop  }
0x98: {  	_ =	swait.ge [sflag:s6], $0x4000  }
0x99: {  	s12 =	sshra.s32 s12, $0x2;
	[sflag:s6] =	ssyncset.done $0x0  }
0x9a: {  	s13 =	sadd.s32 $0x80, s12;
	[sflag:s6] =	ssyncadd.s32 $0xFFFFC000  }
0x9b: {  	[tilespmem:s7], [sflag:$0x2] =	stream.indirect.gather [hbm4b:s4+s0], $0x80, s13, s0, $0xb8;
	[tilespmem:$0x1F800] =	vst v63  }
0x9c: {  	s13 =	sadd.s32 $0x1400, s12  }
0x9d: {  	[spmem:s1] =	stream.indirect.scatter.add.f32 [tilespmem:s2], [sflag:$0x3], $0x80, s13, s0, $0xb8;
	[tilespmem:$0x1F800] =	vst v63  }
0x9e: {  	_ =	swait.ge [sflag:s29], $0x4000  }
0x9f: {  	[sflag:s29] =	ssyncset.done $0x0  }
0xa0: {  	[sflag:s29] =	ssyncadd.s32 $0xFFFFC000  }
0xa1: {  	_ =	swait.ge [sflag:s31], $0x4000  }
0xa2: {  	[sflag:s31] =	ssyncset.done $0x0  }
0xa3: {  	s13 =	sadd.s32 $0x100, s12;
	[sflag:s31] =	ssyncadd.s32 $0xFFFFC000  }
0xa4: {  	[tilespmem:s2], [sflag:$0x1] =	stream.indirect.gather [hbm4b:s4+s0], $0x80, s13, s0, $0xb8;
	[tilespmem:$0x1F800] =	vst v63  }
.Ltmp1:
0xa5: {  	_ = 	snop;
	(pc) =	sbr.rel @p0 .LBB2_4-.Ltmp1, $4  }
0xa6: {  	s12 =	sadd.s32 $0x1480, s12  }
0xa7: {  	[spmem:s1] =	stream.indirect.scatter.add.f32 [tilespmem:s7], [sflag:$0x3], $0x80, s12, s0, $0xb8;
	[tilespmem:$0x1F800] =	vst v63  }
0xa8: {  	_ =	swait.ge [sflag:s29], $0x4000  }
0xa9: {  	[sflag:s29] =	ssyncset.done $0x0  }
0xaa: {  	[sflag:s29] =	ssyncadd.s32 $0xFFFFC000  }
0xab: {  	_ =	swait.ge [sflag:s6], $0x4000  }
0xac: {  	[sflag:s6] =	ssyncset.done $0x0  }
0xad: {  	[sflag:s6] =	ssyncadd.s32 $0xFFFFC000  }
0xae: {  	[tilespmem:s7], [sflag:$0x2] =	stream.indirect.gather [hbm4b:s4+s0], $0x80, s8, s0, $0xb8;
	[tilespmem:$0x1F800] =	vst v63  }
0xaf: {  	_ = 	snop  }
0xb0: {  	[spmem:s1] =	stream.indirect.scatter.add.f32 [tilespmem:s2], [sflag:$0x3], $0x80, s9, s0, $0xb8;
	[tilespmem:$0x1F800] =	vst v63  }
0xb1: {  	_ =	swait.ge [sflag:s29], $0x4000  }
0xb2: {  	[sflag:s29] =	ssyncset.done $0x0  }
0xb3: {  	[sflag:s29] =	ssyncadd.s32 $0xFFFFC000  }
0xb4: {  	_ =	swait.ge [sflag:s31], $0x4000  }
0xb5: {  	[sflag:s31] =	ssyncset.done $0x0  }
0xb6: {  	[sflag:s31] =	ssyncadd.s32 $0xFFFFC000  }
0xb7: {  	[spmem:s1] =	stream.indirect.scatter.add.f32 [tilespmem:s7], [sflag:$0x3], $0x80, s10, s0, $0xb8;
	[tilespmem:$0x1F800] =	vst v63  }
0xb8: {  	_ =	swait.ge [sflag:s29], $0x4000  }
0xb9: {  	[sflag:s29] =	ssyncset.done $0x0  }
0xba: {  	s11 =	simm.s32 $0x0;
	[sflag:s29] =	ssyncadd.s32 $0xFFFFC000  }
0xbb: {  	[tilespmem:s11], [sflag:$0x3] =	stream.linear.gather [hbm4b:s21+s11], $0x1400, $0x38;
	[tilespmem:$0x1F800] =	vst v63  }
0xbc: {  	_ =	swait.ge [sflag:s29], $0x1400  }
0xbd: {  	[sflag:s29] =	ssyncset.done $0x0  }
0xbe: {  	[sflag:s29] =	ssyncadd.s32 $0xFFFFEC00  }
0xbf: {  	[tilespmem:s30], [sflag:$0x3] =	stream.linear.gather [hbm4b:s22+s11], $0x1400, $0x38;
	[tilespmem:$0x1F800] =	vst v63  }
0xc0: {  	_ =	swait.ge [sflag:s29], $0x1400  }
0xc1: {  	[sflag:s29] =	ssyncset.done $0x0  }
0xc2: {  	[sflag:s29] =	ssyncadd.s32 $0xFFFFEC00  }
0xc3: {  	[tilespmem:s2], [sflag:$0x1] =	stream.indirect.gather [hbm4b:s4+s0], $0x80, s11, s0, $0xb8;
	[tilespmem:$0x1F800] =	vst v63  }
0xc4: {  	_ =	swait.ge [sflag:s6], $0x4000  }
0xc5: {  	[sflag:s6] =	ssyncset.done $0x0  }
0xc6: {  	s12 =	simm.s32 $0x80;
	[sflag:s6] =	ssyncadd.s32 $0xFFFFC000  }
0xc7: {  	[tilespmem:s7], [sflag:$0x2] =	stream.indirect.gather [hbm4b:s4+s0], $0x80, s12, s0, $0xb8;
	[tilespmem:$0x1F800] =	vst v63  }
0xc8: {  	s13 =	simm.s32 $0x1400  }
0xc9: {  	[spmem:s1] =	stream.indirect.scatter.add.f32 [tilespmem:s2], [sflag:$0x3], $0x80, s13, s0, $0xb8;
	[tilespmem:$0x1F800] =	vst v63  }
0xca: {  	_ =	swait.ge [sflag:s29], $0x4000  }
0xcb: {  	[sflag:s29] =	ssyncset.done $0x0  }
0xcc: {  	[sflag:s29] =	ssyncadd.s32 $0xFFFFC000  }
0xcd: {  	_ =	swait.ge [sflag:s31], $0x4000  }
0xce: {  	[sflag:s31] =	ssyncset.done $0x0  }
0xcf: {  	s12 =	simm.s32 $0x100;
	[sflag:s31] =	ssyncadd.s32 $0xFFFFC000  }
0xd0: {  	[tilespmem:s2], [sflag:$0x1] =	stream.indirect.gather [hbm4b:s4+s0], $0x80, s12, s0, $0xb8;
	[tilespmem:$0x1F800] =	vst v63  }
0xd1: {  	s13 =	simm.s32 $0x1480  }
0xd2: {  	[spmem:s1] =	stream.indirect.scatter.add.f32 [tilespmem:s7], [sflag:$0x3], $0x80, s13, s0, $0xb8;
	[tilespmem:$0x1F800] =	vst v63  }
0xd3: {  	_ =	swait.ge [sflag:s29], $0x4000  }
0xd4: {  	s11 =	simm.s32 $0x400;
	[sflag:s29] =	ssyncset.done $0x0  }
.LBB2_6:
0xd5: {  	p0 =	sne.s32 s11, $0x4800  }
0xd6: {  	[sflag:s29] =	ssyncadd.s32 $0xFFFFC000;
	s12 =	smov.u32 s11;
	s11 =	sadd.s32 $0x400, s11  }
0xd7: {  	_ = 	snop  }
0xd8: {  	_ =	swait.ge [sflag:s6], $0x4000  }
0xd9: {  	s12 =	sshra.s32 s12, $0x2;
	[sflag:s6] =	ssyncset.done $0x0  }
0xda: {  	s13 =	sadd.s32 $0x80, s12;
	[sflag:s6] =	ssyncadd.s32 $0xFFFFC000  }
0xdb: {  	[tilespmem:s7], [sflag:$0x2] =	stream.indirect.gather [hbm4b:s4+s0], $0x80, s13, s0, $0xb8;
	[tilespmem:$0x1F800] =	vst v63  }
0xdc: {  	s13 =	sadd.s32 $0x1400, s12  }
0xdd: {  	[spmem:s1] =	stream.indirect.scatter.add.f32 [tilespmem:s2], [sflag:$0x3], $0x80, s13, s0, $0xb8;
	[tilespmem:$0x1F800] =	vst v63  }
0xde: {  	_ =	swait.ge [sflag:s29], $0x4000  }
0xdf: {  	[sflag:s29] =	ssyncset.done $0x0  }
0xe0: {  	[sflag:s29] =	ssyncadd.s32 $0xFFFFC000  }
0xe1: {  	_ =	swait.ge [sflag:s31], $0x4000  }
0xe2: {  	[sflag:s31] =	ssyncset.done $0x0  }
0xe3: {  	s13 =	sadd.s32 $0x100, s12;
	[sflag:s31] =	ssyncadd.s32 $0xFFFFC000  }
0xe4: {  	[tilespmem:s2], [sflag:$0x1] =	stream.indirect.gather [hbm4b:s4+s0], $0x80, s13, s0, $0xb8;
	[tilespmem:$0x1F800] =	vst v63  }
.Ltmp2:
0xe5: {  	_ = 	snop;
	(pc) =	sbr.rel @p0 .LBB2_6-.Ltmp2, $4  }
0xe6: {  	s12 =	sadd.s32 $0x1480, s12  }
0xe7: {  	[spmem:s1] =	stream.indirect.scatter.add.f32 [tilespmem:s7], [sflag:$0x3], $0x80, s12, s0, $0xb8;
	[tilespmem:$0x1F800] =	vst v63  }
0xe8: {  	_ =	swait.ge [sflag:s29], $0x4000  }
0xe9: {  	[sflag:s29] =	ssyncset.done $0x0  }
0xea: {  	[sflag:s29] =	ssyncadd.s32 $0xFFFFC000  }
0xeb: {  	_ =	swait.ge [sflag:s6], $0x4000  }
0xec: {  	[sflag:s6] =	ssyncset.done $0x0  }
0xed: {  	[sflag:s6] =	ssyncadd.s32 $0xFFFFC000  }
0xee: {  	[tilespmem:s7], [sflag:$0x2] =	stream.indirect.gather [hbm4b:s4+s0], $0x80, s8, s0, $0xb8;
	[tilespmem:$0x1F800] =	vst v63  }
0xef: {  	_ = 	snop  }
0xf0: {  	[spmem:s1] =	stream.indirect.scatter.add.f32 [tilespmem:s2], [sflag:$0x3], $0x80, s9, s0, $0xb8;
	[tilespmem:$0x1F800] =	vst v63  }
0xf1: {  	_ =	swait.ge [sflag:s29], $0x4000  }
0xf2: {  	[sflag:s29] =	ssyncset.done $0x0  }
0xf3: {  	[sflag:s29] =	ssyncadd.s32 $0xFFFFC000  }
0xf4: {  	_ =	swait.ge [sflag:s31], $0x4000  }
0xf5: {  	[sflag:s31] =	ssyncset.done $0x0  }
0xf6: {  	[sflag:s31] =	ssyncadd.s32 $0xFFFFC000  }
0xf7: {  	[spmem:s1] =	stream.indirect.scatter.add.f32 [tilespmem:s7], [sflag:$0x3], $0x80, s10, s0, $0xb8;
	[tilespmem:$0x1F800] =	vst v63  }
0xf8: {  	s11 =	stileid.u32;
	_ =	swait.ge [sflag:s29], $0x4000  }
0xf9: {  	s12 =	sshrl.u32 s5, $0x3;
	s3 =	sadd.s32 $0x1, s3;
	[sflag:s29] =	ssyncset.done $0x0  }
0xfa: {  	s11 =	sshll.u32 s11, $0x6;
	p0 =	sne.s32 s3, s25;
	[sflag:s29] =	ssyncadd.s32 $0xFFFFC000  }
.Ltmp3:
0xfb: {  	s11 =	sor.u32 $0x1C03, s11;
	[bflag:$0x0] =	sbarrier.arrive $0xFFFF;
	(pc) =	sbr.rel @p0 .LBB2_1-.Ltmp3, $4  }
0xfc: {  	[hbm:s24], [sflag:s11] =	dma.local [spmem:s12], $0x2780  }
0xfd: {  	_ =	swait.ge [sflag:s29], $0x2780  }
0xfe: {  	[sflag:s29] =	ssyncset.done $0x0  }
0xff: {  	[sflag:s29] =	ssyncadd.s32 $0xFFFFD880  }
0x100: {  	_ =	sfence.sel $0x180000  }
0x101: {  	[bflag:$0x0] =	sbarrier.arrive $0xFFFF  }
0x102: {  	_ =	strace $0x9000004D  }
0x103: {  	s0 =	stileid.u32;
	[bflag:$0x2] =	sbarrier.arrive $0xFFFF  }
0x104: {  	p0 =	sne.s32 s0, $0x0;
	s0 =	rddreg [dreg:$0x3]  }
0x105: {  	s0 =	sadd.s32 @!p0 $0x100000, s0  }
0x106: {  	[sflag:s0] =	ssyncadd.tile.s32 @!p0 $0x1;
	_ =	shalt  }
.Lfunc_end2:
_tile_overlayer_lowered:
.L_overlay_start_2:
0x107: {  	(tag) =	ssettag $0x2  }
0x108: {  	s0 =	rddreg [dreg:$0x0];
	s2 =	stileid.u32  }
0x109: {  	s1 =	rddreg [dreg:$0x1];
	p0 =	sne.s32 s2, $0x0  }
0x10a: {  	s3 =	rddreg [dreg:$0x2];
	[bflag:$0x3] =	sbarrier.arrive $0xFFFF;
	s2 =	simm.s32 @!p0 $0x1C03  }
0x10b: {  	[timem:s3], [sflag:s2] =	dma.local @!p0 [hbm:s0], s1  }
0x10c: {  	s0 =	simm.s32 @!p0 $0x3  }
0x10d: {  	_ =	swait.ge @!p0 [sflag:s0], s1  }
0x10e: {  	s1 =	ssub.s32 @!p0 $0x0, s1;
	[sflag:s0] =	ssyncset.done @!p0 $0x0  }
0x10f: {  	[sflag:s0] =	ssyncadd.s32 @!p0 s1  }
0x110: {  	[bflag:$0x3] =	sbarrier.arrive $0xFFFF  }
0x111: {  	_ =	shalt  }

// kernel: kernel.9.cloned.1.call-start
scs
__scs_entry_jumppad:
0x0: {  	(pc) =	sbr.rel $0x88, $3  }
0x1: {  	(tag) =	ssettag $0x0;
	lr =	simm.s32 $0x1  }
0x2: {  	[smem:$0x3F9B] =	sst lr;
	_ =	strace $0xD0000000  }
0x3: {  	_ = 	snop  }
0x4: {  	_ = 	snop  }
0x5: {  	_ = 	snop  }
0x6: {  	_ = 	snop  }
0x7: {  	_ = 	snop  }
__scs_overlays_trampoline_lowered:
0x8: {  	[smem:$0x3FAA] =	sst s0  }
0x9: {  	[smem:$0x3FAB] =	sst s1  }
0xa: {  	[smem:$0x3FAC] =	sst s2  }
0xb: {  	[smem:$0x3FAD] =	sst s3  }
0xc: {  	[smem:$0x3FAE] =	sst s4  }
0xd: {  	[smem:$0x3FAF] =	sst s5  }
0xe: {  	[smem:$0x3FB0] =	sst s6  }
0xf: {  	[smem:$0x3FB1] =	sst s7  }
0x10: {  	[smem:$0x3FB2] =	sst s8  }
0x11: {  	[smem:$0x3FB3] =	sst s9;
	s0 =	simm.s32 @!p0 $0x0  }
0x12: {  	s1 =	sld [smem:$0x3F99];
	s0 =	simm.s32 @p0 $0x1  }
0x13: {  	[smem:$0x3FB4] =	sst s0;
	s0 =	simm.s32 @!p1 $0x0  }
0x14: {  	s2 =	sld [smem:$0x3F98];
	s0 =	simm.s32 @p1 $0x1  }
0x15: {  	[smem:$0x3FB5] =	sst s0;
	s0 =	simm.s32 @!p2 $0x0  }
0x16: {  	s3 =	sld [smem:$0x3FDB];
	s0 =	simm.s32 @p2 $0x1  }
0x17: {  	s4 =	simm.s32 $0x1BF5;
	[smem:$0x3FB7] =	sst s0  }
0x18: {  	s0 =	sld [smem:$0x3F9A];
	_ =	swait.ge [sflag:s4], $0x0  }
0x19: {  	s7 =	sld [smem:$0x3F9B]  }
0x1a: {  	s8 =	sadd.s32 $0xFFFFE003, lr  }
0x1b: {  	s9 =	sadd.s32 $0xFFFFFEF7, lr;
	s5 =	simm.s32 $0xFFFFFFFF;
	p2 =	slt.u32 s8, $0xFFFFF086  }
0x1c: {  	p1 =	slt.u32 s9, $0xF7A;
	s5 =	simm.s32 @!p2 $0x0  }
0x1d: {  	s5 =	simm.s32 @p1 $0x1;
	p0 =	seq.s32 s7, s2  }
0x1e: {  	s7 =	smul.u32 @!p0 $0xF7A, s2;
	p2 =	seq.s32 @!p0 s5, $0x0  }
0x1f: {  	s9 =	smul.u32 $0xF7A, s1;
	s8 =	simm.s32 @!p0 $0x1BF5;
	p2 =	por !p2, p0  }
0x20: {  	[sflag:s8] =	ssyncset.s32 @!p0 $0xFFFFF086;
	s6 =	sadd.s32 @!p0 s3, s7;
	s7 =	simm.s32 @!p0 $0x108  }
0x21: {  	s3 =	sadd.s32 s3, s9;
	s6 =	sadd.s32 @!p0 $0x88, s6;
	s7 =	simm.s32 @p2 $0x1082  }
0x22: {  	[simem:s7], [sflag:s8] =	dma.local @!p0 [hbm:s6], $0xF7A  }
0x23: {  	s9 =	sor.u32 $0xD0000000, s2;
	s6 =	simm.s32 $0x108;
	_ =	swait.ge @!p0 [sflag:s8], $0x0  }
0x24: {  	s3 =	sadd.s32 $0x88, s3;
	s6 =	simm.s32 @!p1 $0x1082;
	[sflag:s4] =	ssyncset.s32 $0xFFFFF086  }
0x25: {  	[simem:s6], [sflag:s4] =	dma.local [hbm:s3], $0xF7A  }
0x26: {  	[smem:$0x3F9B] =	sst s1;
	(tag) =	ssettag s2;
	_ =	strace s9  }
0x27: {  	s1 =	sld [smem:$0x3FAB]  }
0x28: {  	s2 =	sld [smem:$0x3FAC]  }
0x29: {  	s4 =	sld [smem:$0x3FAE]  }
0x2a: {  	p0 =	seq.s32 s5, $0x0;
	s5 =	sld [smem:$0x3FAF]  }
0x2b: {  	s6 =	sld [smem:$0x3FB0]  }
0x2c: {  	s7 =	sld [smem:$0x3FB1]  }
0x2d: {  	s3 =	simm.s32 $0x108;
	s8 =	sld [smem:$0x3FB2]  }
0x2e: {  	s3 =	simm.s32 @!p0 $0x1082;
	s9 =	sld [smem:$0x3FB3]  }
0x2f: {  	lr =	sadd.s32 s0, s3;
	s0 =	sld [smem:$0x3FAA]  }
0x30: {  	s3 =	sld [smem:$0x3FAD]  }
0x31: {  	[smem:$0x3FB6] =	sst s10  }
0x32: {  	s10 =	sld [smem:$0x3FB4];
	_ =	sdelay $0x3  }
0x33: {  	p0 =	seq.s32 s10, $0x1;
	s10 =	sld [smem:$0x3FB6];
	_ =	sdelay $0x3  }
0x34: {  	[smem:$0x3FB6] =	sst s10  }
0x35: {  	s10 =	sld [smem:$0x3FB5];
	_ =	sdelay $0x3  }
0x36: {  	p1 =	seq.s32 s10, $0x1;
	s10 =	sld [smem:$0x3FB6];
	_ =	sdelay $0x3  }
0x37: {  	[smem:$0x3FB6] =	sst s10  }
0x38: {  	s10 =	sld [smem:$0x3FB7]  }
0x39: {  	_ = 	snop;
	(pc) =	sbr.ind lr, $3  }
0x3a: {  	_ = 	snop  }
0x3b: {  	_ = 	snop  }
0x3c: {  	p2 =	seq.s32 s10, $0x1;
	s10 =	sld [smem:$0x3FB6]  }
0x3d: {  	_ =	shalt  }
0x3e: {  	_ =	shalt  }
0x3f: {  	_ =	shalt  }
0x40: {  	_ =	shalt  }
0x41: {  	_ =	shalt  }
0x42: {  	_ =	shalt  }
0x43: {  	_ =	shalt  }
0x44: {  	_ =	shalt  }
0x45: {  	_ =	shalt  }
0x46: {  	_ =	shalt  }
0x47: {  	_ =	shalt  }
0x48: {  	_ =	shalt  }
0x49: {  	_ =	shalt  }
0x4a: {  	_ =	shalt  }
0x4b: {  	_ =	shalt  }
0x4c: {  	_ =	shalt  }
0x4d: {  	_ =	shalt  }
0x4e: {  	_ =	shalt  }
0x4f: {  	_ =	shalt  }
0x50: {  	_ =	shalt  }
0x51: {  	_ =	shalt  }
0x52: {  	_ =	shalt  }
0x53: {  	_ =	shalt  }
0x54: {  	_ =	shalt  }
0x55: {  	_ =	shalt  }
0x56: {  	_ =	shalt  }
0x57: {  	_ =	shalt  }
0x58: {  	_ =	shalt  }
0x59: {  	_ =	shalt  }
0x5a: {  	_ =	shalt  }
0x5b: {  	_ =	shalt  }
0x5c: {  	_ =	shalt  }
0x5d: {  	_ =	shalt  }
0x5e: {  	_ =	shalt  }
0x5f: {  	_ =	shalt  }
0x60: {  	_ =	shalt  }
0x61: {  	_ =	shalt  }
0x62: {  	_ =	shalt  }
0x63: {  	_ =	shalt  }
0x64: {  	_ =	shalt  }
0x65: {  	_ =	shalt  }
0x66: {  	_ =	shalt  }
0x67: {  	_ =	shalt  }
0x68: {  	_ =	shalt  }
0x69: {  	_ =	shalt  }
0x6a: {  	_ =	shalt  }
0x6b: {  	_ =	shalt  }
0x6c: {  	_ =	shalt  }
0x6d: {  	_ =	shalt  }
0x6e: {  	_ =	shalt  }
0x6f: {  	_ =	shalt  }
0x70: {  	_ =	shalt  }
0x71: {  	_ =	shalt  }
0x72: {  	_ =	shalt  }
0x73: {  	_ =	shalt  }
0x74: {  	_ =	shalt  }
0x75: {  	_ =	shalt  }
0x76: {  	_ =	shalt  }
0x77: {  	_ =	shalt  }
0x78: {  	_ =	shalt  }
0x79: {  	_ =	shalt  }
0x7a: {  	_ =	shalt  }
0x7b: {  	_ =	shalt  }
0x7c: {  	_ =	shalt  }
0x7d: {  	_ =	shalt  }
0x7e: {  	_ =	shalt  }
0x7f: {  	_ =	shalt  }
0x80: {  	_ =	shalt  }
0x81: {  	_ =	shalt  }
0x82: {  	_ =	shalt  }
0x83: {  	_ =	shalt  }
0x84: {  	_ =	shalt  }
0x85: {  	_ =	shalt  }
0x86: {  	_ =	shalt  }
0x87: {  	_ =	shalt  }
.Lfunc_end0:
.L_simem_size_0:
called_computation_lowered:
.L_overlay_start_0:
0x88: {  	s2 =	sld [smem:$0x3FD9]  }
0x89: {  	s3 =	sld [smem:$0x3FFE];
	_ =	sdelay $0x1  }
0x8a: {  	s1 =	srdreg.scid  }
0x8b: {  	s0 =	sand.u32 $0x1, s1  }
0x8c: {  	s17 =	sshll.u32 s0, $0xA;
	s2 =	sadd.s32 s3, s2  }
0x8d: {  	s2 =	sadd.s32 s2, s17  }
0x8e: {  	[smem:$0x3FC2] =	sst s2  }
0x8f: {  	_ = 	snop  }
0x90: {  	s2 =	sld [smem:$0x3FD0];
	(tm) =	ssettm $0x1  }
0x91: {  	s18 =	sld [smem:$0x3FFB];
	_ =	sdelay $0x3  }
0x92: {  	_ =	strace s18  }
0x93: {  	s3 =	sld [smem:$0x3FFC];
	_ =	sdelay $0x3  }
0x94: {  	_ =	strace s3  }
0x95: {  	s3 =	sld [smem:$0x3FFD];
	_ =	sdelay $0x3  }
0x96: {  	_ =	strace s3  }
0x97: {  	_ =	strace $0x8FFFFFFF  }
0x98: {  	s19 =	sld [smem:$0x3FDB];
	_ =	sdelay $0x1  }
0x99: {  	s4 =	simm.s32 $_scs_section_size  }
0x9a: {  	s5 =	simm.s32 $_size__tile_overlayer_lowered;
	s6 =	simm.s32 $_tile_overlayer_lowered  }
0x9b: {  	s22 =	simm.s32 $0x1BFF;
	s21 =	sshll.u32 s6, $0x1;
	s3 =	sadd.s32 s4, s19  }
0x9c: {  	s7 =	simm.s32 $0x0;
	s20 =	sshll.u32 s5, $0x1;
	s5 =	sadd.s32 s21, s3  }
0x9d: {  	[timem:s7], [sflag:s22] =	dma.local [hbm:s5], s20  }
0x9e: {  	_ =	swait.ge [sflag:s22], s20  }
0x9f: {  	s4 =	ssub.s32 $0x0, s20;
	[sflag:s22] =	ssyncset.done $0x0  }
0xa0: {  	[sflag:s22] =	ssyncadd.s32 s4;
	_ =	sdelay $0x1  }
0xa1: {  	s23 =	simm.s32 $0x1B8B  }
0xa2: {  	_ =	swait.ge [sflag:s23], $0x1  }
0xa3: {  	[sflag:s23] =	ssyncset.done $0x0  }
0xa4: {  	s25 =	simm.s32 $0x1B8E;
	s24 =	sld [smem:$0x3FFE];
	[sflag:s23] =	ssyncadd.s32 $0xFFFFFFFF  }
0xa5: {  	s26 =	simm.s32 $execute0_lowered;
	[smem:$0x3FD2] =	sst s25  }
0xa6: {  	s5 =	sshll.u32 s26, $0x1;
	_ =	strace $0x80000046;
	[dreg:$0x1] =	wrdreg $0xFFFFFFFF  }
0xa7: {  	s28 =	simm.s32 $_size_execute0_lowered;
	s3 =	sadd.s32 s3, s5;
	[dreg:$0x0] =	wrdreg $0x0  }
0xa8: {  	s5 =	sshll.u32 s28, $0x1;
	[dreg:$0x2] =	wrdreg s3  }
0xa9: {  	[dreg:$0x3] =	wrdreg s5  }
0xaa: {  	[dreg:$0x4] =	wrdreg $0xC0  }
0xab: {  	_ =	task [dreg:s7], $0x5FFFF  }
0xac: {  	[dreg:$0x1] =	wrdreg $0xFFFFFFFF  }
0xad: {  	[dreg:$0x0] =	wrdreg $0x60  }
0xae: {  	[dreg:$0x2] =	wrdreg s2  }
0xaf: {  	[dreg:$0x3] =	wrdreg s24  }
0xb0: {  	[dreg:$0x4] =	wrdreg $0x7C000  }
0xb1: {  	[dreg:$0x5] =	wrdreg $0x9  }
0xb2: {  	_ =	task.clear_ibuf [dreg:s7], $0x6FFFF;
	_ =	strace $0x90000046  }
0xb3: {  	s29 =	simm.s32 $0x9;
	_ =	strace $0x80000048  }
0xb4: {  	_ =	swait.ge [sflag:s29], $0x1  }
0xb5: {  	[sflag:s29] =	ssyncadd.s32 $0xFFFFFFFF  }
0xb6: {  	_ =	strace $0x90000048  }
0xb7: {  	_ =	sfence  }
0xb8: {  	s30 =	sld [smem:$0x0];
	_ =	sdelay $0x2  }
0xb9: {  	s31 =	sshll.u32 s1, $0xD;
	s1 =	sshrl.u32 s1, $0x2  }
0xba: {  	s3 =	sand.u32 $0x4000, s31;
	s1 =	sadd.s32 s1, s30  }
0xbb: {  	s0 =	sor.u32 s3, s0;
	s1 =	sshll.u32 s1, $0x11  }
0xbc: {  	s0 =	sor.u32 s1, s0  }
0xbd: {  	s0 =	sadd.s32 $0x8F2B, s0  }
0xbe: {  	[sflag:s0] =	ssyncadd.remote.s32 $0x1  }
0xbf: {  	_ =	sfence.sel $0xFFFF  }
0xc0: {  	[dreg:$0x0] =	wrdreg $0xFFFFFFFF;
	(pc) =	sbr.abs _section_cstart, $3  }
0xc1: {  	[dreg:$0x1] =	wrdreg $0xFFFFFFFF  }
0xc2: {  	_ =	task.clear_ibuf [dreg:s7], $0x2FFFF;
	_ =	strace $0x9FFFFFFF  }
0xc3: {  	(tm) =	ssettm $0x7FFFFFFF  }
tec
execute0_lowered:
.L_overlay_start_1:
0x0: {  	(tag) =	ssettag $0x1  }
0x1: {  	s20 =	rddreg [dreg:$0x0]  }
0x2: {  	s0 =	srdreg.scid;
	s4 =	rddreg [dreg:$0x1]  }
0x3: {  	s24 =	stileid.u32;
	s2 =	rddreg [dreg:$0x2]  }
0x4: {  	s3 =	simm.s32 $0x0;
	s28 =	simm.s32 $0x2800;
	s7 =	smul.u32 $0x13C00, s24  }
0x5: {  	s5 =	sand.u32 $0x1, s0;
	[smem:$0x7FF] =	sst s3;
	s25 =	smul.u32 $0x4F000, s24  }
0x6: {  	s29 =	simm.s32 $0x1;
	s6 =	smul.u32 $0x13C000, s5;
	_ =	strace $0x80000047  }
0x7: {  	s26 =	ssub.s32 $0x2, s5;
	s5 =	sshll.u32 s5, $0x4;
	s30 =	sshrl.u32 s25, $0x2  }
0x8: {  	s31 =	sshrl.u32 s26, $0x1;
	s17 =	sor.u32 s24, s5;
	s24 =	simm.s32 $0x3  }
0x9: {  	s25 =	simm.s32 $0x2;
	s6 =	sadd.s32 s7, s6;
	s22 =	ssub.s32 s26, s31  }
0xa: {  	s23 =	smul.u32 $0x500, s17;
	s26 =	simm.s32 $0x80;
	s6 =	sshrl.u32 s6, $0x3  }
0xb: {  	s22 =	smax.u32 s22, $0x1;
	s21 =	sadd.s32 s6, s4;
	s4 =	sadd.s32 s30, s2  }
0xc: {  	s20 =	sadd.s32 s20, s23;
	s23 =	simm.s32 $0x6800;
	s5 =	sadd.s32 $0x1400, s4  }
0xd: {  	s6 =	sadd.s32 $0x2800, s4;
	s7 =	sadd.s32 $0x3C00, s4;
	s8 =	sadd.s32 $0x5000, s4  }
0xe: {  	s9 =	sadd.s32 $0x6400, s4;
	s10 =	sadd.s32 $0x7800, s4;
	s11 =	sadd.s32 $0x8C00, s4  }
0xf: {  	s12 =	sadd.s32 $0xA000, s4;
	s13 =	sadd.s32 $0xB400, s4;
	s14 =	sadd.s32 $0xC800, s4  }
0x10: {  	s15 =	sadd.s32 $0xDC00, s4;
	s16 =	sadd.s32 $0xF000, s4;
	s17 =	sadd.s32 $0x10400, s4  }
0x11: {  	v0 =	vimm.f32 $1.000000000e+00;
	v1 =	vimm.f32 $0.0e+00;
	s18 =	sadd.s32 $0x11800, s4;
	s19 =	sadd.s32 $0x12C00, s4;
	s21 =	sadd.s32 $0xC800, s21  }
.LBB2_1:
0x12: {  	s30 =	simm.s32 $0x0;
	s31 =	simm.s32 $0x200  }
.LBB2_2:
0x13: {  	p0 =	sne.s32 s31, $0xFE00;
	[tilespmem:s30+$0x2870] =	vst v0  }
0x14: {  	[tilespmem:s30+$0x2800] =	vst v0  }
0x15: {  	[tilespmem:s30+$0x2810] =	vst v0  }
.Ltmp0:
0x16: {  	[tilespmem:s30+$0x2820] =	vst v0;
	(pc) =	sbr.rel @p0 .LBB2_2-.Ltmp0, $4  }
0x17: {  	[tilespmem:s30+$0x2830] =	vst v0  }
0x18: {  	[tilespmem:s30+$0x2840] =	vst v0  }
0x19: {  	[tilespmem:s30+$0x2850] =	vst v0  }
0x1a: {  	[tilespmem:s30+$0x2860] =	vst v0;
	s30 =	sshra.s32 s31, $0x2;
	s31 =	sadd.s32 $0x200, s31  }
0x1b: {  	[tilespmem:s30+$0x2870] =	vst v0  }
0x1c: {  	[tilespmem:s30+$0x2800] =	vst v0  }
0x1d: {  	[tilespmem:s30+$0x2810] =	vst v0  }
0x1e: {  	[tilespmem:s30+$0x2820] =	vst v0  }
0x1f: {  	[tilespmem:s30+$0x2830] =	vst v0  }
0x20: {  	[tilespmem:s30+$0x2840] =	vst v0  }
0x21: {  	[tilespmem:s30+$0x2850] =	vst v0  }
0x22: {  	[tilespmem:s30+$0x2860] =	vst v0;
	s30 =	simm.s32 $0x0;
	s31 =	simm.s32 $0x200  }
.LBB2_4:
0x23: {  	p0 =	sne.s32 s31, $0x4E00;
	[tilespmem:s30+$0x6870] =	vst v1  }
0x24: {  	[tilespmem:s30+$0x6800] =	vst v1  }
0x25: {  	[tilespmem:s30+$0x6810] =	vst v1  }
.Ltmp1:
0x26: {  	[tilespmem:s30+$0x6820] =	vst v1;
	(pc) =	sbr.rel @p0 .LBB2_4-.Ltmp1, $4  }
0x27: {  	[tilespmem:s30+$0x6830] =	vst v1  }
0x28: {  	[tilespmem:s30+$0x6840] =	vst v1  }
0x29: {  	[tilespmem:s30+$0x6850] =	vst v1  }
0x2a: {  	[tilespmem:s30+$0x6860] =	vst v1;
	s30 =	sshra.s32 s31, $0x2;
	s31 =	sadd.s32 $0x200, s31  }
0x2b: {  	[tilespmem:s30+$0x6870] =	vst v1  }
0x2c: {  	[tilespmem:s30+$0x6800] =	vst v1  }
0x2d: {  	[tilespmem:s30+$0x6810] =	vst v1  }
0x2e: {  	[tilespmem:s30+$0x6820] =	vst v1  }
0x2f: {  	[tilespmem:s30+$0x6830] =	vst v1  }
0x30: {  	[tilespmem:s30+$0x6840] =	vst v1  }
0x31: {  	[tilespmem:s30+$0x6850] =	vst v1  }
0x32: {  	[tilespmem:s30+$0x6860] =	vst v1  }
0x33: {  	[spmem:s4] =	stream.linear.scatter [tilespmem:s23], [sflag:$0x2], $0x1400, $0x38;
	[tilespmem:$0x1B800] =	vst v63  }
0x34: {  	_ = 	snop  }
0x35: {  	[spmem:s5] =	stream.linear.scatter [tilespmem:s23], [sflag:$0x2], $0x1400, $0x38;
	[tilespmem:$0x1B800] =	vst v63  }
0x36: {  	_ = 	snop  }
0x37: {  	[spmem:s6] =	stream.linear.scatter [tilespmem:s23], [sflag:$0x2], $0x1400, $0x38;
	[tilespmem:$0x1B800] =	vst v63  }
0x38: {  	_ = 	snop  }
0x39: {  	[spmem:s7] =	stream.linear.scatter [tilespmem:s23], [sflag:$0x2], $0x1400, $0x38;
	[tilespmem:$0x1B800] =	vst v63  }
0x3a: {  	_ = 	snop  }
0x3b: {  	[spmem:s8] =	stream.linear.scatter [tilespmem:s23], [sflag:$0x2], $0x1400, $0x38;
	[tilespmem:$0x1B800] =	vst v63  }
0x3c: {  	_ = 	snop  }
0x3d: {  	[spmem:s9] =	stream.linear.scatter [tilespmem:s23], [sflag:$0x2], $0x1400, $0x38;
	[tilespmem:$0x1B800] =	vst v63  }
0x3e: {  	_ = 	snop  }
0x3f: {  	[spmem:s10] =	stream.linear.scatter [tilespmem:s23], [sflag:$0x2], $0x1400, $0x38;
	[tilespmem:$0x1B800] =	vst v63  }
0x40: {  	_ = 	snop  }
0x41: {  	[spmem:s11] =	stream.linear.scatter [tilespmem:s23], [sflag:$0x2], $0x1400, $0x38;
	[tilespmem:$0x1B800] =	vst v63  }
0x42: {  	_ = 	snop  }
0x43: {  	[spmem:s12] =	stream.linear.scatter [tilespmem:s23], [sflag:$0x2], $0x1400, $0x38;
	[tilespmem:$0x1B800] =	vst v63  }
0x44: {  	_ = 	snop  }
0x45: {  	[spmem:s13] =	stream.linear.scatter [tilespmem:s23], [sflag:$0x2], $0x1400, $0x38;
	[tilespmem:$0x1B800] =	vst v63  }
0x46: {  	_ = 	snop  }
0x47: {  	[spmem:s14] =	stream.linear.scatter [tilespmem:s23], [sflag:$0x2], $0x1400, $0x38;
	[tilespmem:$0x1B800] =	vst v63  }
0x48: {  	_ = 	snop  }
0x49: {  	[spmem:s15] =	stream.linear.scatter [tilespmem:s23], [sflag:$0x2], $0x1400, $0x38;
	[tilespmem:$0x1B800] =	vst v63  }
0x4a: {  	_ = 	snop  }
0x4b: {  	[spmem:s16] =	stream.linear.scatter [tilespmem:s23], [sflag:$0x2], $0x1400, $0x38;
	[tilespmem:$0x1B800] =	vst v63  }
0x4c: {  	_ = 	snop  }
0x4d: {  	[spmem:s17] =	stream.linear.scatter [tilespmem:s23], [sflag:$0x2], $0x1400, $0x38;
	[tilespmem:$0x1B800] =	vst v63  }
0x4e: {  	_ = 	snop  }
0x4f: {  	[spmem:s18] =	stream.linear.scatter [tilespmem:s23], [sflag:$0x2], $0x1400, $0x38;
	[tilespmem:$0x1B800] =	vst v63  }
0x50: {  	_ = 	snop  }
0x51: {  	[spmem:s19] =	stream.linear.scatter [tilespmem:s23], [sflag:$0x2], $0x1000, $0x38;
	[tilespmem:$0x1B800] =	vst v63  }
0x52: {  	s30 =	simm.s32 $0x0  }
0x53: {  	[tilespmem:s30], [sflag:$0x3] =	stream.linear.gather [hbm4b:s20+s30], $0x2800, $0x38;
	[tilespmem:$0x1B800] =	vst v63  }
0x54: {  	_ =	swait.ge [sflag:s24], $0x2800  }
0x55: {  	[sflag:s24] =	ssyncset.done $0x0  }
0x56: {  	[sflag:s24] =	ssyncadd.s32 $0xFFFFD800  }
0x57: {  	_ =	swait.ge [sflag:s25], $0x1400  }
0x58: {  	[sflag:s25] =	ssyncset.done $0x0  }
0x59: {  	[sflag:s25] =	ssyncadd.s32 $0xFFFFEC00  }
0x5a: {  	_ =	swait.ge [sflag:s25], $0x1400  }
0x5b: {  	[sflag:s25] =	ssyncset.done $0x0  }
0x5c: {  	[sflag:s25] =	ssyncadd.s32 $0xFFFFEC00  }
0x5d: {  	_ =	swait.ge [sflag:s25], $0x1400  }
0x5e: {  	[sflag:s25] =	ssyncset.done $0x0  }
0x5f: {  	[sflag:s25] =	ssyncadd.s32 $0xFFFFEC00  }
0x60: {  	_ =	swait.ge [sflag:s25], $0x1400  }
0x61: {  	[sflag:s25] =	ssyncset.done $0x0  }
0x62: {  	[sflag:s25] =	ssyncadd.s32 $0xFFFFEC00  }
0x63: {  	_ =	swait.ge [sflag:s25], $0x1400  }
0x64: {  	[sflag:s25] =	ssyncset.done $0x0  }
0x65: {  	[sflag:s25] =	ssyncadd.s32 $0xFFFFEC00  }
0x66: {  	_ =	swait.ge [sflag:s25], $0x1400  }
0x67: {  	[sflag:s25] =	ssyncset.done $0x0  }
0x68: {  	[sflag:s25] =	ssyncadd.s32 $0xFFFFEC00  }
0x69: {  	_ =	swait.ge [sflag:s25], $0x1400  }
0x6a: {  	[sflag:s25] =	ssyncset.done $0x0  }
0x6b: {  	[sflag:s25] =	ssyncadd.s32 $0xFFFFEC00  }
0x6c: {  	_ =	swait.ge [sflag:s25], $0x1400  }
0x6d: {  	[sflag:s25] =	ssyncset.done $0x0  }
0x6e: {  	[sflag:s25] =	ssyncadd.s32 $0xFFFFEC00  }
0x6f: {  	_ =	swait.ge [sflag:s25], $0x1400  }
0x70: {  	[sflag:s25] =	ssyncset.done $0x0  }
0x71: {  	[sflag:s25] =	ssyncadd.s32 $0xFFFFEC00  }
0x72: {  	_ =	swait.ge [sflag:s25], $0x1400  }
0x73: {  	[sflag:s25] =	ssyncset.done $0x0  }
0x74: {  	[sflag:s25] =	ssyncadd.s32 $0xFFFFEC00  }
0x75: {  	_ =	swait.ge [sflag:s25], $0x1400  }
0x76: {  	[sflag:s25] =	ssyncset.done $0x0  }
0x77: {  	[sflag:s25] =	ssyncadd.s32 $0xFFFFEC00  }
0x78: {  	_ =	swait.ge [sflag:s25], $0x1400  }
0x79: {  	[sflag:s25] =	ssyncset.done $0x0  }
0x7a: {  	[sflag:s25] =	ssyncadd.s32 $0xFFFFEC00  }
0x7b: {  	_ =	swait.ge [sflag:s25], $0x1400  }
0x7c: {  	[sflag:s25] =	ssyncset.done $0x0  }
0x7d: {  	[sflag:s25] =	ssyncadd.s32 $0xFFFFEC00  }
0x7e: {  	_ =	swait.ge [sflag:s25], $0x1400  }
0x7f: {  	[sflag:s25] =	ssyncset.done $0x0  }
0x80: {  	[sflag:s25] =	ssyncadd.s32 $0xFFFFEC00  }
0x81: {  	_ =	swait.ge [sflag:s25], $0x1400  }
0x82: {  	[sflag:s25] =	ssyncset.done $0x0  }
0x83: {  	[sflag:s25] =	ssyncadd.s32 $0xFFFFEC00  }
0x84: {  	_ =	swait.ge [sflag:s25], $0x1000  }
0x85: {  	[sflag:s25] =	ssyncset.done $0x0  }
0x86: {  	[sflag:s25] =	ssyncadd.s32 $0xFFFFF000  }
0x87: {  	s30 =	simm.s32 $0x0;
	[bflag:$0x0] =	sbarrier.arrive $0xFFFF  }
0x88: {  	[spmem:s2] =	stream.indirect.scatter.add.f32 [tilespmem:s28], [sflag:$0x1], $0x80, s30, s26, $0xb8;
	[tilespmem:$0x1B800] =	vst v63  }
0x89: {  	s30 =	simm.s32 $0x80  }
0x8a: {  	[spmem:s2] =	stream.indirect.scatter.add.f32 [tilespmem:s28], [sflag:$0x2], $0x80, s30, s26, $0xb8;
	[tilespmem:$0x1B800] =	vst v63  }
0x8b: {  	_ =	swait.ge [sflag:s29], $0x4000  }
0x8c: {  	[sflag:s29] =	ssyncset.done $0x0  }
0x8d: {  	[sflag:s29] =	ssyncadd.s32 $0xFFFFC000  }
0x8e: {  	_ =	swait.ge [sflag:s25], $0x4000  }
0x8f: {  	s31 =	simm.s32 $0x800;
	s30 =	simm.s32 $0x400;
	[sflag:s25] =	ssyncset.done $0x0  }
.LBB2_6:
0x90: {  	s1 =	sshra.s32 s30, $0x2  }
0x91: {  	[sflag:s25] =	ssyncadd.s32 $0xFFFFC000;
	s30 =	smov.u32 s31;
	s0 =	sadd.s32 $0x400, s31  }
0x92: {  	[spmem:s2] =	stream.indirect.scatter.add.f32 [tilespmem:s28], [sflag:$0x1], $0x80, s1, s26, $0xb8;
	[tilespmem:$0x1B800] =	vst v63  }
0x93: {  	p0 =	sne.s32 s31, $0x9C00;
	s1 =	sadd.s32 $0x80, s1  }
0x94: {  	[spmem:s2] =	stream.indirect.scatter.add.f32 [tilespmem:s28], [sflag:$0x2], $0x80, s1, s26, $0xb8;
	[tilespmem:$0x1B800] =	vst v63  }
.Ltmp2:
0x95: {  	_ =	swait.ge [sflag:s29], $0x4000;
	(pc) =	sbr.rel @p0 .LBB2_6-.Ltmp2, $4  }
0x96: {  	[sflag:s29] =	ssyncset.done $0x0  }
0x97: {  	[sflag:s29] =	ssyncadd.s32 $0xFFFFC000  }
0x98: {  	_ =	swait.ge [sflag:s25], $0x4000  }
0x99: {  	s31 =	smov.u32 s0;
	[sflag:s25] =	ssyncset.done $0x0  }
0x9a: {  	s0 =	sshra.s32 s30, $0x2;
	[sflag:s25] =	ssyncadd.s32 $0xFFFFC000  }
0x9b: {  	[spmem:s2] =	stream.indirect.scatter.add.f32 [tilespmem:s28], [sflag:$0x1], $0x80, s0, s26, $0xb8;
	[tilespmem:$0x1B800] =	vst v63  }
0x9c: {  	s0 =	sadd.s32 $0x80, s0  }
0x9d: {  	[spmem:s2] =	stream.indirect.scatter.add.f32 [tilespmem:s28], [sflag:$0x2], $0x80, s0, s26, $0xb8;
	[tilespmem:$0x1B800] =	vst v63  }
0x9e: {  	_ =	swait.ge [sflag:s29], $0x4000  }
0x9f: {  	[sflag:s29] =	ssyncset.done $0x0  }
0xa0: {  	[sflag:s29] =	ssyncadd.s32 $0xFFFFC000  }
0xa1: {  	s31 =	stileid.u32;
	_ =	swait.ge [sflag:s25], $0x4000  }
0xa2: {  	s1 =	sshrl.u32 s4, $0x3;
	s3 =	sadd.s32 $0x1, s3;
	[sflag:s25] =	ssyncset.done $0x0  }
0xa3: {  	p0 =	sne.s32 s3, s22;
	s0 =	sshll.u32 s31, $0x6;
	[sflag:s25] =	ssyncadd.s32 $0xFFFFC000  }
.Ltmp3:
0xa4: {  	s0 =	sor.u32 $0x1C03, s0;
	[bflag:$0x0] =	sbarrier.arrive $0xFFFF;
	(pc) =	sbr.rel @p0 .LBB2_1-.Ltmp3, $4  }
0xa5: {  	[hbm:s21], [sflag:s0] =	dma.local [spmem:s1], $0x2780  }
0xa6: {  	_ =	swait.ge [sflag:s24], $0x2780  }
0xa7: {  	[sflag:s24] =	ssyncset.done $0x0  }
0xa8: {  	[sflag:s24] =	ssyncadd.s32 $0xFFFFD880  }
0xa9: {  	_ =	sfence.sel $0x180000  }
0xaa: {  	[bflag:$0x0] =	sbarrier.arrive $0xFFFF  }
0xab: {  	_ =	strace $0x90000047  }
0xac: {  	s0 =	stileid.u32;
	[bflag:$0x2] =	sbarrier.arrive $0xFFFF  }
0xad: {  	p0 =	sne.s32 s0, $0x0;
	s0 =	rddreg [dreg:$0x3]  }
0xae: {  	s0 =	sadd.s32 @!p0 $0x100000, s0  }
0xaf: {  	[sflag:s0] =	ssyncadd.tile.s32 @!p0 $0x1;
	_ =	shalt  }
.Lfunc_end2:
_tile_overlayer_lowered:
.L_overlay_start_2:
0xb0: {  	(tag) =	ssettag $0x2  }
0xb1: {  	s0 =	rddreg [dreg:$0x0];
	s2 =	stileid.u32  }
0xb2: {  	s1 =	rddreg [dreg:$0x1];
	p0 =	sne.s32 s2, $0x0  }
0xb3: {  	s3 =	rddreg [dreg:$0x2];
	[bflag:$0x3] =	sbarrier.arrive $0xFFFF;
	s2 =	simm.s32 @!p0 $0x1C03  }
0xb4: {  	[timem:s3], [sflag:s2] =	dma.local @!p0 [hbm:s0], s1  }
0xb5: {  	s0 =	simm.s32 @!p0 $0x3  }
0xb6: {  	_ =	swait.ge @!p0 [sflag:s0], s1  }
0xb7: {  	s1 =	ssub.s32 @!p0 $0x0, s1;
	[sflag:s0] =	ssyncset.done @!p0 $0x0  }
0xb8: {  	[sflag:s0] =	ssyncadd.s32 @!p0 s1  }
0xb9: {  	[bflag:$0x3] =	sbarrier.arrive $0xFFFF  }
0xba: {  	_ =	shalt  }

</sc_bundles>
